<compile_context>
chip_gen: v7x
topology: tpu7x:2x2x1
jax: 0.10.2.dev20260603
libtpu: 0.0.44.dev20260713+nightly
codegen_flags: <defaults>
</compile_context>

<pallas_src>
import functools

import jax
import jax.numpy as jnp
from jax import lax
from jax.experimental import pallas as pl
from jax.experimental.pallas import tpu as pltpu
from jax.experimental.pallas import tpu_sc as plsc

B = 16384
F = 16
NC = 2
NS = 16
NW = NC * NS
BPW = B // NW
EC = 16
NCHUNK = BPW // EC
RPK = 8


def _mf_kernel(uj_hbm, ij_hbm, ur_hbm, ir_hbm, user_hbm, item_hbm, out_hbm,
               u_vst, i_vst, u_rem, i_rem, u_rows, i_rows,
               out_v, sem_u, sem_i):
    wid = lax.axis_index("s") * NC + lax.axis_index("c")

    pltpu.sync_copy(uj_hbm.at[wid], u_vst)
    pltpu.sync_copy(ij_hbm.at[wid], i_vst)
    pltpu.sync_copy(ur_hbm.at[wid], u_rem)
    pltpu.sync_copy(ir_hbm.at[wid], i_rem)

    lanes = lax.iota(jnp.int32, F)
    lanes8 = lanes * RPK

    def chunk(c, carry):
        uvec = u_vst[pl.ds(c * EC, EC)]
        ivec = i_vst[pl.ds(c * EC, EC)]
        copies = []
        for e in range(EC):
            copies.append(pltpu.async_copy(
                user_hbm.at[uvec[e]],
                u_rows.at[pl.ds(e * RPK, RPK), :], sem_u))
            copies.append(pltpu.async_copy(
                item_hbm.at[ivec[e]],
                i_rows.at[pl.ds(e * RPK, RPK), :], sem_i))
        for cp_ in copies:
            cp_.wait()

        urows16 = lanes8 + u_rem[pl.ds(c * EC, EC)]
        irows16 = lanes8 + i_rem[pl.ds(c * EC, EC)]
        z = jnp.zeros((F,), jnp.int32)
        acc0 = (plsc.load_gather(u_rows, [urows16, z]) *
                plsc.load_gather(i_rows, [irows16, z]))
        acc1 = (plsc.load_gather(u_rows, [urows16, z + 1]) *
                plsc.load_gather(i_rows, [irows16, z + 1]))
        for f in range(2, F, 2):
            acc0 = acc0 + (plsc.load_gather(u_rows, [urows16, z + f]) *
                           plsc.load_gather(i_rows, [irows16, z + f]))
            acc1 = acc1 + (plsc.load_gather(u_rows, [urows16, z + f + 1]) *
                           plsc.load_gather(i_rows, [irows16, z + f + 1]))
        out_v[pl.ds(c * EC, EC)] = acc0 + acc1
        return carry

    lax.fori_loop(0, NCHUNK, chunk, 0)
    pltpu.sync_copy(out_v, out_hbm.at[wid])


@jax.jit
def kernel(u, i, user_emb, item_emb):
    u32 = u.astype(jnp.int32)
    i32 = i.astype(jnp.int32)
    uj8 = (u32 // RPK).reshape(NW, BPW)
    ij8 = (i32 // RPK).reshape(NW, BPW)
    ur = (u32 % RPK).reshape(NW, BPW)
    ir = (i32 % RPK).reshape(NW, BPW)
    user3 = user_emb.reshape(1000000 // RPK, RPK, F)
    item3 = item_emb.reshape(1000000 // RPK, RPK, F)

    mesh = plsc.VectorSubcoreMesh(core_axis_name="c", subcore_axis_name="s")
    cp = pltpu.CompilerParams(
        needs_layout_passes=False, use_tc_tiling_on_sc=True,
        disable_bounds_checks=True)

    k = functools.partial(
        pl.kernel,
        out_type=jax.ShapeDtypeStruct((NW, BPW), jnp.float32),
        mesh=mesh,
        compiler_params=cp,
        scratch_types=[
            pltpu.VMEM((BPW,), jnp.int32),
            pltpu.VMEM((BPW,), jnp.int32),
            pltpu.VMEM((BPW,), jnp.int32),
            pltpu.VMEM((BPW,), jnp.int32),
            pltpu.VMEM((EC * RPK, F), jnp.float32),
            pltpu.VMEM((EC * RPK, F), jnp.float32),
            pltpu.VMEM((BPW,), jnp.float32),
            pltpu.SemaphoreType.DMA,
            pltpu.SemaphoreType.DMA,
        ],
    )(_mf_kernel)
    out = k(uj8, ij8, ur, ir, user3, item3)
    return out.reshape(B)

# --- scband reference (transcript-rebuilt; emitter-appended) ---
"""Pipeline reference for scband-mfmodel-68917045231902 (READ-ONLY COPY).

The authoritative reference and input builder live on the scoring server;
editing this copy changes nothing except your own understanding.
"""

import jax, jax.numpy as jnp
import numpy as np

N_USERS = 1000000
N_ITEMS = 1000000
N_FACTORS = 16
BATCH = 16384

def setup_inputs(seed: int = 0) -> dict:
    key = jax.random.key(seed)
    k_u, k_i, k_ue, k_ie = jax.random.split(key, 4)
    u = jax.random.randint(k_u, (BATCH,), 0, N_USERS, dtype=jnp.int64) if jax.config.jax_enable_x64 else jax.random.randint(k_u, (BATCH,), 0, N_USERS, dtype=jnp.int32)
    i = jax.random.randint(k_i, (BATCH,), 0, N_ITEMS, dtype=jnp.int32)
    # nn.Embedding default init: N(0, 1)
    user_emb = jax.random.normal(k_ue, (N_USERS, N_FACTORS), dtype=jnp.float32)
    item_emb = jax.random.normal(k_ie, (N_ITEMS, N_FACTORS), dtype=jnp.float32)
    return {"u": u, "i": i, "user_emb": user_emb, "item_emb": item_emb}

def reference(u, i, user_emb, item_emb):
    ue = jnp.take(user_emb, u, axis=0)   # [B, F] gather
    ie = jnp.take(item_emb, i, axis=0)   # [B, F] gather
    return (ue * ie).sum(axis=1)         # [B]

if __name__ == "__main__":
    import jax
    _d = setup_inputs()
    print(jax.jit(kernel)(*tuple(_d.values())))

</pallas_src>

<mosaic_0001>
#map = affine_map<(d0, d1) -> (0, 0)>
#map1 = affine_map<(d0, d1) -> (0, 0, 0)>
module attributes {stable_mosaic.version = 14 : i64} {
  func.func @_mf_kernel(%arg0: i32, %arg1: i32, %arg2: memref<32x512xi32, #tpu.memory_space<hbm>>, %arg3: memref<32x512xi32, #tpu.memory_space<hbm>>, %arg4: memref<32x512xi32, #tpu.memory_space<hbm>>, %arg5: memref<32x512xi32, #tpu.memory_space<hbm>>, %arg6: memref<125000x8x16xf32, #tpu.memory_space<hbm>>, %arg7: memref<125000x8x16xf32, #tpu.memory_space<hbm>>, %arg8: memref<32x512xf32, #tpu.memory_space<hbm>>, %arg9: memref<512xi32, #tpu.memory_space<vmem>>, %arg10: memref<512xi32, #tpu.memory_space<vmem>>, %arg11: memref<512xi32, #tpu.memory_space<vmem>>, %arg12: memref<512xi32, #tpu.memory_space<vmem>>, %arg13: memref<128x16xf32, #tpu.memory_space<vmem>>, %arg14: memref<128x16xf32, #tpu.memory_space<vmem>>, %arg15: memref<512xf32, #tpu.memory_space<vmem>>, %arg16: memref<!tpu.dma_semaphore, #tpu.memory_space<semaphore_mem>>, %arg17: memref<!tpu.dma_semaphore, #tpu.memory_space<semaphore_mem>>) attributes {dimension_semantics = [#tpu.dimension_semantics<core_parallel>, #tpu.dimension_semantics<subcore_parallel>], iteration_bounds = array<i64: 2, 16>, scalar_prefetch = 0 : i64, scratch_operands = 9 : i64, tpu.core_type = #tpu.core_type<sc_vector_subcore>, window_params = [{transform_indices = #map}, {transform_indices = #map}, {transform_indices = #map}, {transform_indices = #map}, {transform_indices = #map1}, {transform_indices = #map1}, {transform_indices = #map}]} {
    %mul3A = arith.constant 2 : i32
    %mul3A_0 = arith.muli %arg1, %mul3A : i32
    %add3A = arith.addi %mul3A_0, %arg0 : i32
    "tpu.region"() ({
      %run_scoped3A = tpu.sem_alloc : memref<!tpu.dma_semaphore, #tpu.memory_space<semaphore_mem>>
      %dma_start3A = arith.constant 0 : i32
      %dma_start3A_9 = tpu.memref_slice %arg2[%add3A, %dma_start3A] : memref<32x512xi32, #tpu.memory_space<hbm>> -> memref<1x512xi32, #tpu.memory_space<hbm>>
      %dma_start3A_10 = tpu.memref_squeeze %dma_start3A_9 : memref<1x512xi32, #tpu.memory_space<hbm>> -> memref<512xi32, #tpu.memory_space<hbm>>
      %dma_start3A_11 = arith.constant 0 : i32
      %dma_start3A_12 = tpu.memref_slice %arg2[%add3A, %dma_start3A_11] : memref<32x512xi32, #tpu.memory_space<hbm>> -> memref<1x512xi32, #tpu.memory_space<hbm>>
      %dma_start3A_13 = tpu.memref_squeeze %dma_start3A_12 : memref<1x512xi32, #tpu.memory_space<hbm>> -> memref<512xi32, #tpu.memory_space<hbm>>
      tpu.enqueue_dma source(%dma_start3A_13 : memref<512xi32, #tpu.memory_space<hbm>>) target(%arg9 : memref<512xi32, #tpu.memory_space<vmem>>) target_semaphore(%run_scoped3A : memref<!tpu.dma_semaphore, #tpu.memory_space<semaphore_mem>>)
      %dma_wait3A = arith.constant 0 : i32
      %dma_wait3A_14 = tpu.memref_slice %arg2[%add3A, %dma_wait3A] : memref<32x512xi32, #tpu.memory_space<hbm>> -> memref<1x512xi32, #tpu.memory_space<hbm>>
      %dma_wait3A_15 = tpu.memref_squeeze %dma_wait3A_14 : memref<1x512xi32, #tpu.memory_space<hbm>> -> memref<512xi32, #tpu.memory_space<hbm>>
      %dma_wait3A_16 = arith.constant 0 : i32
      %dma_wait3A_17 = tpu.memref_slice %arg2[%add3A, %dma_wait3A_16] : memref<32x512xi32, #tpu.memory_space<hbm>> -> memref<1x512xi32, #tpu.memory_space<hbm>>
      %dma_wait3A_18 = tpu.memref_squeeze %dma_wait3A_17 : memref<1x512xi32, #tpu.memory_space<hbm>> -> memref<512xi32, #tpu.memory_space<hbm>>
      tpu.wait_dma2 semaphore(%run_scoped3A : memref<!tpu.dma_semaphore, #tpu.memory_space<semaphore_mem>>) src(%dma_wait3A_18 : memref<512xi32, #tpu.memory_space<hbm>>) dst(%arg9 : memref<512xi32, #tpu.memory_space<vmem>>)
      tpu.yield
    }) : () -> ()
    "tpu.region"() ({
      %run_scoped3A = tpu.sem_alloc : memref<!tpu.dma_semaphore, #tpu.memory_space<semaphore_mem>>
      %dma_start3A = arith.constant 0 : i32
      %dma_start3A_9 = tpu.memref_slice %arg3[%add3A, %dma_start3A] : memref<32x512xi32, #tpu.memory_space<hbm>> -> memref<1x512xi32, #tpu.memory_space<hbm>>
      %dma_start3A_10 = tpu.memref_squeeze %dma_start3A_9 : memref<1x512xi32, #tpu.memory_space<hbm>> -> memref<512xi32, #tpu.memory_space<hbm>>
      %dma_start3A_11 = arith.constant 0 : i32
      %dma_start3A_12 = tpu.memref_slice %arg3[%add3A, %dma_start3A_11] : memref<32x512xi32, #tpu.memory_space<hbm>> -> memref<1x512xi32, #tpu.memory_space<hbm>>
      %dma_start3A_13 = tpu.memref_squeeze %dma_start3A_12 : memref<1x512xi32, #tpu.memory_space<hbm>> -> memref<512xi32, #tpu.memory_space<hbm>>
      tpu.enqueue_dma source(%dma_start3A_13 : memref<512xi32, #tpu.memory_space<hbm>>) target(%arg10 : memref<512xi32, #tpu.memory_space<vmem>>) target_semaphore(%run_scoped3A : memref<!tpu.dma_semaphore, #tpu.memory_space<semaphore_mem>>)
      %dma_wait3A = arith.constant 0 : i32
      %dma_wait3A_14 = tpu.memref_slice %arg3[%add3A, %dma_wait3A] : memref<32x512xi32, #tpu.memory_space<hbm>> -> memref<1x512xi32, #tpu.memory_space<hbm>>
      %dma_wait3A_15 = tpu.memref_squeeze %dma_wait3A_14 : memref<1x512xi32, #tpu.memory_space<hbm>> -> memref<512xi32, #tpu.memory_space<hbm>>
      %dma_wait3A_16 = arith.constant 0 : i32
      %dma_wait3A_17 = tpu.memref_slice %arg3[%add3A, %dma_wait3A_16] : memref<32x512xi32, #tpu.memory_space<hbm>> -> memref<1x512xi32, #tpu.memory_space<hbm>>
      %dma_wait3A_18 = tpu.memref_squeeze %dma_wait3A_17 : memref<1x512xi32, #tpu.memory_space<hbm>> -> memref<512xi32, #tpu.memory_space<hbm>>
      tpu.wait_dma2 semaphore(%run_scoped3A : memref<!tpu.dma_semaphore, #tpu.memory_space<semaphore_mem>>) src(%dma_wait3A_18 : memref<512xi32, #tpu.memory_space<hbm>>) dst(%arg10 : memref<512xi32, #tpu.memory_space<vmem>>)
      tpu.yield
    }) : () -> ()
    "tpu.region"() ({
      %run_scoped3A = tpu.sem_alloc : memref<!tpu.dma_semaphore, #tpu.memory_space<semaphore_mem>>
      %dma_start3A = arith.constant 0 : i32
      %dma_start3A_9 = tpu.memref_slice %arg4[%add3A, %dma_start3A] : memref<32x512xi32, #tpu.memory_space<hbm>> -> memref<1x512xi32, #tpu.memory_space<hbm>>
      %dma_start3A_10 = tpu.memref_squeeze %dma_start3A_9 : memref<1x512xi32, #tpu.memory_space<hbm>> -> memref<512xi32, #tpu.memory_space<hbm>>
      %dma_start3A_11 = arith.constant 0 : i32
      %dma_start3A_12 = tpu.memref_slice %arg4[%add3A, %dma_start3A_11] : memref<32x512xi32, #tpu.memory_space<hbm>> -> memref<1x512xi32, #tpu.memory_space<hbm>>
      %dma_start3A_13 = tpu.memref_squeeze %dma_start3A_12 : memref<1x512xi32, #tpu.memory_space<hbm>> -> memref<512xi32, #tpu.memory_space<hbm>>
      tpu.enqueue_dma source(%dma_start3A_13 : memref<512xi32, #tpu.memory_space<hbm>>) target(%arg11 : memref<512xi32, #tpu.memory_space<vmem>>) target_semaphore(%run_scoped3A : memref<!tpu.dma_semaphore, #tpu.memory_space<semaphore_mem>>)
      %dma_wait3A = arith.constant 0 : i32
      %dma_wait3A_14 = tpu.memref_slice %arg4[%add3A, %dma_wait3A] : memref<32x512xi32, #tpu.memory_space<hbm>> -> memref<1x512xi32, #tpu.memory_space<hbm>>
      %dma_wait3A_15 = tpu.memref_squeeze %dma_wait3A_14 : memref<1x512xi32, #tpu.memory_space<hbm>> -> memref<512xi32, #tpu.memory_space<hbm>>
      %dma_wait3A_16 = arith.constant 0 : i32
      %dma_wait3A_17 = tpu.memref_slice %arg4[%add3A, %dma_wait3A_16] : memref<32x512xi32, #tpu.memory_space<hbm>> -> memref<1x512xi32, #tpu.memory_space<hbm>>
      %dma_wait3A_18 = tpu.memref_squeeze %dma_wait3A_17 : memref<1x512xi32, #tpu.memory_space<hbm>> -> memref<512xi32, #tpu.memory_space<hbm>>
      tpu.wait_dma2 semaphore(%run_scoped3A : memref<!tpu.dma_semaphore, #tpu.memory_space<semaphore_mem>>) src(%dma_wait3A_18 : memref<512xi32, #tpu.memory_space<hbm>>) dst(%arg11 : memref<512xi32, #tpu.memory_space<vmem>>)
      tpu.yield
    }) : () -> ()
    "tpu.region"() ({
      %run_scoped3A = tpu.sem_alloc : memref<!tpu.dma_semaphore, #tpu.memory_space<semaphore_mem>>
      %dma_start3A = arith.constant 0 : i32
      %dma_start3A_9 = tpu.memref_slice %arg5[%add3A, %dma_start3A] : memref<32x512xi32, #tpu.memory_space<hbm>> -> memref<1x512xi32, #tpu.memory_space<hbm>>
      %dma_start3A_10 = tpu.memref_squeeze %dma_start3A_9 : memref<1x512xi32, #tpu.memory_space<hbm>> -> memref<512xi32, #tpu.memory_space<hbm>>
      %dma_start3A_11 = arith.constant 0 : i32
      %dma_start3A_12 = tpu.memref_slice %arg5[%add3A, %dma_start3A_11] : memref<32x512xi32, #tpu.memory_space<hbm>> -> memref<1x512xi32, #tpu.memory_space<hbm>>
      %dma_start3A_13 = tpu.memref_squeeze %dma_start3A_12 : memref<1x512xi32, #tpu.memory_space<hbm>> -> memref<512xi32, #tpu.memory_space<hbm>>
      tpu.enqueue_dma source(%dma_start3A_13 : memref<512xi32, #tpu.memory_space<hbm>>) target(%arg12 : memref<512xi32, #tpu.memory_space<vmem>>) target_semaphore(%run_scoped3A : memref<!tpu.dma_semaphore, #tpu.memory_space<semaphore_mem>>)
      %dma_wait3A = arith.constant 0 : i32
      %dma_wait3A_14 = tpu.memref_slice %arg5[%add3A, %dma_wait3A] : memref<32x512xi32, #tpu.memory_space<hbm>> -> memref<1x512xi32, #tpu.memory_space<hbm>>
      %dma_wait3A_15 = tpu.memref_squeeze %dma_wait3A_14 : memref<1x512xi32, #tpu.memory_space<hbm>> -> memref<512xi32, #tpu.memory_space<hbm>>
      %dma_wait3A_16 = arith.constant 0 : i32
      %dma_wait3A_17 = tpu.memref_slice %arg5[%add3A, %dma_wait3A_16] : memref<32x512xi32, #tpu.memory_space<hbm>> -> memref<1x512xi32, #tpu.memory_space<hbm>>
      %dma_wait3A_18 = tpu.memref_squeeze %dma_wait3A_17 : memref<1x512xi32, #tpu.memory_space<hbm>> -> memref<512xi32, #tpu.memory_space<hbm>>
      tpu.wait_dma2 semaphore(%run_scoped3A : memref<!tpu.dma_semaphore, #tpu.memory_space<semaphore_mem>>) src(%dma_wait3A_18 : memref<512xi32, #tpu.memory_space<hbm>>) dst(%arg12 : memref<512xi32, #tpu.memory_space<vmem>>)
      tpu.yield
    }) : () -> ()
    %iota3A = tpu.iota {dimensions = array<i32: 0>} : vector<16xi32>
    %mul3A_1 = arith.constant 8 : i32
    %mul3A_2 = vector.broadcast %mul3A_1 : i32 to vector<16xi32>
    %mul3A_3 = arith.muli %iota3A, %mul3A_2 : vector<16xi32>
    %scan3A = arith.constant 0 : i32
    %scan3A_4 = arith.constant 0 : i32
    %scan3A_5 = arith.constant 32 : i32
    %scan3A_6 = arith.addi %scan3A_4, %scan3A_5 : i32
    %scan3A_7 = arith.constant 1 : i32
    scf.for %scan3A_9 = %scan3A_4 to %scan3A_6 step %scan3A_7  : i32 {
      %mul3A_10 = arith.constant 16 : i32
      %mul3A_11 = arith.muli %scan3A_9, %mul3A_10 : i32
      %get3A = arith.index_cast %mul3A_11 : i32 to index
      %get3A_12 = tpu.vector_load %arg9[%get3A] {strides = array<i32>} : memref<512xi32, #tpu.memory_space<vmem>>, vector<16xi32>,
      %mul3A_13 = arith.constant 16 : i32
      %mul3A_14 = arith.muli %scan3A_9, %mul3A_13 : i32
      %get3A_15 = arith.index_cast %mul3A_14 : i32 to index
      %get3A_16 = tpu.vector_load %arg10[%get3A_15] {strides = array<i32>} : memref<512xi32, #tpu.memory_space<vmem>>, vector<16xi32>,
      %slice3A = vector.extract_strided_slice %get3A_12 {offsets = [0], sizes = [1], strides = [1]} : vector<16xi32> to vector<1xi32>
      %squeeze3A = vector.extract %slice3A[0] : i32 from vector<1xi32>
      %dma_start3A = arith.constant 0 : i32
      %dma_start3A_17 = arith.constant 0 : i32
      %dma_start3A_18 = tpu.memref_slice %arg13[%dma_start3A, %dma_start3A_17] : memref<128x16xf32, #tpu.memory_space<vmem>> -> memref<8x16xf32, #tpu.memory_space<vmem>>
      %dma_start3A_19 = arith.constant 0 : i32
      %dma_start3A_20 = arith.constant 0 : i32
      %dma_start3A_21 = tpu.memref_slice %arg6[%squeeze3A, %dma_start3A_19, %dma_start3A_20] : memref<125000x8x16xf32, #tpu.memory_space<hbm>> -> memref<1x8x16xf32, #tpu.memory_space<hbm>>
      %dma_start3A_22 = tpu.memref_squeeze %dma_start3A_21 : memref<1x8x16xf32, #tpu.memory_space<hbm>> -> memref<8x16xf32, #tpu.memory_space<hbm>>
      %dma_start3A_23 = arith.constant 0 : i32
      %dma_start3A_24 = arith.constant 0 : i32
      %dma_start3A_25 = tpu.memref_slice %arg13[%dma_start3A_23, %dma_start3A_24] : memref<128x16xf32, #tpu.memory_space<vmem>> -> memref<8x16xf32, #tpu.memory_space<vmem>>
      %dma_start3A_26 = arith.constant 0 : i32
      %dma_start3A_27 = arith.constant 0 : i32
      %dma_start3A_28 = tpu.memref_slice %arg6[%squeeze3A, %dma_start3A_26, %dma_start3A_27] : memref<125000x8x16xf32, #tpu.memory_space<hbm>> -> memref<1x8x16xf32, #tpu.memory_space<hbm>>
      %dma_start3A_29 = tpu.memref_squeeze %dma_start3A_28 : memref<1x8x16xf32, #tpu.memory_space<hbm>> -> memref<8x16xf32, #tpu.memory_space<hbm>>
      tpu.enqueue_dma source(%dma_start3A_29 : memref<8x16xf32, #tpu.memory_space<hbm>>) target(%dma_start3A_25 : memref<8x16xf32, #tpu.memory_space<vmem>>) target_semaphore(%arg16 : memref<!tpu.dma_semaphore, #tpu.memory_space<semaphore_mem>>)
      %slice3A_30 = vector.extract_strided_slice %get3A_16 {offsets = [0], sizes = [1], strides = [1]} : vector<16xi32> to vector<1xi32>
      %squeeze3A_31 = vector.extract %slice3A_30[0] : i32 from vector<1xi32>
      %dma_start3A_32 = arith.constant 0 : i32
      %dma_start3A_33 = arith.constant 0 : i32
      %dma_start3A_34 = tpu.memref_slice %arg14[%dma_start3A_32, %dma_start3A_33] : memref<128x16xf32, #tpu.memory_space<vmem>> -> memref<8x16xf32, #tpu.memory_space<vmem>>
      %dma_start3A_35 = arith.constant 0 : i32
      %dma_start3A_36 = arith.constant 0 : i32
      %dma_start3A_37 = tpu.memref_slice %arg7[%squeeze3A_31, %dma_start3A_35, %dma_start3A_36] : memref<125000x8x16xf32, #tpu.memory_space<hbm>> -> memref<1x8x16xf32, #tpu.memory_space<hbm>>
      %dma_start3A_38 = tpu.memref_squeeze %dma_start3A_37 : memref<1x8x16xf32, #tpu.memory_space<hbm>> -> memref<8x16xf32, #tpu.memory_space<hbm>>
      %dma_start3A_39 = arith.constant 0 : i32
      %dma_start3A_40 = arith.constant 0 : i32
      %dma_start3A_41 = tpu.memref_slice %arg14[%dma_start3A_39, %dma_start3A_40] : memref<128x16xf32, #tpu.memory_space<vmem>> -> memref<8x16xf32, #tpu.memory_space<vmem>>
      %dma_start3A_42 = arith.constant 0 : i32
      %dma_start3A_43 = arith.constant 0 : i32
      %dma_start3A_44 = tpu.memref_slice %arg7[%squeeze3A_31, %dma_start3A_42, %dma_start3A_43] : memref<125000x8x16xf32, #tpu.memory_space<hbm>> -> memref<1x8x16xf32, #tpu.memory_space<hbm>>
      %dma_start3A_45 = tpu.memref_squeeze %dma_start3A_44 : memref<1x8x16xf32, #tpu.memory_space<hbm>> -> memref<8x16xf32, #tpu.memory_space<hbm>>
      tpu.enqueue_dma source(%dma_start3A_45 : memref<8x16xf32, #tpu.memory_space<hbm>>) target(%dma_start3A_41 : memref<8x16xf32, #tpu.memory_space<vmem>>) target_semaphore(%arg17 : memref<!tpu.dma_semaphore, #tpu.memory_space<semaphore_mem>>)
      %slice3A_46 = vector.extract_strided_slice %get3A_12 {offsets = [1], sizes = [1], strides = [1]} : vector<16xi32> to vector<1xi32>
      %squeeze3A_47 = vector.extract %slice3A_46[0] : i32 from vector<1xi32>
      %dma_start3A_48 = arith.constant 8 : i32
      %dma_start3A_49 = arith.constant 0 : i32
      %dma_start3A_50 = tpu.memref_slice %arg13[%dma_start3A_48, %dma_start3A_49] : memref<128x16xf32, #tpu.memory_space<vmem>> -> memref<8x16xf32, #tpu.memory_space<vmem>>
      %dma_start3A_51 = arith.constant 0 : i32
      %dma_start3A_52 = arith.constant 0 : i32
      %dma_start3A_53 = tpu.memref_slice %arg6[%squeeze3A_47, %dma_start3A_51, %dma_start3A_52] : memref<125000x8x16xf32, #tpu.memory_space<hbm>> -> memref<1x8x16xf32, #tpu.memory_space<hbm>>
      %dma_start3A_54 = tpu.memref_squeeze %dma_start3A_53 : memref<1x8x16xf32, #tpu.memory_space<hbm>> -> memref<8x16xf32, #tpu.memory_space<hbm>>
      %dma_start3A_55 = arith.constant 8 : i32
      %dma_start3A_56 = arith.constant 0 : i32
      %dma_start3A_57 = tpu.memref_slice %arg13[%dma_start3A_55, %dma_start3A_56] : memref<128x16xf32, #tpu.memory_space<vmem>> -> memref<8x16xf32, #tpu.memory_space<vmem>>
      %dma_start3A_58 = arith.constant 0 : i32
      %dma_start3A_59 = arith.constant 0 : i32
      %dma_start3A_60 = tpu.memref_slice %arg6[%squeeze3A_47, %dma_start3A_58, %dma_start3A_59] : memref<125000x8x16xf32, #tpu.memory_space<hbm>> -> memref<1x8x16xf32, #tpu.memory_space<hbm>>
      %dma_start3A_61 = tpu.memref_squeeze %dma_start3A_60 : memref<1x8x16xf32, #tpu.memory_space<hbm>> -> memref<8x16xf32, #tpu.memory_space<hbm>>
      tpu.enqueue_dma source(%dma_start3A_61 : memref<8x16xf32, #tpu.memory_space<hbm>>) target(%dma_start3A_57 : memref<8x16xf32, #tpu.memory_space<vmem>>) target_semaphore(%arg16 : memref<!tpu.dma_semaphore, #tpu.memory_space<semaphore_mem>>)
      %slice3A_62 = vector.extract_strided_slice %get3A_16 {offsets = [1], sizes = [1], strides = [1]} : vector<16xi32> to vector<1xi32>
      %squeeze3A_63 = vector.extract %slice3A_62[0] : i32 from vector<1xi32>
      %dma_start3A_64 = arith.constant 8 : i32
      %dma_start3A_65 = arith.constant 0 : i32
      %dma_start3A_66 = tpu.memref_slice %arg14[%dma_start3A_64, %dma_start3A_65] : memref<128x16xf32, #tpu.memory_space<vmem>> -> memref<8x16xf32, #tpu.memory_space<vmem>>
      %dma_start3A_67 = arith.constant 0 : i32
      %dma_start3A_68 = arith.constant 0 : i32
      %dma_start3A_69 = tpu.memref_slice %arg7[%squeeze3A_63, %dma_start3A_67, %dma_start3A_68] : memref<125000x8x16xf32, #tpu.memory_space<hbm>> -> memref<1x8x16xf32, #tpu.memory_space<hbm>>
      %dma_start3A_70 = tpu.memref_squeeze %dma_start3A_69 : memref<1x8x16xf32, #tpu.memory_space<hbm>> -> memref<8x16xf32, #tpu.memory_space<hbm>>
      %dma_start3A_71 = arith.constant 8 : i32
      %dma_start3A_72 = arith.constant 0 : i32
      %dma_start3A_73 = tpu.memref_slice %arg14[%dma_start3A_71, %dma_start3A_72] : memref<128x16xf32, #tpu.memory_space<vmem>> -> memref<8x16xf32, #tpu.memory_space<vmem>>
      %dma_start3A_74 = arith.constant 0 : i32
      %dma_start3A_75 = arith.constant 0 : i32
      %dma_start3A_76 = tpu.memref_slice %arg7[%squeeze3A_63, %dma_start3A_74, %dma_start3A_75] : memref<125000x8x16xf32, #tpu.memory_space<hbm>> -> memref<1x8x16xf32, #tpu.memory_space<hbm>>
      %dma_start3A_77 = tpu.memref_squeeze %dma_start3A_76 : memref<1x8x16xf32, #tpu.memory_space<hbm>> -> memref<8x16xf32, #tpu.memory_space<hbm>>
      tpu.enqueue_dma source(%dma_start3A_77 : memref<8x16xf32, #tpu.memory_space<hbm>>) target(%dma_start3A_73 : memref<8x16xf32, #tpu.memory_space<vmem>>) target_semaphore(%arg17 : memref<!tpu.dma_semaphore, #tpu.memory_space<semaphore_mem>>)
      %slice3A_78 = vector.extract_strided_slice %get3A_12 {offsets = [2], sizes = [1], strides = [1]} : vector<16xi32> to vector<1xi32>
      %squeeze3A_79 = vector.extract %slice3A_78[0] : i32 from vector<1xi32>
      %dma_start3A_80 = arith.constant 16 : i32
      %dma_start3A_81 = arith.constant 0 : i32
      %dma_start3A_82 = tpu.memref_slice %arg13[%dma_start3A_80, %dma_start3A_81] : memref<128x16xf32, #tpu.memory_space<vmem>> -> memref<8x16xf32, #tpu.memory_space<vmem>>
      %dma_start3A_83 = arith.constant 0 : i32
      %dma_start3A_84 = arith.constant 0 : i32
      %dma_start3A_85 = tpu.memref_slice %arg6[%squeeze3A_79, %dma_start3A_83, %dma_start3A_84] : memref<125000x8x16xf32, #tpu.memory_space<hbm>> -> memref<1x8x16xf32, #tpu.memory_space<hbm>>
      %dma_start3A_86 = tpu.memref_squeeze %dma_start3A_85 : memref<1x8x16xf32, #tpu.memory_space<hbm>> -> memref<8x16xf32, #tpu.memory_space<hbm>>
      %dma_start3A_87 = arith.constant 16 : i32
      %dma_start3A_88 = arith.constant 0 : i32
      %dma_start3A_89 = tpu.memref_slice %arg13[%dma_start3A_87, %dma_start3A_88] : memref<128x16xf32, #tpu.memory_space<vmem>> -> memref<8x16xf32, #tpu.memory_space<vmem>>
      %dma_start3A_90 = arith.constant 0 : i32
      %dma_start3A_91 = arith.constant 0 : i32
      %dma_start3A_92 = tpu.memref_slice %arg6[%squeeze3A_79, %dma_start3A_90, %dma_start3A_91] : memref<125000x8x16xf32, #tpu.memory_space<hbm>> -> memref<1x8x16xf32, #tpu.memory_space<hbm>>
      %dma_start3A_93 = tpu.memref_squeeze %dma_start3A_92 : memref<1x8x16xf32, #tpu.memory_space<hbm>> -> memref<8x16xf32, #tpu.memory_space<hbm>>
      tpu.enqueue_dma source(%dma_start3A_93 : memref<8x16xf32, #tpu.memory_space<hbm>>) target(%dma_start3A_89 : memref<8x16xf32, #tpu.memory_space<vmem>>) target_semaphore(%arg16 : memref<!tpu.dma_semaphore, #tpu.memory_space<semaphore_mem>>)
      %slice3A_94 = vector.extract_strided_slice %get3A_16 {offsets = [2], sizes = [1], strides = [1]} : vector<16xi32> to vector<1xi32>
      %squeeze3A_95 = vector.extract %slice3A_94[0] : i32 from vector<1xi32>
      %dma_start3A_96 = arith.constant 16 : i32
      %dma_start3A_97 = arith.constant 0 : i32
      %dma_start3A_98 = tpu.memref_slice %arg14[%dma_start3A_96, %dma_start3A_97] : memref<128x16xf32, #tpu.memory_space<vmem>> -> memref<8x16xf32, #tpu.memory_space<vmem>>
      %dma_start3A_99 = arith.constant 0 : i32
      %dma_start3A_100 = arith.constant 0 : i32
      %dma_start3A_101 = tpu.memref_slice %arg7[%squeeze3A_95, %dma_start3A_99, %dma_start3A_100] : memref<125000x8x16xf32, #tpu.memory_space<hbm>> -> memref<1x8x16xf32, #tpu.memory_space<hbm>>
      %dma_start3A_102 = tpu.memref_squeeze %dma_start3A_101 : memref<1x8x16xf32, #tpu.memory_space<hbm>> -> memref<8x16xf32, #tpu.memory_space<hbm>>
      %dma_start3A_103 = arith.constant 16 : i32
      %dma_start3A_104 = arith.constant 0 : i32
      %dma_start3A_105 = tpu.memref_slice %arg14[%dma_start3A_103, %dma_start3A_104] : memref<128x16xf32, #tpu.memory_space<vmem>> -> memref<8x16xf32, #tpu.memory_space<vmem>>
      %dma_start3A_106 = arith.constant 0 : i32
      %dma_start3A_107 = arith.constant 0 : i32
      %dma_start3A_108 = tpu.memref_slice %arg7[%squeeze3A_95, %dma_start3A_106, %dma_start3A_107] : memref<125000x8x16xf32, #tpu.memory_space<hbm>> -> memref<1x8x16xf32, #tpu.memory_space<hbm>>
      %dma_start3A_109 = tpu.memref_squeeze %dma_start3A_108 : memref<1x8x16xf32, #tpu.memory_space<hbm>> -> memref<8x16xf32, #tpu.memory_space<hbm>>
      tpu.enqueue_dma source(%dma_start3A_109 : memref<8x16xf32, #tpu.memory_space<hbm>>) target(%dma_start3A_105 : memref<8x16xf32, #tpu.memory_space<vmem>>) target_semaphore(%arg17 : memref<!tpu.dma_semaphore, #tpu.memory_space<semaphore_mem>>)
      %slice3A_110 = vector.extract_strided_slice %get3A_12 {offsets = [3], sizes = [1], strides = [1]} : vector<16xi32> to vector<1xi32>
      %squeeze3A_111 = vector.extract %slice3A_110[0] : i32 from vector<1xi32>
      %dma_start3A_112 = arith.constant 24 : i32
      %dma_start3A_113 = arith.constant 0 : i32
      %dma_start3A_114 = tpu.memref_slice %arg13[%dma_start3A_112, %dma_start3A_113] : memref<128x16xf32, #tpu.memory_space<vmem>> -> memref<8x16xf32, #tpu.memory_space<vmem>>
      %dma_start3A_115 = arith.constant 0 : i32
      %dma_start3A_116 = arith.constant 0 : i32
      %dma_start3A_117 = tpu.memref_slice %arg6[%squeeze3A_111, %dma_start3A_115, %dma_start3A_116] : memref<125000x8x16xf32, #tpu.memory_space<hbm>> -> memref<1x8x16xf32, #tpu.memory_space<hbm>>
      %dma_start3A_118 = tpu.memref_squeeze %dma_start3A_117 : memref<1x8x16xf32, #tpu.memory_space<hbm>> -> memref<8x16xf32, #tpu.memory_space<hbm>>
      %dma_start3A_119 = arith.constant 24 : i32
      %dma_start3A_120 = arith.constant 0 : i32
      %dma_start3A_121 = tpu.memref_slice %arg13[%dma_start3A_119, %dma_start3A_120] : memref<128x16xf32, #tpu.memory_space<vmem>> -> memref<8x16xf32, #tpu.memory_space<vmem>>
      %dma_start3A_122 = arith.constant 0 : i32
      %dma_start3A_123 = arith.constant 0 : i32
      %dma_start3A_124 = tpu.memref_slice %arg6[%squeeze3A_111, %dma_start3A_122, %dma_start3A_123] : memref<125000x8x16xf32, #tpu.memory_space<hbm>> -> memref<1x8x16xf32, #tpu.memory_space<hbm>>
      %dma_start3A_125 = tpu.memref_squeeze %dma_start3A_124 : memref<1x8x16xf32, #tpu.memory_space<hbm>> -> memref<8x16xf32, #tpu.memory_space<hbm>>
      tpu.enqueue_dma source(%dma_start3A_125 : memref<8x16xf32, #tpu.memory_space<hbm>>) target(%dma_start3A_121 : memref<8x16xf32, #tpu.memory_space<vmem>>) target_semaphore(%arg16 : memref<!tpu.dma_semaphore, #tpu.memory_space<semaphore_mem>>)
      %slice3A_126 = vector.extract_strided_slice %get3A_16 {offsets = [3], sizes = [1], strides = [1]} : vector<16xi32> to vector<1xi32>
      %squeeze3A_127 = vector.extract %slice3A_126[0] : i32 from vector<1xi32>
      %dma_start3A_128 = arith.constant 24 : i32
      %dma_start3A_129 = arith.constant 0 : i32
      %dma_start3A_130 = tpu.memref_slice %arg14[%dma_start3A_128, %dma_start3A_129] : memref<128x16xf32, #tpu.memory_space<vmem>> -> memref<8x16xf32, #tpu.memory_space<vmem>>
      %dma_start3A_131 = arith.constant 0 : i32
      %dma_start3A_132 = arith.constant 0 : i32
      %dma_start3A_133 = tpu.memref_slice %arg7[%squeeze3A_127, %dma_start3A_131, %dma_start3A_132] : memref<125000x8x16xf32, #tpu.memory_space<hbm>> -> memref<1x8x16xf32, #tpu.memory_space<hbm>>
      %dma_start3A_134 = tpu.memref_squeeze %dma_start3A_133 : memref<1x8x16xf32, #tpu.memory_space<hbm>> -> memref<8x16xf32, #tpu.memory_space<hbm>>
      %dma_start3A_135 = arith.constant 24 : i32
      %dma_start3A_136 = arith.constant 0 : i32
      %dma_start3A_137 = tpu.memref_slice %arg14[%dma_start3A_135, %dma_start3A_136] : memref<128x16xf32, #tpu.memory_space<vmem>> -> memref<8x16xf32, #tpu.memory_space<vmem>>
      %dma_start3A_138 = arith.constant 0 : i32
      %dma_start3A_139 = arith.constant 0 : i32
      %dma_start3A_140 = tpu.memref_slice %arg7[%squeeze3A_127, %dma_start3A_138, %dma_start3A_139] : memref<125000x8x16xf32, #tpu.memory_space<hbm>> -> memref<1x8x16xf32, #tpu.memory_space<hbm>>
      %dma_start3A_141 = tpu.memref_squeeze %dma_start3A_140 : memref<1x8x16xf32, #tpu.memory_space<hbm>> -> memref<8x16xf32, #tpu.memory_space<hbm>>
      tpu.enqueue_dma source(%dma_start3A_141 : memref<8x16xf32, #tpu.memory_space<hbm>>) target(%dma_start3A_137 : memref<8x16xf32, #tpu.memory_space<vmem>>) target_semaphore(%arg17 : memref<!tpu.dma_semaphore, #tpu.memory_space<semaphore_mem>>)
      %slice3A_142 = vector.extract_strided_slice %get3A_12 {offsets = [4], sizes = [1], strides = [1]} : vector<16xi32> to vector<1xi32>
      %squeeze3A_143 = vector.extract %slice3A_142[0] : i32 from vector<1xi32>
      %dma_start3A_144 = arith.constant 32 : i32
      %dma_start3A_145 = arith.constant 0 : i32
      %dma_start3A_146 = tpu.memref_slice %arg13[%dma_start3A_144, %dma_start3A_145] : memref<128x16xf32, #tpu.memory_space<vmem>> -> memref<8x16xf32, #tpu.memory_space<vmem>>
      %dma_start3A_147 = arith.constant 0 : i32
      %dma_start3A_148 = arith.constant 0 : i32
      %dma_start3A_149 = tpu.memref_slice %arg6[%squeeze3A_143, %dma_start3A_147, %dma_start3A_148] : memref<125000x8x16xf32, #tpu.memory_space<hbm>> -> memref<1x8x16xf32, #tpu.memory_space<hbm>>
      %dma_start3A_150 = tpu.memref_squeeze %dma_start3A_149 : memref<1x8x16xf32, #tpu.memory_space<hbm>> -> memref<8x16xf32, #tpu.memory_space<hbm>>
      %dma_start3A_151 = arith.constant 32 : i32
      %dma_start3A_152 = arith.constant 0 : i32
      %dma_start3A_153 = tpu.memref_slice %arg13[%dma_start3A_151, %dma_start3A_152] : memref<128x16xf32, #tpu.memory_space<vmem>> -> memref<8x16xf32, #tpu.memory_space<vmem>>
      %dma_start3A_154 = arith.constant 0 : i32
      %dma_start3A_155 = arith.constant 0 : i32
      %dma_start3A_156 = tpu.memref_slice %arg6[%squeeze3A_143, %dma_start3A_154, %dma_start3A_155] : memref<125000x8x16xf32, #tpu.memory_space<hbm>> -> memref<1x8x16xf32, #tpu.memory_space<hbm>>
      %dma_start3A_157 = tpu.memref_squeeze %dma_start3A_156 : memref<1x8x16xf32, #tpu.memory_space<hbm>> -> memref<8x16xf32, #tpu.memory_space<hbm>>
      tpu.enqueue_dma source(%dma_start3A_157 : memref<8x16xf32, #tpu.memory_space<hbm>>) target(%dma_start3A_153 : memref<8x16xf32, #tpu.memory_space<vmem>>) target_semaphore(%arg16 : memref<!tpu.dma_semaphore, #tpu.memory_space<semaphore_mem>>)
      %slice3A_158 = vector.extract_strided_slice %get3A_16 {offsets = [4], sizes = [1], strides = [1]} : vector<16xi32> to vector<1xi32>
      %squeeze3A_159 = vector.extract %slice3A_158[0] : i32 from vector<1xi32>
      %dma_start3A_160 = arith.constant 32 : i32
      %dma_start3A_161 = arith.constant 0 : i32
      %dma_start3A_162 = tpu.memref_slice %arg14[%dma_start3A_160, %dma_start3A_161] : memref<128x16xf32, #tpu.memory_space<vmem>> -> memref<8x16xf32, #tpu.memory_space<vmem>>
      %dma_start3A_163 = arith.constant 0 : i32
      %dma_start3A_164 = arith.constant 0 : i32
      %dma_start3A_165 = tpu.memref_slice %arg7[%squeeze3A_159, %dma_start3A_163, %dma_start3A_164] : memref<125000x8x16xf32, #tpu.memory_space<hbm>> -> memref<1x8x16xf32, #tpu.memory_space<hbm>>
      %dma_start3A_166 = tpu.memref_squeeze %dma_start3A_165 : memref<1x8x16xf32, #tpu.memory_space<hbm>> -> memref<8x16xf32, #tpu.memory_space<hbm>>
      %dma_start3A_167 = arith.constant 32 : i32
      %dma_start3A_168 = arith.constant 0 : i32
      %dma_start3A_169 = tpu.memref_slice %arg14[%dma_start3A_167, %dma_start3A_168] : memref<128x16xf32, #tpu.memory_space<vmem>> -> memref<8x16xf32, #tpu.memory_space<vmem>>
      %dma_start3A_170 = arith.constant 0 : i32
      %dma_start3A_171 = arith.constant 0 : i32
      %dma_start3A_172 = tpu.memref_slice %arg7[%squeeze3A_159, %dma_start3A_170, %dma_start3A_171] : memref<125000x8x16xf32, #tpu.memory_space<hbm>> -> memref<1x8x16xf32, #tpu.memory_space<hbm>>
      %dma_start3A_173 = tpu.memref_squeeze %dma_start3A_172 : memref<1x8x16xf32, #tpu.memory_space<hbm>> -> memref<8x16xf32, #tpu.memory_space<hbm>>
      tpu.enqueue_dma source(%dma_start3A_173 : memref<8x16xf32, #tpu.memory_space<hbm>>) target(%dma_start3A_169 : memref<8x16xf32, #tpu.memory_space<vmem>>) target_semaphore(%arg17 : memref<!tpu.dma_semaphore, #tpu.memory_space<semaphore_mem>>)
      %slice3A_174 = vector.extract_strided_slice %get3A_12 {offsets = [5], sizes = [1], strides = [1]} : vector<16xi32> to vector<1xi32>
      %squeeze3A_175 = vector.extract %slice3A_174[0] : i32 from vector<1xi32>
      %dma_start3A_176 = arith.constant 40 : i32
      %dma_start3A_177 = arith.constant 0 : i32
      %dma_start3A_178 = tpu.memref_slice %arg13[%dma_start3A_176, %dma_start3A_177] : memref<128x16xf32, #tpu.memory_space<vmem>> -> memref<8x16xf32, #tpu.memory_space<vmem>>
      %dma_start3A_179 = arith.constant 0 : i32
      %dma_start3A_180 = arith.constant 0 : i32
      %dma_start3A_181 = tpu.memref_slice %arg6[%squeeze3A_175, %dma_start3A_179, %dma_start3A_180] : memref<125000x8x16xf32, #tpu.memory_space<hbm>> -> memref<1x8x16xf32, #tpu.memory_space<hbm>>
      %dma_start3A_182 = tpu.memref_squeeze %dma_start3A_181 : memref<1x8x16xf32, #tpu.memory_space<hbm>> -> memref<8x16xf32, #tpu.memory_space<hbm>>
      %dma_start3A_183 = arith.constant 40 : i32
      %dma_start3A_184 = arith.constant 0 : i32
      %dma_start3A_185 = tpu.memref_slice %arg13[%dma_start3A_183, %dma_start3A_184] : memref<128x16xf32, #tpu.memory_space<vmem>> -> memref<8x16xf32, #tpu.memory_space<vmem>>
      %dma_start3A_186 = arith.constant 0 : i32
      %dma_start3A_187 = arith.constant 0 : i32
      %dma_start3A_188 = tpu.memref_slice %arg6[%squeeze3A_175, %dma_start3A_186, %dma_start3A_187] : memref<125000x8x16xf32, #tpu.memory_space<hbm>> -> memref<1x8x16xf32, #tpu.memory_space<hbm>>
      %dma_start3A_189 = tpu.memref_squeeze %dma_start3A_188 : memref<1x8x16xf32, #tpu.memory_space<hbm>> -> memref<8x16xf32, #tpu.memory_space<hbm>>
      tpu.enqueue_dma source(%dma_start3A_189 : memref<8x16xf32, #tpu.memory_space<hbm>>) target(%dma_start3A_185 : memref<8x16xf32, #tpu.memory_space<vmem>>) target_semaphore(%arg16 : memref<!tpu.dma_semaphore, #tpu.memory_space<semaphore_mem>>)
      %slice3A_190 = vector.extract_strided_slice %get3A_16 {offsets = [5], sizes = [1], strides = [1]} : vector<16xi32> to vector<1xi32>
      %squeeze3A_191 = vector.extract %slice3A_190[0] : i32 from vector<1xi32>
      %dma_start3A_192 = arith.constant 40 : i32
      %dma_start3A_193 = arith.constant 0 : i32
      %dma_start3A_194 = tpu.memref_slice %arg14[%dma_start3A_192, %dma_start3A_193] : memref<128x16xf32, #tpu.memory_space<vmem>> -> memref<8x16xf32, #tpu.memory_space<vmem>>
      %dma_start3A_195 = arith.constant 0 : i32
      %dma_start3A_196 = arith.constant 0 : i32
      %dma_start3A_197 = tpu.memref_slice %arg7[%squeeze3A_191, %dma_start3A_195, %dma_start3A_196] : memref<125000x8x16xf32, #tpu.memory_space<hbm>> -> memref<1x8x16xf32, #tpu.memory_space<hbm>>
      %dma_start3A_198 = tpu.memref_squeeze %dma_start3A_197 : memref<1x8x16xf32, #tpu.memory_space<hbm>> -> memref<8x16xf32, #tpu.memory_space<hbm>>
      %dma_start3A_199 = arith.constant 40 : i32
      %dma_start3A_200 = arith.constant 0 : i32
      %dma_start3A_201 = tpu.memref_slice %arg14[%dma_start3A_199, %dma_start3A_200] : memref<128x16xf32, #tpu.memory_space<vmem>> -> memref<8x16xf32, #tpu.memory_space<vmem>>
      %dma_start3A_202 = arith.constant 0 : i32
      %dma_start3A_203 = arith.constant 0 : i32
      %dma_start3A_204 = tpu.memref_slice %arg7[%squeeze3A_191, %dma_start3A_202, %dma_start3A_203] : memref<125000x8x16xf32, #tpu.memory_space<hbm>> -> memref<1x8x16xf32, #tpu.memory_space<hbm>>
      %dma_start3A_205 = tpu.memref_squeeze %dma_start3A_204 : memref<1x8x16xf32, #tpu.memory_space<hbm>> -> memref<8x16xf32, #tpu.memory_space<hbm>>
      tpu.enqueue_dma source(%dma_start3A_205 : memref<8x16xf32, #tpu.memory_space<hbm>>) target(%dma_start3A_201 : memref<8x16xf32, #tpu.memory_space<vmem>>) target_semaphore(%arg17 : memref<!tpu.dma_semaphore, #tpu.memory_space<semaphore_mem>>)
      %slice3A_206 = vector.extract_strided_slice %get3A_12 {offsets = [6], sizes = [1], strides = [1]} : vector<16xi32> to vector<1xi32>
      %squeeze3A_207 = vector.extract %slice3A_206[0] : i32 from vector<1xi32>
      %dma_start3A_208 = arith.constant 48 : i32
      %dma_start3A_209 = arith.constant 0 : i32
      %dma_start3A_210 = tpu.memref_slice %arg13[%dma_start3A_208, %dma_start3A_209] : memref<128x16xf32, #tpu.memory_space<vmem>> -> memref<8x16xf32, #tpu.memory_space<vmem>>
      %dma_start3A_211 = arith.constant 0 : i32
      %dma_start3A_212 = arith.constant 0 : i32
      %dma_start3A_213 = tpu.memref_slice %arg6[%squeeze3A_207, %dma_start3A_211, %dma_start3A_212] : memref<125000x8x16xf32, #tpu.memory_space<hbm>> -> memref<1x8x16xf32, #tpu.memory_space<hbm>>
      %dma_start3A_214 = tpu.memref_squeeze %dma_start3A_213 : memref<1x8x16xf32, #tpu.memory_space<hbm>> -> memref<8x16xf32, #tpu.memory_space<hbm>>
      %dma_start3A_215 = arith.constant 48 : i32
      %dma_start3A_216 = arith.constant 0 : i32
      %dma_start3A_217 = tpu.memref_slice %arg13[%dma_start3A_215, %dma_start3A_216] : memref<128x16xf32, #tpu.memory_space<vmem>> -> memref<8x16xf32, #tpu.memory_space<vmem>>
      %dma_start3A_218 = arith.constant 0 : i32
      %dma_start3A_219 = arith.constant 0 : i32
      %dma_start3A_220 = tpu.memref_slice %arg6[%squeeze3A_207, %dma_start3A_218, %dma_start3A_219] : memref<125000x8x16xf32, #tpu.memory_space<hbm>> -> memref<1x8x16xf32, #tpu.memory_space<hbm>>
      %dma_start3A_221 = tpu.memref_squeeze %dma_start3A_220 : memref<1x8x16xf32, #tpu.memory_space<hbm>> -> memref<8x16xf32, #tpu.memory_space<hbm>>
      tpu.enqueue_dma source(%dma_start3A_221 : memref<8x16xf32, #tpu.memory_space<hbm>>) target(%dma_start3A_217 : memref<8x16xf32, #tpu.memory_space<vmem>>) target_semaphore(%arg16 : memref<!tpu.dma_semaphore, #tpu.memory_space<semaphore_mem>>)
      %slice3A_222 = vector.extract_strided_slice %get3A_16 {offsets = [6], sizes = [1], strides = [1]} : vector<16xi32> to vector<1xi32>
      %squeeze3A_223 = vector.extract %slice3A_222[0] : i32 from vector<1xi32>
      %dma_start3A_224 = arith.constant 48 : i32
      %dma_start3A_225 = arith.constant 0 : i32
      %dma_start3A_226 = tpu.memref_slice %arg14[%dma_start3A_224, %dma_start3A_225] : memref<128x16xf32, #tpu.memory_space<vmem>> -> memref<8x16xf32, #tpu.memory_space<vmem>>
      %dma_start3A_227 = arith.constant 0 : i32
      %dma_start3A_228 = arith.constant 0 : i32
      %dma_start3A_229 = tpu.memref_slice %arg7[%squeeze3A_223, %dma_start3A_227, %dma_start3A_228] : memref<125000x8x16xf32, #tpu.memory_space<hbm>> -> memref<1x8x16xf32, #tpu.memory_space<hbm>>
      %dma_start3A_230 = tpu.memref_squeeze %dma_start3A_229 : memref<1x8x16xf32, #tpu.memory_space<hbm>> -> memref<8x16xf32, #tpu.memory_space<hbm>>
      %dma_start3A_231 = arith.constant 48 : i32
      %dma_start3A_232 = arith.constant 0 : i32
      %dma_start3A_233 = tpu.memref_slice %arg14[%dma_start3A_231, %dma_start3A_232] : memref<128x16xf32, #tpu.memory_space<vmem>> -> memref<8x16xf32, #tpu.memory_space<vmem>>
      %dma_start3A_234 = arith.constant 0 : i32
      %dma_start3A_235 = arith.constant 0 : i32
      %dma_start3A_236 = tpu.memref_slice %arg7[%squeeze3A_223, %dma_start3A_234, %dma_start3A_235] : memref<125000x8x16xf32, #tpu.memory_space<hbm>> -> memref<1x8x16xf32, #tpu.memory_space<hbm>>
      %dma_start3A_237 = tpu.memref_squeeze %dma_start3A_236 : memref<1x8x16xf32, #tpu.memory_space<hbm>> -> memref<8x16xf32, #tpu.memory_space<hbm>>
      tpu.enqueue_dma source(%dma_start3A_237 : memref<8x16xf32, #tpu.memory_space<hbm>>) target(%dma_start3A_233 : memref<8x16xf32, #tpu.memory_space<vmem>>) target_semaphore(%arg17 : memref<!tpu.dma_semaphore, #tpu.memory_space<semaphore_mem>>)
      %slice3A_238 = vector.extract_strided_slice %get3A_12 {offsets = [7], sizes = [1], strides = [1]} : vector<16xi32> to vector<1xi32>
      %squeeze3A_239 = vector.extract %slice3A_238[0] : i32 from vector<1xi32>
      %dma_start3A_240 = arith.constant 56 : i32
      %dma_start3A_241 = arith.constant 0 : i32
      %dma_start3A_242 = tpu.memref_slice %arg13[%dma_start3A_240, %dma_start3A_241] : memref<128x16xf32, #tpu.memory_space<vmem>> -> memref<8x16xf32, #tpu.memory_space<vmem>>
      %dma_start3A_243 = arith.constant 0 : i32
      %dma_start3A_244 = arith.constant 0 : i32
      %dma_start3A_245 = tpu.memref_slice %arg6[%squeeze3A_239, %dma_start3A_243, %dma_start3A_244] : memref<125000x8x16xf32, #tpu.memory_space<hbm>> -> memref<1x8x16xf32, #tpu.memory_space<hbm>>
      %dma_start3A_246 = tpu.memref_squeeze %dma_start3A_245 : memref<1x8x16xf32, #tpu.memory_space<hbm>> -> memref<8x16xf32, #tpu.memory_space<hbm>>
      %dma_start3A_247 = arith.constant 56 : i32
      %dma_start3A_248 = arith.constant 0 : i32
      %dma_start3A_249 = tpu.memref_slice %arg13[%dma_start3A_247, %dma_start3A_248] : memref<128x16xf32, #tpu.memory_space<vmem>> -> memref<8x16xf32, #tpu.memory_space<vmem>>
      %dma_start3A_250 = arith.constant 0 : i32
      %dma_start3A_251 = arith.constant 0 : i32
      %dma_start3A_252 = tpu.memref_slice %arg6[%squeeze3A_239, %dma_start3A_250, %dma_start3A_251] : memref<125000x8x16xf32, #tpu.memory_space<hbm>> -> memref<1x8x16xf32, #tpu.memory_space<hbm>>
      %dma_start3A_253 = tpu.memref_squeeze %dma_start3A_252 : memref<1x8x16xf32, #tpu.memory_space<hbm>> -> memref<8x16xf32, #tpu.memory_space<hbm>>
      tpu.enqueue_dma source(%dma_start3A_253 : memref<8x16xf32, #tpu.memory_space<hbm>>) target(%dma_start3A_249 : memref<8x16xf32, #tpu.memory_space<vmem>>) target_semaphore(%arg16 : memref<!tpu.dma_semaphore, #tpu.memory_space<semaphore_mem>>)
      %slice3A_254 = vector.extract_strided_slice %get3A_16 {offsets = [7], sizes = [1], strides = [1]} : vector<16xi32> to vector<1xi32>
      %squeeze3A_255 = vector.extract %slice3A_254[0] : i32 from vector<1xi32>
      %dma_start3A_256 = arith.constant 56 : i32
      %dma_start3A_257 = arith.constant 0 : i32
      %dma_start3A_258 = tpu.memref_slice %arg14[%dma_start3A_256, %dma_start3A_257] : memref<128x16xf32, #tpu.memory_space<vmem>> -> memref<8x16xf32, #tpu.memory_space<vmem>>
      %dma_start3A_259 = arith.constant 0 : i32
      %dma_start3A_260 = arith.constant 0 : i32
      %dma_start3A_261 = tpu.memref_slice %arg7[%squeeze3A_255, %dma_start3A_259, %dma_start3A_260] : memref<125000x8x16xf32, #tpu.memory_space<hbm>> -> memref<1x8x16xf32, #tpu.memory_space<hbm>>
      %dma_start3A_262 = tpu.memref_squeeze %dma_start3A_261 : memref<1x8x16xf32, #tpu.memory_space<hbm>> -> memref<8x16xf32, #tpu.memory_space<hbm>>
      %dma_start3A_263 = arith.constant 56 : i32
      %dma_start3A_264 = arith.constant 0 : i32
      %dma_start3A_265 = tpu.memref_slice %arg14[%dma_start3A_263, %dma_start3A_264] : memref<128x16xf32, #tpu.memory_space<vmem>> -> memref<8x16xf32, #tpu.memory_space<vmem>>
      %dma_start3A_266 = arith.constant 0 : i32
      %dma_start3A_267 = arith.constant 0 : i32
      %dma_start3A_268 = tpu.memref_slice %arg7[%squeeze3A_255, %dma_start3A_266, %dma_start3A_267] : memref<125000x8x16xf32, #tpu.memory_space<hbm>> -> memref<1x8x16xf32, #tpu.memory_space<hbm>>
      %dma_start3A_269 = tpu.memref_squeeze %dma_start3A_268 : memref<1x8x16xf32, #tpu.memory_space<hbm>> -> memref<8x16xf32, #tpu.memory_space<hbm>>
      tpu.enqueue_dma source(%dma_start3A_269 : memref<8x16xf32, #tpu.memory_space<hbm>>) target(%dma_start3A_265 : memref<8x16xf32, #tpu.memory_space<vmem>>) target_semaphore(%arg17 : memref<!tpu.dma_semaphore, #tpu.memory_space<semaphore_mem>>)
      %slice3A_270 = vector.extract_strided_slice %get3A_12 {offsets = [8], sizes = [1], strides = [1]} : vector<16xi32> to vector<1xi32>
      %squeeze3A_271 = vector.extract %slice3A_270[0] : i32 from vector<1xi32>
      %dma_start3A_272 = arith.constant 64 : i32
      %dma_start3A_273 = arith.constant 0 : i32
      %dma_start3A_274 = tpu.memref_slice %arg13[%dma_start3A_272, %dma_start3A_273] : memref<128x16xf32, #tpu.memory_space<vmem>> -> memref<8x16xf32, #tpu.memory_space<vmem>>
      %dma_start3A_275 = arith.constant 0 : i32
      %dma_start3A_276 = arith.constant 0 : i32
      %dma_start3A_277 = tpu.memref_slice %arg6[%squeeze3A_271, %dma_start3A_275, %dma_start3A_276] : memref<125000x8x16xf32, #tpu.memory_space<hbm>> -> memref<1x8x16xf32, #tpu.memory_space<hbm>>
      %dma_start3A_278 = tpu.memref_squeeze %dma_start3A_277 : memref<1x8x16xf32, #tpu.memory_space<hbm>> -> memref<8x16xf32, #tpu.memory_space<hbm>>
      %dma_start3A_279 = arith.constant 64 : i32
      %dma_start3A_280 = arith.constant 0 : i32
      %dma_start3A_281 = tpu.memref_slice %arg13[%dma_start3A_279, %dma_start3A_280] : memref<128x16xf32, #tpu.memory_space<vmem>> -> memref<8x16xf32, #tpu.memory_space<vmem>>
      %dma_start3A_282 = arith.constant 0 : i32
      %dma_start3A_283 = arith.constant 0 : i32
      %dma_start3A_284 = tpu.memref_slice %arg6[%squeeze3A_271, %dma_start3A_282, %dma_start3A_283] : memref<125000x8x16xf32, #tpu.memory_space<hbm>> -> memref<1x8x16xf32, #tpu.memory_space<hbm>>
      %dma_start3A_285 = tpu.memref_squeeze %dma_start3A_284 : memref<1x8x16xf32, #tpu.memory_space<hbm>> -> memref<8x16xf32, #tpu.memory_space<hbm>>
      tpu.enqueue_dma source(%dma_start3A_285 : memref<8x16xf32, #tpu.memory_space<hbm>>) target(%dma_start3A_281 : memref<8x16xf32, #tpu.memory_space<vmem>>) target_semaphore(%arg16 : memref<!tpu.dma_semaphore, #tpu.memory_space<semaphore_mem>>)
      %slice3A_286 = vector.extract_strided_slice %get3A_16 {offsets = [8], sizes = [1], strides = [1]} : vector<16xi32> to vector<1xi32>
      %squeeze3A_287 = vector.extract %slice3A_286[0] : i32 from vector<1xi32>
      %dma_start3A_288 = arith.constant 64 : i32
      %dma_start3A_289 = arith.constant 0 : i32
      %dma_start3A_290 = tpu.memref_slice %arg14[%dma_start3A_288, %dma_start3A_289] : memref<128x16xf32, #tpu.memory_space<vmem>> -> memref<8x16xf32, #tpu.memory_space<vmem>>
      %dma_start3A_291 = arith.constant 0 : i32
      %dma_start3A_292 = arith.constant 0 : i32
      %dma_start3A_293 = tpu.memref_slice %arg7[%squeeze3A_287, %dma_start3A_291, %dma_start3A_292] : memref<125000x8x16xf32, #tpu.memory_space<hbm>> -> memref<1x8x16xf32, #tpu.memory_space<hbm>>
      %dma_start3A_294 = tpu.memref_squeeze %dma_start3A_293 : memref<1x8x16xf32, #tpu.memory_space<hbm>> -> memref<8x16xf32, #tpu.memory_space<hbm>>
      %dma_start3A_295 = arith.constant 64 : i32
      %dma_start3A_296 = arith.constant 0 : i32
      %dma_start3A_297 = tpu.memref_slice %arg14[%dma_start3A_295, %dma_start3A_296] : memref<128x16xf32, #tpu.memory_space<vmem>> -> memref<8x16xf32, #tpu.memory_space<vmem>>
      %dma_start3A_298 = arith.constant 0 : i32
      %dma_start3A_299 = arith.constant 0 : i32
      %dma_start3A_300 = tpu.memref_slice %arg7[%squeeze3A_287, %dma_start3A_298, %dma_start3A_299] : memref<125000x8x16xf32, #tpu.memory_space<hbm>> -> memref<1x8x16xf32, #tpu.memory_space<hbm>>
      %dma_start3A_301 = tpu.memref_squeeze %dma_start3A_300 : memref<1x8x16xf32, #tpu.memory_space<hbm>> -> memref<8x16xf32, #tpu.memory_space<hbm>>
      tpu.enqueue_dma source(%dma_start3A_301 : memref<8x16xf32, #tpu.memory_space<hbm>>) target(%dma_start3A_297 : memref<8x16xf32, #tpu.memory_space<vmem>>) target_semaphore(%arg17 : memref<!tpu.dma_semaphore, #tpu.memory_space<semaphore_mem>>)
      %slice3A_302 = vector.extract_strided_slice %get3A_12 {offsets = [9], sizes = [1], strides = [1]} : vector<16xi32> to vector<1xi32>
      %squeeze3A_303 = vector.extract %slice3A_302[0] : i32 from vector<1xi32>
      %dma_start3A_304 = arith.constant 72 : i32
      %dma_start3A_305 = arith.constant 0 : i32
      %dma_start3A_306 = tpu.memref_slice %arg13[%dma_start3A_304, %dma_start3A_305] : memref<128x16xf32, #tpu.memory_space<vmem>> -> memref<8x16xf32, #tpu.memory_space<vmem>>
      %dma_start3A_307 = arith.constant 0 : i32
      %dma_start3A_308 = arith.constant 0 : i32
      %dma_start3A_309 = tpu.memref_slice %arg6[%squeeze3A_303, %dma_start3A_307, %dma_start3A_308] : memref<125000x8x16xf32, #tpu.memory_space<hbm>> -> memref<1x8x16xf32, #tpu.memory_space<hbm>>
      %dma_start3A_310 = tpu.memref_squeeze %dma_start3A_309 : memref<1x8x16xf32, #tpu.memory_space<hbm>> -> memref<8x16xf32, #tpu.memory_space<hbm>>
      %dma_start3A_311 = arith.constant 72 : i32
      %dma_start3A_312 = arith.constant 0 : i32
      %dma_start3A_313 = tpu.memref_slice %arg13[%dma_start3A_311, %dma_start3A_312] : memref<128x16xf32, #tpu.memory_space<vmem>> -> memref<8x16xf32, #tpu.memory_space<vmem>>
      %dma_start3A_314 = arith.constant 0 : i32
      %dma_start3A_315 = arith.constant 0 : i32
      %dma_start3A_316 = tpu.memref_slice %arg6[%squeeze3A_303, %dma_start3A_314, %dma_start3A_315] : memref<125000x8x16xf32, #tpu.memory_space<hbm>> -> memref<1x8x16xf32, #tpu.memory_space<hbm>>
      %dma_start3A_317 = tpu.memref_squeeze %dma_start3A_316 : memref<1x8x16xf32, #tpu.memory_space<hbm>> -> memref<8x16xf32, #tpu.memory_space<hbm>>
      tpu.enqueue_dma source(%dma_start3A_317 : memref<8x16xf32, #tpu.memory_space<hbm>>) target(%dma_start3A_313 : memref<8x16xf32, #tpu.memory_space<vmem>>) target_semaphore(%arg16 : memref<!tpu.dma_semaphore, #tpu.memory_space<semaphore_mem>>)
      %slice3A_318 = vector.extract_strided_slice %get3A_16 {offsets = [9], sizes = [1], strides = [1]} : vector<16xi32> to vector<1xi32>
      %squeeze3A_319 = vector.extract %slice3A_318[0] : i32 from vector<1xi32>
      %dma_start3A_320 = arith.constant 72 : i32
      %dma_start3A_321 = arith.constant 0 : i32
      %dma_start3A_322 = tpu.memref_slice %arg14[%dma_start3A_320, %dma_start3A_321] : memref<128x16xf32, #tpu.memory_space<vmem>> -> memref<8x16xf32, #tpu.memory_space<vmem>>
      %dma_start3A_323 = arith.constant 0 : i32
      %dma_start3A_324 = arith.constant 0 : i32
      %dma_start3A_325 = tpu.memref_slice %arg7[%squeeze3A_319, %dma_start3A_323, %dma_start3A_324] : memref<125000x8x16xf32, #tpu.memory_space<hbm>> -> memref<1x8x16xf32, #tpu.memory_space<hbm>>
      %dma_start3A_326 = tpu.memref_squeeze %dma_start3A_325 : memref<1x8x16xf32, #tpu.memory_space<hbm>> -> memref<8x16xf32, #tpu.memory_space<hbm>>
      %dma_start3A_327 = arith.constant 72 : i32
      %dma_start3A_328 = arith.constant 0 : i32
      %dma_start3A_329 = tpu.memref_slice %arg14[%dma_start3A_327, %dma_start3A_328] : memref<128x16xf32, #tpu.memory_space<vmem>> -> memref<8x16xf32, #tpu.memory_space<vmem>>
      %dma_start3A_330 = arith.constant 0 : i32
      %dma_start3A_331 = arith.constant 0 : i32
      %dma_start3A_332 = tpu.memref_slice %arg7[%squeeze3A_319, %dma_start3A_330, %dma_start3A_331] : memref<125000x8x16xf32, #tpu.memory_space<hbm>> -> memref<1x8x16xf32, #tpu.memory_space<hbm>>
      %dma_start3A_333 = tpu.memref_squeeze %dma_start3A_332 : memref<1x8x16xf32, #tpu.memory_space<hbm>> -> memref<8x16xf32, #tpu.memory_space<hbm>>
      tpu.enqueue_dma source(%dma_start3A_333 : memref<8x16xf32, #tpu.memory_space<hbm>>) target(%dma_start3A_329 : memref<8x16xf32, #tpu.memory_space<vmem>>) target_semaphore(%arg17 : memref<!tpu.dma_semaphore, #tpu.memory_space<semaphore_mem>>)
      %slice3A_334 = vector.extract_strided_slice %get3A_12 {offsets = [10], sizes = [1], strides = [1]} : vector<16xi32> to vector<1xi32>
      %squeeze3A_335 = vector.extract %slice3A_334[0] : i32 from vector<1xi32>
      %dma_start3A_336 = arith.constant 80 : i32
      %dma_start3A_337 = arith.constant 0 : i32
      %dma_start3A_338 = tpu.memref_slice %arg13[%dma_start3A_336, %dma_start3A_337] : memref<128x16xf32, #tpu.memory_space<vmem>> -> memref<8x16xf32, #tpu.memory_space<vmem>>
      %dma_start3A_339 = arith.constant 0 : i32
      %dma_start3A_340 = arith.constant 0 : i32
      %dma_start3A_341 = tpu.memref_slice %arg6[%squeeze3A_335, %dma_start3A_339, %dma_start3A_340] : memref<125000x8x16xf32, #tpu.memory_space<hbm>> -> memref<1x8x16xf32, #tpu.memory_space<hbm>>
      %dma_start3A_342 = tpu.memref_squeeze %dma_start3A_341 : memref<1x8x16xf32, #tpu.memory_space<hbm>> -> memref<8x16xf32, #tpu.memory_space<hbm>>
      %dma_start3A_343 = arith.constant 80 : i32
      %dma_start3A_344 = arith.constant 0 : i32
      %dma_start3A_345 = tpu.memref_slice %arg13[%dma_start3A_343, %dma_start3A_344] : memref<128x16xf32, #tpu.memory_space<vmem>> -> memref<8x16xf32, #tpu.memory_space<vmem>>
      %dma_start3A_346 = arith.constant 0 : i32
      %dma_start3A_347 = arith.constant 0 : i32
      %dma_start3A_348 = tpu.memref_slice %arg6[%squeeze3A_335, %dma_start3A_346, %dma_start3A_347] : memref<125000x8x16xf32, #tpu.memory_space<hbm>> -> memref<1x8x16xf32, #tpu.memory_space<hbm>>
      %dma_start3A_349 = tpu.memref_squeeze %dma_start3A_348 : memref<1x8x16xf32, #tpu.memory_space<hbm>> -> memref<8x16xf32, #tpu.memory_space<hbm>>
      tpu.enqueue_dma source(%dma_start3A_349 : memref<8x16xf32, #tpu.memory_space<hbm>>) target(%dma_start3A_345 : memref<8x16xf32, #tpu.memory_space<vmem>>) target_semaphore(%arg16 : memref<!tpu.dma_semaphore, #tpu.memory_space<semaphore_mem>>)
      %slice3A_350 = vector.extract_strided_slice %get3A_16 {offsets = [10], sizes = [1], strides = [1]} : vector<16xi32> to vector<1xi32>
      %squeeze3A_351 = vector.extract %slice3A_350[0] : i32 from vector<1xi32>
      %dma_start3A_352 = arith.constant 80 : i32
      %dma_start3A_353 = arith.constant 0 : i32
      %dma_start3A_354 = tpu.memref_slice %arg14[%dma_start3A_352, %dma_start3A_353] : memref<128x16xf32, #tpu.memory_space<vmem>> -> memref<8x16xf32, #tpu.memory_space<vmem>>
      %dma_start3A_355 = arith.constant 0 : i32
      %dma_start3A_356 = arith.constant 0 : i32
      %dma_start3A_357 = tpu.memref_slice %arg7[%squeeze3A_351, %dma_start3A_355, %dma_start3A_356] : memref<125000x8x16xf32, #tpu.memory_space<hbm>> -> memref<1x8x16xf32, #tpu.memory_space<hbm>>
      %dma_start3A_358 = tpu.memref_squeeze %dma_start3A_357 : memref<1x8x16xf32, #tpu.memory_space<hbm>> -> memref<8x16xf32, #tpu.memory_space<hbm>>
      %dma_start3A_359 = arith.constant 80 : i32
      %dma_start3A_360 = arith.constant 0 : i32
      %dma_start3A_361 = tpu.memref_slice %arg14[%dma_start3A_359, %dma_start3A_360] : memref<128x16xf32, #tpu.memory_space<vmem>> -> memref<8x16xf32, #tpu.memory_space<vmem>>
      %dma_start3A_362 = arith.constant 0 : i32
      %dma_start3A_363 = arith.constant 0 : i32
      %dma_start3A_364 = tpu.memref_slice %arg7[%squeeze3A_351, %dma_start3A_362, %dma_start3A_363] : memref<125000x8x16xf32, #tpu.memory_space<hbm>> -> memref<1x8x16xf32, #tpu.memory_space<hbm>>
      %dma_start3A_365 = tpu.memref_squeeze %dma_start3A_364 : memref<1x8x16xf32, #tpu.memory_space<hbm>> -> memref<8x16xf32, #tpu.memory_space<hbm>>
      tpu.enqueue_dma source(%dma_start3A_365 : memref<8x16xf32, #tpu.memory_space<hbm>>) target(%dma_start3A_361 : memref<8x16xf32, #tpu.memory_space<vmem>>) target_semaphore(%arg17 : memref<!tpu.dma_semaphore, #tpu.memory_space<semaphore_mem>>)
      %slice3A_366 = vector.extract_strided_slice %get3A_12 {offsets = [11], sizes = [1], strides = [1]} : vector<16xi32> to vector<1xi32>
      %squeeze3A_367 = vector.extract %slice3A_366[0] : i32 from vector<1xi32>
      %dma_start3A_368 = arith.constant 88 : i32
      %dma_start3A_369 = arith.constant 0 : i32
      %dma_start3A_370 = tpu.memref_slice %arg13[%dma_start3A_368, %dma_start3A_369] : memref<128x16xf32, #tpu.memory_space<vmem>> -> memref<8x16xf32, #tpu.memory_space<vmem>>
      %dma_start3A_371 = arith.constant 0 : i32
      %dma_start3A_372 = arith.constant 0 : i32
      %dma_start3A_373 = tpu.memref_slice %arg6[%squeeze3A_367, %dma_start3A_371, %dma_start3A_372] : memref<125000x8x16xf32, #tpu.memory_space<hbm>> -> memref<1x8x16xf32, #tpu.memory_space<hbm>>
      %dma_start3A_374 = tpu.memref_squeeze %dma_start3A_373 : memref<1x8x16xf32, #tpu.memory_space<hbm>> -> memref<8x16xf32, #tpu.memory_space<hbm>>
      %dma_start3A_375 = arith.constant 88 : i32
      %dma_start3A_376 = arith.constant 0 : i32
      %dma_start3A_377 = tpu.memref_slice %arg13[%dma_start3A_375, %dma_start3A_376] : memref<128x16xf32, #tpu.memory_space<vmem>> -> memref<8x16xf32, #tpu.memory_space<vmem>>
      %dma_start3A_378 = arith.constant 0 : i32
      %dma_start3A_379 = arith.constant 0 : i32
      %dma_start3A_380 = tpu.memref_slice %arg6[%squeeze3A_367, %dma_start3A_378, %dma_start3A_379] : memref<125000x8x16xf32, #tpu.memory_space<hbm>> -> memref<1x8x16xf32, #tpu.memory_space<hbm>>
      %dma_start3A_381 = tpu.memref_squeeze %dma_start3A_380 : memref<1x8x16xf32, #tpu.memory_space<hbm>> -> memref<8x16xf32, #tpu.memory_space<hbm>>
      tpu.enqueue_dma source(%dma_start3A_381 : memref<8x16xf32, #tpu.memory_space<hbm>>) target(%dma_start3A_377 : memref<8x16xf32, #tpu.memory_space<vmem>>) target_semaphore(%arg16 : memref<!tpu.dma_semaphore, #tpu.memory_space<semaphore_mem>>)
      %slice3A_382 = vector.extract_strided_slice %get3A_16 {offsets = [11], sizes = [1], strides = [1]} : vector<16xi32> to vector<1xi32>
      %squeeze3A_383 = vector.extract %slice3A_382[0] : i32 from vector<1xi32>
      %dma_start3A_384 = arith.constant 88 : i32
      %dma_start3A_385 = arith.constant 0 : i32
      %dma_start3A_386 = tpu.memref_slice %arg14[%dma_start3A_384, %dma_start3A_385] : memref<128x16xf32, #tpu.memory_space<vmem>> -> memref<8x16xf32, #tpu.memory_space<vmem>>
      %dma_start3A_387 = arith.constant 0 : i32
      %dma_start3A_388 = arith.constant 0 : i32
      %dma_start3A_389 = tpu.memref_slice %arg7[%squeeze3A_383, %dma_start3A_387, %dma_start3A_388] : memref<125000x8x16xf32, #tpu.memory_space<hbm>> -> memref<1x8x16xf32, #tpu.memory_space<hbm>>
      %dma_start3A_390 = tpu.memref_squeeze %dma_start3A_389 : memref<1x8x16xf32, #tpu.memory_space<hbm>> -> memref<8x16xf32, #tpu.memory_space<hbm>>
      %dma_start3A_391 = arith.constant 88 : i32
      %dma_start3A_392 = arith.constant 0 : i32
      %dma_start3A_393 = tpu.memref_slice %arg14[%dma_start3A_391, %dma_start3A_392] : memref<128x16xf32, #tpu.memory_space<vmem>> -> memref<8x16xf32, #tpu.memory_space<vmem>>
      %dma_start3A_394 = arith.constant 0 : i32
      %dma_start3A_395 = arith.constant 0 : i32
      %dma_start3A_396 = tpu.memref_slice %arg7[%squeeze3A_383, %dma_start3A_394, %dma_start3A_395] : memref<125000x8x16xf32, #tpu.memory_space<hbm>> -> memref<1x8x16xf32, #tpu.memory_space<hbm>>
      %dma_start3A_397 = tpu.memref_squeeze %dma_start3A_396 : memref<1x8x16xf32, #tpu.memory_space<hbm>> -> memref<8x16xf32, #tpu.memory_space<hbm>>
      tpu.enqueue_dma source(%dma_start3A_397 : memref<8x16xf32, #tpu.memory_space<hbm>>) target(%dma_start3A_393 : memref<8x16xf32, #tpu.memory_space<vmem>>) target_semaphore(%arg17 : memref<!tpu.dma_semaphore, #tpu.memory_space<semaphore_mem>>)
      %slice3A_398 = vector.extract_strided_slice %get3A_12 {offsets = [12], sizes = [1], strides = [1]} : vector<16xi32> to vector<1xi32>
      %squeeze3A_399 = vector.extract %slice3A_398[0] : i32 from vector<1xi32>
      %dma_start3A_400 = arith.constant 96 : i32
      %dma_start3A_401 = arith.constant 0 : i32
      %dma_start3A_402 = tpu.memref_slice %arg13[%dma_start3A_400, %dma_start3A_401] : memref<128x16xf32, #tpu.memory_space<vmem>> -> memref<8x16xf32, #tpu.memory_space<vmem>>
      %dma_start3A_403 = arith.constant 0 : i32
      %dma_start3A_404 = arith.constant 0 : i32
      %dma_start3A_405 = tpu.memref_slice %arg6[%squeeze3A_399, %dma_start3A_403, %dma_start3A_404] : memref<125000x8x16xf32, #tpu.memory_space<hbm>> -> memref<1x8x16xf32, #tpu.memory_space<hbm>>
      %dma_start3A_406 = tpu.memref_squeeze %dma_start3A_405 : memref<1x8x16xf32, #tpu.memory_space<hbm>> -> memref<8x16xf32, #tpu.memory_space<hbm>>
      %dma_start3A_407 = arith.constant 96 : i32
      %dma_start3A_408 = arith.constant 0 : i32
      %dma_start3A_409 = tpu.memref_slice %arg13[%dma_start3A_407, %dma_start3A_408] : memref<128x16xf32, #tpu.memory_space<vmem>> -> memref<8x16xf32, #tpu.memory_space<vmem>>
      %dma_start3A_410 = arith.constant 0 : i32
      %dma_start3A_411 = arith.constant 0 : i32
      %dma_start3A_412 = tpu.memref_slice %arg6[%squeeze3A_399, %dma_start3A_410, %dma_start3A_411] : memref<125000x8x16xf32, #tpu.memory_space<hbm>> -> memref<1x8x16xf32, #tpu.memory_space<hbm>>
      %dma_start3A_413 = tpu.memref_squeeze %dma_start3A_412 : memref<1x8x16xf32, #tpu.memory_space<hbm>> -> memref<8x16xf32, #tpu.memory_space<hbm>>
      tpu.enqueue_dma source(%dma_start3A_413 : memref<8x16xf32, #tpu.memory_space<hbm>>) target(%dma_start3A_409 : memref<8x16xf32, #tpu.memory_space<vmem>>) target_semaphore(%arg16 : memref<!tpu.dma_semaphore, #tpu.memory_space<semaphore_mem>>)
      %slice3A_414 = vector.extract_strided_slice %get3A_16 {offsets = [12], sizes = [1], strides = [1]} : vector<16xi32> to vector<1xi32>
      %squeeze3A_415 = vector.extract %slice3A_414[0] : i32 from vector<1xi32>
      %dma_start3A_416 = arith.constant 96 : i32
      %dma_start3A_417 = arith.constant 0 : i32
      %dma_start3A_418 = tpu.memref_slice %arg14[%dma_start3A_416, %dma_start3A_417] : memref<128x16xf32, #tpu.memory_space<vmem>> -> memref<8x16xf32, #tpu.memory_space<vmem>>
      %dma_start3A_419 = arith.constant 0 : i32
      %dma_start3A_420 = arith.constant 0 : i32
      %dma_start3A_421 = tpu.memref_slice %arg7[%squeeze3A_415, %dma_start3A_419, %dma_start3A_420] : memref<125000x8x16xf32, #tpu.memory_space<hbm>> -> memref<1x8x16xf32, #tpu.memory_space<hbm>>
      %dma_start3A_422 = tpu.memref_squeeze %dma_start3A_421 : memref<1x8x16xf32, #tpu.memory_space<hbm>> -> memref<8x16xf32, #tpu.memory_space<hbm>>
      %dma_start3A_423 = arith.constant 96 : i32
      %dma_start3A_424 = arith.constant 0 : i32
      %dma_start3A_425 = tpu.memref_slice %arg14[%dma_start3A_423, %dma_start3A_424] : memref<128x16xf32, #tpu.memory_space<vmem>> -> memref<8x16xf32, #tpu.memory_space<vmem>>
      %dma_start3A_426 = arith.constant 0 : i32
      %dma_start3A_427 = arith.constant 0 : i32
      %dma_start3A_428 = tpu.memref_slice %arg7[%squeeze3A_415, %dma_start3A_426, %dma_start3A_427] : memref<125000x8x16xf32, #tpu.memory_space<hbm>> -> memref<1x8x16xf32, #tpu.memory_space<hbm>>
      %dma_start3A_429 = tpu.memref_squeeze %dma_start3A_428 : memref<1x8x16xf32, #tpu.memory_space<hbm>> -> memref<8x16xf32, #tpu.memory_space<hbm>>
      tpu.enqueue_dma source(%dma_start3A_429 : memref<8x16xf32, #tpu.memory_space<hbm>>) target(%dma_start3A_425 : memref<8x16xf32, #tpu.memory_space<vmem>>) target_semaphore(%arg17 : memref<!tpu.dma_semaphore, #tpu.memory_space<semaphore_mem>>)
      %slice3A_430 = vector.extract_strided_slice %get3A_12 {offsets = [13], sizes = [1], strides = [1]} : vector<16xi32> to vector<1xi32>
      %squeeze3A_431 = vector.extract %slice3A_430[0] : i32 from vector<1xi32>
      %dma_start3A_432 = arith.constant 104 : i32
      %dma_start3A_433 = arith.constant 0 : i32
      %dma_start3A_434 = tpu.memref_slice %arg13[%dma_start3A_432, %dma_start3A_433] : memref<128x16xf32, #tpu.memory_space<vmem>> -> memref<8x16xf32, #tpu.memory_space<vmem>>
      %dma_start3A_435 = arith.constant 0 : i32
      %dma_start3A_436 = arith.constant 0 : i32
      %dma_start3A_437 = tpu.memref_slice %arg6[%squeeze3A_431, %dma_start3A_435, %dma_start3A_436] : memref<125000x8x16xf32, #tpu.memory_space<hbm>> -> memref<1x8x16xf32, #tpu.memory_space<hbm>>
      %dma_start3A_438 = tpu.memref_squeeze %dma_start3A_437 : memref<1x8x16xf32, #tpu.memory_space<hbm>> -> memref<8x16xf32, #tpu.memory_space<hbm>>
      %dma_start3A_439 = arith.constant 104 : i32
      %dma_start3A_440 = arith.constant 0 : i32
      %dma_start3A_441 = tpu.memref_slice %arg13[%dma_start3A_439, %dma_start3A_440] : memref<128x16xf32, #tpu.memory_space<vmem>> -> memref<8x16xf32, #tpu.memory_space<vmem>>
      %dma_start3A_442 = arith.constant 0 : i32
      %dma_start3A_443 = arith.constant 0 : i32
      %dma_start3A_444 = tpu.memref_slice %arg6[%squeeze3A_431, %dma_start3A_442, %dma_start3A_443] : memref<125000x8x16xf32, #tpu.memory_space<hbm>> -> memref<1x8x16xf32, #tpu.memory_space<hbm>>
      %dma_start3A_445 = tpu.memref_squeeze %dma_start3A_444 : memref<1x8x16xf32, #tpu.memory_space<hbm>> -> memref<8x16xf32, #tpu.memory_space<hbm>>
      tpu.enqueue_dma source(%dma_start3A_445 : memref<8x16xf32, #tpu.memory_space<hbm>>) target(%dma_start3A_441 : memref<8x16xf32, #tpu.memory_space<vmem>>) target_semaphore(%arg16 : memref<!tpu.dma_semaphore, #tpu.memory_space<semaphore_mem>>)
      %slice3A_446 = vector.extract_strided_slice %get3A_16 {offsets = [13], sizes = [1], strides = [1]} : vector<16xi32> to vector<1xi32>
      %squeeze3A_447 = vector.extract %slice3A_446[0] : i32 from vector<1xi32>
      %dma_start3A_448 = arith.constant 104 : i32
      %dma_start3A_449 = arith.constant 0 : i32
      %dma_start3A_450 = tpu.memref_slice %arg14[%dma_start3A_448, %dma_start3A_449] : memref<128x16xf32, #tpu.memory_space<vmem>> -> memref<8x16xf32, #tpu.memory_space<vmem>>
      %dma_start3A_451 = arith.constant 0 : i32
      %dma_start3A_452 = arith.constant 0 : i32
      %dma_start3A_453 = tpu.memref_slice %arg7[%squeeze3A_447, %dma_start3A_451, %dma_start3A_452] : memref<125000x8x16xf32, #tpu.memory_space<hbm>> -> memref<1x8x16xf32, #tpu.memory_space<hbm>>
      %dma_start3A_454 = tpu.memref_squeeze %dma_start3A_453 : memref<1x8x16xf32, #tpu.memory_space<hbm>> -> memref<8x16xf32, #tpu.memory_space<hbm>>
      %dma_start3A_455 = arith.constant 104 : i32
      %dma_start3A_456 = arith.constant 0 : i32
      %dma_start3A_457 = tpu.memref_slice %arg14[%dma_start3A_455, %dma_start3A_456] : memref<128x16xf32, #tpu.memory_space<vmem>> -> memref<8x16xf32, #tpu.memory_space<vmem>>
      %dma_start3A_458 = arith.constant 0 : i32
      %dma_start3A_459 = arith.constant 0 : i32
      %dma_start3A_460 = tpu.memref_slice %arg7[%squeeze3A_447, %dma_start3A_458, %dma_start3A_459] : memref<125000x8x16xf32, #tpu.memory_space<hbm>> -> memref<1x8x16xf32, #tpu.memory_space<hbm>>
      %dma_start3A_461 = tpu.memref_squeeze %dma_start3A_460 : memref<1x8x16xf32, #tpu.memory_space<hbm>> -> memref<8x16xf32, #tpu.memory_space<hbm>>
      tpu.enqueue_dma source(%dma_start3A_461 : memref<8x16xf32, #tpu.memory_space<hbm>>) target(%dma_start3A_457 : memref<8x16xf32, #tpu.memory_space<vmem>>) target_semaphore(%arg17 : memref<!tpu.dma_semaphore, #tpu.memory_space<semaphore_mem>>)
      %slice3A_462 = vector.extract_strided_slice %get3A_12 {offsets = [14], sizes = [1], strides = [1]} : vector<16xi32> to vector<1xi32>
      %squeeze3A_463 = vector.extract %slice3A_462[0] : i32 from vector<1xi32>
      %dma_start3A_464 = arith.constant 112 : i32
      %dma_start3A_465 = arith.constant 0 : i32
      %dma_start3A_466 = tpu.memref_slice %arg13[%dma_start3A_464, %dma_start3A_465] : memref<128x16xf32, #tpu.memory_space<vmem>> -> memref<8x16xf32, #tpu.memory_space<vmem>>
      %dma_start3A_467 = arith.constant 0 : i32
      %dma_start3A_468 = arith.constant 0 : i32
      %dma_start3A_469 = tpu.memref_slice %arg6[%squeeze3A_463, %dma_start3A_467, %dma_start3A_468] : memref<125000x8x16xf32, #tpu.memory_space<hbm>> -> memref<1x8x16xf32, #tpu.memory_space<hbm>>
      %dma_start3A_470 = tpu.memref_squeeze %dma_start3A_469 : memref<1x8x16xf32, #tpu.memory_space<hbm>> -> memref<8x16xf32, #tpu.memory_space<hbm>>
      %dma_start3A_471 = arith.constant 112 : i32
      %dma_start3A_472 = arith.constant 0 : i32
      %dma_start3A_473 = tpu.memref_slice %arg13[%dma_start3A_471, %dma_start3A_472] : memref<128x16xf32, #tpu.memory_space<vmem>> -> memref<8x16xf32, #tpu.memory_space<vmem>>
      %dma_start3A_474 = arith.constant 0 : i32
      %dma_start3A_475 = arith.constant 0 : i32
      %dma_start3A_476 = tpu.memref_slice %arg6[%squeeze3A_463, %dma_start3A_474, %dma_start3A_475] : memref<125000x8x16xf32, #tpu.memory_space<hbm>> -> memref<1x8x16xf32, #tpu.memory_space<hbm>>
      %dma_start3A_477 = tpu.memref_squeeze %dma_start3A_476 : memref<1x8x16xf32, #tpu.memory_space<hbm>> -> memref<8x16xf32, #tpu.memory_space<hbm>>
      tpu.enqueue_dma source(%dma_start3A_477 : memref<8x16xf32, #tpu.memory_space<hbm>>) target(%dma_start3A_473 : memref<8x16xf32, #tpu.memory_space<vmem>>) target_semaphore(%arg16 : memref<!tpu.dma_semaphore, #tpu.memory_space<semaphore_mem>>)
      %slice3A_478 = vector.extract_strided_slice %get3A_16 {offsets = [14], sizes = [1], strides = [1]} : vector<16xi32> to vector<1xi32>
      %squeeze3A_479 = vector.extract %slice3A_478[0] : i32 from vector<1xi32>
      %dma_start3A_480 = arith.constant 112 : i32
      %dma_start3A_481 = arith.constant 0 : i32
      %dma_start3A_482 = tpu.memref_slice %arg14[%dma_start3A_480, %dma_start3A_481] : memref<128x16xf32, #tpu.memory_space<vmem>> -> memref<8x16xf32, #tpu.memory_space<vmem>>
      %dma_start3A_483 = arith.constant 0 : i32
      %dma_start3A_484 = arith.constant 0 : i32
      %dma_start3A_485 = tpu.memref_slice %arg7[%squeeze3A_479, %dma_start3A_483, %dma_start3A_484] : memref<125000x8x16xf32, #tpu.memory_space<hbm>> -> memref<1x8x16xf32, #tpu.memory_space<hbm>>
      %dma_start3A_486 = tpu.memref_squeeze %dma_start3A_485 : memref<1x8x16xf32, #tpu.memory_space<hbm>> -> memref<8x16xf32, #tpu.memory_space<hbm>>
      %dma_start3A_487 = arith.constant 112 : i32
      %dma_start3A_488 = arith.constant 0 : i32
      %dma_start3A_489 = tpu.memref_slice %arg14[%dma_start3A_487, %dma_start3A_488] : memref<128x16xf32, #tpu.memory_space<vmem>> -> memref<8x16xf32, #tpu.memory_space<vmem>>
      %dma_start3A_490 = arith.constant 0 : i32
      %dma_start3A_491 = arith.constant 0 : i32
      %dma_start3A_492 = tpu.memref_slice %arg7[%squeeze3A_479, %dma_start3A_490, %dma_start3A_491] : memref<125000x8x16xf32, #tpu.memory_space<hbm>> -> memref<1x8x16xf32, #tpu.memory_space<hbm>>
      %dma_start3A_493 = tpu.memref_squeeze %dma_start3A_492 : memref<1x8x16xf32, #tpu.memory_space<hbm>> -> memref<8x16xf32, #tpu.memory_space<hbm>>
      tpu.enqueue_dma source(%dma_start3A_493 : memref<8x16xf32, #tpu.memory_space<hbm>>) target(%dma_start3A_489 : memref<8x16xf32, #tpu.memory_space<vmem>>) target_semaphore(%arg17 : memref<!tpu.dma_semaphore, #tpu.memory_space<semaphore_mem>>)
      %slice3A_494 = vector.extract_strided_slice %get3A_12 {offsets = [15], sizes = [1], strides = [1]} : vector<16xi32> to vector<1xi32>
      %squeeze3A_495 = vector.extract %slice3A_494[0] : i32 from vector<1xi32>
      %dma_start3A_496 = arith.constant 120 : i32
      %dma_start3A_497 = arith.constant 0 : i32
      %dma_start3A_498 = tpu.memref_slice %arg13[%dma_start3A_496, %dma_start3A_497] : memref<128x16xf32, #tpu.memory_space<vmem>> -> memref<8x16xf32, #tpu.memory_space<vmem>>
      %dma_start3A_499 = arith.constant 0 : i32
      %dma_start3A_500 = arith.constant 0 : i32
      %dma_start3A_501 = tpu.memref_slice %arg6[%squeeze3A_495, %dma_start3A_499, %dma_start3A_500] : memref<125000x8x16xf32, #tpu.memory_space<hbm>> -> memref<1x8x16xf32, #tpu.memory_space<hbm>>
      %dma_start3A_502 = tpu.memref_squeeze %dma_start3A_501 : memref<1x8x16xf32, #tpu.memory_space<hbm>> -> memref<8x16xf32, #tpu.memory_space<hbm>>
      %dma_start3A_503 = arith.constant 120 : i32
      %dma_start3A_504 = arith.constant 0 : i32
      %dma_start3A_505 = tpu.memref_slice %arg13[%dma_start3A_503, %dma_start3A_504] : memref<128x16xf32, #tpu.memory_space<vmem>> -> memref<8x16xf32, #tpu.memory_space<vmem>>
      %dma_start3A_506 = arith.constant 0 : i32
      %dma_start3A_507 = arith.constant 0 : i32
      %dma_start3A_508 = tpu.memref_slice %arg6[%squeeze3A_495, %dma_start3A_506, %dma_start3A_507] : memref<125000x8x16xf32, #tpu.memory_space<hbm>> -> memref<1x8x16xf32, #tpu.memory_space<hbm>>
      %dma_start3A_509 = tpu.memref_squeeze %dma_start3A_508 : memref<1x8x16xf32, #tpu.memory_space<hbm>> -> memref<8x16xf32, #tpu.memory_space<hbm>>
      tpu.enqueue_dma source(%dma_start3A_509 : memref<8x16xf32, #tpu.memory_space<hbm>>) target(%dma_start3A_505 : memref<8x16xf32, #tpu.memory_space<vmem>>) target_semaphore(%arg16 : memref<!tpu.dma_semaphore, #tpu.memory_space<semaphore_mem>>)
      %slice3A_510 = vector.extract_strided_slice %get3A_16 {offsets = [15], sizes = [1], strides = [1]} : vector<16xi32> to vector<1xi32>
      %squeeze3A_511 = vector.extract %slice3A_510[0] : i32 from vector<1xi32>
      %dma_start3A_512 = arith.constant 120 : i32
      %dma_start3A_513 = arith.constant 0 : i32
      %dma_start3A_514 = tpu.memref_slice %arg14[%dma_start3A_512, %dma_start3A_513] : memref<128x16xf32, #tpu.memory_space<vmem>> -> memref<8x16xf32, #tpu.memory_space<vmem>>
      %dma_start3A_515 = arith.constant 0 : i32
      %dma_start3A_516 = arith.constant 0 : i32
      %dma_start3A_517 = tpu.memref_slice %arg7[%squeeze3A_511, %dma_start3A_515, %dma_start3A_516] : memref<125000x8x16xf32, #tpu.memory_space<hbm>> -> memref<1x8x16xf32, #tpu.memory_space<hbm>>
      %dma_start3A_518 = tpu.memref_squeeze %dma_start3A_517 : memref<1x8x16xf32, #tpu.memory_space<hbm>> -> memref<8x16xf32, #tpu.memory_space<hbm>>
      %dma_start3A_519 = arith.constant 120 : i32
      %dma_start3A_520 = arith.constant 0 : i32
      %dma_start3A_521 = tpu.memref_slice %arg14[%dma_start3A_519, %dma_start3A_520] : memref<128x16xf32, #tpu.memory_space<vmem>> -> memref<8x16xf32, #tpu.memory_space<vmem>>
      %dma_start3A_522 = arith.constant 0 : i32
      %dma_start3A_523 = arith.constant 0 : i32
      %dma_start3A_524 = tpu.memref_slice %arg7[%squeeze3A_511, %dma_start3A_522, %dma_start3A_523] : memref<125000x8x16xf32, #tpu.memory_space<hbm>> -> memref<1x8x16xf32, #tpu.memory_space<hbm>>
      %dma_start3A_525 = tpu.memref_squeeze %dma_start3A_524 : memref<1x8x16xf32, #tpu.memory_space<hbm>> -> memref<8x16xf32, #tpu.memory_space<hbm>>
      tpu.enqueue_dma source(%dma_start3A_525 : memref<8x16xf32, #tpu.memory_space<hbm>>) target(%dma_start3A_521 : memref<8x16xf32, #tpu.memory_space<vmem>>) target_semaphore(%arg17 : memref<!tpu.dma_semaphore, #tpu.memory_space<semaphore_mem>>)
      %dma_wait3A = arith.constant 0 : i32
      %dma_wait3A_526 = arith.constant 0 : i32
      %dma_wait3A_527 = tpu.memref_slice %arg13[%dma_wait3A, %dma_wait3A_526] : memref<128x16xf32, #tpu.memory_space<vmem>> -> memref<8x16xf32, #tpu.memory_space<vmem>>
      %dma_wait3A_528 = arith.constant 0 : i32
      %dma_wait3A_529 = arith.constant 0 : i32
      %dma_wait3A_530 = tpu.memref_slice %arg6[%squeeze3A, %dma_wait3A_528, %dma_wait3A_529] : memref<125000x8x16xf32, #tpu.memory_space<hbm>> -> memref<1x8x16xf32, #tpu.memory_space<hbm>>
      %dma_wait3A_531 = tpu.memref_squeeze %dma_wait3A_530 : memref<1x8x16xf32, #tpu.memory_space<hbm>> -> memref<8x16xf32, #tpu.memory_space<hbm>>
      %dma_wait3A_532 = arith.constant 0 : i32
      %dma_wait3A_533 = arith.constant 0 : i32
      %dma_wait3A_534 = tpu.memref_slice %arg13[%dma_wait3A_532, %dma_wait3A_533] : memref<128x16xf32, #tpu.memory_space<vmem>> -> memref<8x16xf32, #tpu.memory_space<vmem>>
      %dma_wait3A_535 = arith.constant 0 : i32
      %dma_wait3A_536 = arith.constant 0 : i32
      %dma_wait3A_537 = tpu.memref_slice %arg6[%squeeze3A, %dma_wait3A_535, %dma_wait3A_536] : memref<125000x8x16xf32, #tpu.memory_space<hbm>> -> memref<1x8x16xf32, #tpu.memory_space<hbm>>
      %dma_wait3A_538 = tpu.memref_squeeze %dma_wait3A_537 : memref<1x8x16xf32, #tpu.memory_space<hbm>> -> memref<8x16xf32, #tpu.memory_space<hbm>>
      tpu.wait_dma2 semaphore(%arg16 : memref<!tpu.dma_semaphore, #tpu.memory_space<semaphore_mem>>) src(%dma_wait3A_538 : memref<8x16xf32, #tpu.memory_space<hbm>>) dst(%dma_wait3A_534 : memref<8x16xf32, #tpu.memory_space<vmem>>)
      %dma_wait3A_539 = arith.constant 0 : i32
      %dma_wait3A_540 = arith.constant 0 : i32
      %dma_wait3A_541 = tpu.memref_slice %arg14[%dma_wait3A_539, %dma_wait3A_540] : memref<128x16xf32, #tpu.memory_space<vmem>> -> memref<8x16xf32, #tpu.memory_space<vmem>>
      %dma_wait3A_542 = arith.constant 0 : i32
      %dma_wait3A_543 = arith.constant 0 : i32
      %dma_wait3A_544 = tpu.memref_slice %arg7[%squeeze3A_31, %dma_wait3A_542, %dma_wait3A_543] : memref<125000x8x16xf32, #tpu.memory_space<hbm>> -> memref<1x8x16xf32, #tpu.memory_space<hbm>>
      %dma_wait3A_545 = tpu.memref_squeeze %dma_wait3A_544 : memref<1x8x16xf32, #tpu.memory_space<hbm>> -> memref<8x16xf32, #tpu.memory_space<hbm>>
      %dma_wait3A_546 = arith.constant 0 : i32
      %dma_wait3A_547 = arith.constant 0 : i32
      %dma_wait3A_548 = tpu.memref_slice %arg14[%dma_wait3A_546, %dma_wait3A_547] : memref<128x16xf32, #tpu.memory_space<vmem>> -> memref<8x16xf32, #tpu.memory_space<vmem>>
      %dma_wait3A_549 = arith.constant 0 : i32
      %dma_wait3A_550 = arith.constant 0 : i32
      %dma_wait3A_551 = tpu.memref_slice %arg7[%squeeze3A_31, %dma_wait3A_549, %dma_wait3A_550] : memref<125000x8x16xf32, #tpu.memory_space<hbm>> -> memref<1x8x16xf32, #tpu.memory_space<hbm>>
      %dma_wait3A_552 = tpu.memref_squeeze %dma_wait3A_551 : memref<1x8x16xf32, #tpu.memory_space<hbm>> -> memref<8x16xf32, #tpu.memory_space<hbm>>
      tpu.wait_dma2 semaphore(%arg17 : memref<!tpu.dma_semaphore, #tpu.memory_space<semaphore_mem>>) src(%dma_wait3A_552 : memref<8x16xf32, #tpu.memory_space<hbm>>) dst(%dma_wait3A_548 : memref<8x16xf32, #tpu.memory_space<vmem>>)
      %dma_wait3A_553 = arith.constant 8 : i32
      %dma_wait3A_554 = arith.constant 0 : i32
      %dma_wait3A_555 = tpu.memref_slice %arg13[%dma_wait3A_553, %dma_wait3A_554] : memref<128x16xf32, #tpu.memory_space<vmem>> -> memref<8x16xf32, #tpu.memory_space<vmem>>
      %dma_wait3A_556 = arith.constant 0 : i32
      %dma_wait3A_557 = arith.constant 0 : i32
      %dma_wait3A_558 = tpu.memref_slice %arg6[%squeeze3A_47, %dma_wait3A_556, %dma_wait3A_557] : memref<125000x8x16xf32, #tpu.memory_space<hbm>> -> memref<1x8x16xf32, #tpu.memory_space<hbm>>
      %dma_wait3A_559 = tpu.memref_squeeze %dma_wait3A_558 : memref<1x8x16xf32, #tpu.memory_space<hbm>> -> memref<8x16xf32, #tpu.memory_space<hbm>>
      %dma_wait3A_560 = arith.constant 8 : i32
      %dma_wait3A_561 = arith.constant 0 : i32
      %dma_wait3A_562 = tpu.memref_slice %arg13[%dma_wait3A_560, %dma_wait3A_561] : memref<128x16xf32, #tpu.memory_space<vmem>> -> memref<8x16xf32, #tpu.memory_space<vmem>>
      %dma_wait3A_563 = arith.constant 0 : i32
      %dma_wait3A_564 = arith.constant 0 : i32
      %dma_wait3A_565 = tpu.memref_slice %arg6[%squeeze3A_47, %dma_wait3A_563, %dma_wait3A_564] : memref<125000x8x16xf32, #tpu.memory_space<hbm>> -> memref<1x8x16xf32, #tpu.memory_space<hbm>>
      %dma_wait3A_566 = tpu.memref_squeeze %dma_wait3A_565 : memref<1x8x16xf32, #tpu.memory_space<hbm>> -> memref<8x16xf32, #tpu.memory_space<hbm>>
      tpu.wait_dma2 semaphore(%arg16 : memref<!tpu.dma_semaphore, #tpu.memory_space<semaphore_mem>>) src(%dma_wait3A_566 : memref<8x16xf32, #tpu.memory_space<hbm>>) dst(%dma_wait3A_562 : memref<8x16xf32, #tpu.memory_space<vmem>>)
      %dma_wait3A_567 = arith.constant 8 : i32
      %dma_wait3A_568 = arith.constant 0 : i32
      %dma_wait3A_569 = tpu.memref_slice %arg14[%dma_wait3A_567, %dma_wait3A_568] : memref<128x16xf32, #tpu.memory_space<vmem>> -> memref<8x16xf32, #tpu.memory_space<vmem>>
      %dma_wait3A_570 = arith.constant 0 : i32
      %dma_wait3A_571 = arith.constant 0 : i32
      %dma_wait3A_572 = tpu.memref_slice %arg7[%squeeze3A_63, %dma_wait3A_570, %dma_wait3A_571] : memref<125000x8x16xf32, #tpu.memory_space<hbm>> -> memref<1x8x16xf32, #tpu.memory_space<hbm>>
      %dma_wait3A_573 = tpu.memref_squeeze %dma_wait3A_572 : memref<1x8x16xf32, #tpu.memory_space<hbm>> -> memref<8x16xf32, #tpu.memory_space<hbm>>
      %dma_wait3A_574 = arith.constant 8 : i32
      %dma_wait3A_575 = arith.constant 0 : i32
      %dma_wait3A_576 = tpu.memref_slice %arg14[%dma_wait3A_574, %dma_wait3A_575] : memref<128x16xf32, #tpu.memory_space<vmem>> -> memref<8x16xf32, #tpu.memory_space<vmem>>
      %dma_wait3A_577 = arith.constant 0 : i32
      %dma_wait3A_578 = arith.constant 0 : i32
      %dma_wait3A_579 = tpu.memref_slice %arg7[%squeeze3A_63, %dma_wait3A_577, %dma_wait3A_578] : memref<125000x8x16xf32, #tpu.memory_space<hbm>> -> memref<1x8x16xf32, #tpu.memory_space<hbm>>
      %dma_wait3A_580 = tpu.memref_squeeze %dma_wait3A_579 : memref<1x8x16xf32, #tpu.memory_space<hbm>> -> memref<8x16xf32, #tpu.memory_space<hbm>>
      tpu.wait_dma2 semaphore(%arg17 : memref<!tpu.dma_semaphore, #tpu.memory_space<semaphore_mem>>) src(%dma_wait3A_580 : memref<8x16xf32, #tpu.memory_space<hbm>>) dst(%dma_wait3A_576 : memref<8x16xf32, #tpu.memory_space<vmem>>)
      %dma_wait3A_581 = arith.constant 16 : i32
      %dma_wait3A_582 = arith.constant 0 : i32
      %dma_wait3A_583 = tpu.memref_slice %arg13[%dma_wait3A_581, %dma_wait3A_582] : memref<128x16xf32, #tpu.memory_space<vmem>> -> memref<8x16xf32, #tpu.memory_space<vmem>>
      %dma_wait3A_584 = arith.constant 0 : i32
      %dma_wait3A_585 = arith.constant 0 : i32
      %dma_wait3A_586 = tpu.memref_slice %arg6[%squeeze3A_79, %dma_wait3A_584, %dma_wait3A_585] : memref<125000x8x16xf32, #tpu.memory_space<hbm>> -> memref<1x8x16xf32, #tpu.memory_space<hbm>>
      %dma_wait3A_587 = tpu.memref_squeeze %dma_wait3A_586 : memref<1x8x16xf32, #tpu.memory_space<hbm>> -> memref<8x16xf32, #tpu.memory_space<hbm>>
      %dma_wait3A_588 = arith.constant 16 : i32
      %dma_wait3A_589 = arith.constant 0 : i32
      %dma_wait3A_590 = tpu.memref_slice %arg13[%dma_wait3A_588, %dma_wait3A_589] : memref<128x16xf32, #tpu.memory_space<vmem>> -> memref<8x16xf32, #tpu.memory_space<vmem>>
      %dma_wait3A_591 = arith.constant 0 : i32
      %dma_wait3A_592 = arith.constant 0 : i32
      %dma_wait3A_593 = tpu.memref_slice %arg6[%squeeze3A_79, %dma_wait3A_591, %dma_wait3A_592] : memref<125000x8x16xf32, #tpu.memory_space<hbm>> -> memref<1x8x16xf32, #tpu.memory_space<hbm>>
      %dma_wait3A_594 = tpu.memref_squeeze %dma_wait3A_593 : memref<1x8x16xf32, #tpu.memory_space<hbm>> -> memref<8x16xf32, #tpu.memory_space<hbm>>
      tpu.wait_dma2 semaphore(%arg16 : memref<!tpu.dma_semaphore, #tpu.memory_space<semaphore_mem>>) src(%dma_wait3A_594 : memref<8x16xf32, #tpu.memory_space<hbm>>) dst(%dma_wait3A_590 : memref<8x16xf32, #tpu.memory_space<vmem>>)
      %dma_wait3A_595 = arith.constant 16 : i32
      %dma_wait3A_596 = arith.constant 0 : i32
      %dma_wait3A_597 = tpu.memref_slice %arg14[%dma_wait3A_595, %dma_wait3A_596] : memref<128x16xf32, #tpu.memory_space<vmem>> -> memref<8x16xf32, #tpu.memory_space<vmem>>
      %dma_wait3A_598 = arith.constant 0 : i32
      %dma_wait3A_599 = arith.constant 0 : i32
      %dma_wait3A_600 = tpu.memref_slice %arg7[%squeeze3A_95, %dma_wait3A_598, %dma_wait3A_599] : memref<125000x8x16xf32, #tpu.memory_space<hbm>> -> memref<1x8x16xf32, #tpu.memory_space<hbm>>
      %dma_wait3A_601 = tpu.memref_squeeze %dma_wait3A_600 : memref<1x8x16xf32, #tpu.memory_space<hbm>> -> memref<8x16xf32, #tpu.memory_space<hbm>>
      %dma_wait3A_602 = arith.constant 16 : i32
      %dma_wait3A_603 = arith.constant 0 : i32
      %dma_wait3A_604 = tpu.memref_slice %arg14[%dma_wait3A_602, %dma_wait3A_603] : memref<128x16xf32, #tpu.memory_space<vmem>> -> memref<8x16xf32, #tpu.memory_space<vmem>>
      %dma_wait3A_605 = arith.constant 0 : i32
      %dma_wait3A_606 = arith.constant 0 : i32
      %dma_wait3A_607 = tpu.memref_slice %arg7[%squeeze3A_95, %dma_wait3A_605, %dma_wait3A_606] : memref<125000x8x16xf32, #tpu.memory_space<hbm>> -> memref<1x8x16xf32, #tpu.memory_space<hbm>>
      %dma_wait3A_608 = tpu.memref_squeeze %dma_wait3A_607 : memref<1x8x16xf32, #tpu.memory_space<hbm>> -> memref<8x16xf32, #tpu.memory_space<hbm>>
      tpu.wait_dma2 semaphore(%arg17 : memref<!tpu.dma_semaphore, #tpu.memory_space<semaphore_mem>>) src(%dma_wait3A_608 : memref<8x16xf32, #tpu.memory_space<hbm>>) dst(%dma_wait3A_604 : memref<8x16xf32, #tpu.memory_space<vmem>>)
      %dma_wait3A_609 = arith.constant 24 : i32
      %dma_wait3A_610 = arith.constant 0 : i32
      %dma_wait3A_611 = tpu.memref_slice %arg13[%dma_wait3A_609, %dma_wait3A_610] : memref<128x16xf32, #tpu.memory_space<vmem>> -> memref<8x16xf32, #tpu.memory_space<vmem>>
      %dma_wait3A_612 = arith.constant 0 : i32
      %dma_wait3A_613 = arith.constant 0 : i32
      %dma_wait3A_614 = tpu.memref_slice %arg6[%squeeze3A_111, %dma_wait3A_612, %dma_wait3A_613] : memref<125000x8x16xf32, #tpu.memory_space<hbm>> -> memref<1x8x16xf32, #tpu.memory_space<hbm>>
      %dma_wait3A_615 = tpu.memref_squeeze %dma_wait3A_614 : memref<1x8x16xf32, #tpu.memory_space<hbm>> -> memref<8x16xf32, #tpu.memory_space<hbm>>
      %dma_wait3A_616 = arith.constant 24 : i32
      %dma_wait3A_617 = arith.constant 0 : i32
      %dma_wait3A_618 = tpu.memref_slice %arg13[%dma_wait3A_616, %dma_wait3A_617] : memref<128x16xf32, #tpu.memory_space<vmem>> -> memref<8x16xf32, #tpu.memory_space<vmem>>
      %dma_wait3A_619 = arith.constant 0 : i32
      %dma_wait3A_620 = arith.constant 0 : i32
      %dma_wait3A_621 = tpu.memref_slice %arg6[%squeeze3A_111, %dma_wait3A_619, %dma_wait3A_620] : memref<125000x8x16xf32, #tpu.memory_space<hbm>> -> memref<1x8x16xf32, #tpu.memory_space<hbm>>
      %dma_wait3A_622 = tpu.memref_squeeze %dma_wait3A_621 : memref<1x8x16xf32, #tpu.memory_space<hbm>> -> memref<8x16xf32, #tpu.memory_space<hbm>>
      tpu.wait_dma2 semaphore(%arg16 : memref<!tpu.dma_semaphore, #tpu.memory_space<semaphore_mem>>) src(%dma_wait3A_622 : memref<8x16xf32, #tpu.memory_space<hbm>>) dst(%dma_wait3A_618 : memref<8x16xf32, #tpu.memory_space<vmem>>)
      %dma_wait3A_623 = arith.constant 24 : i32
      %dma_wait3A_624 = arith.constant 0 : i32
      %dma_wait3A_625 = tpu.memref_slice %arg14[%dma_wait3A_623, %dma_wait3A_624] : memref<128x16xf32, #tpu.memory_space<vmem>> -> memref<8x16xf32, #tpu.memory_space<vmem>>
      %dma_wait3A_626 = arith.constant 0 : i32
      %dma_wait3A_627 = arith.constant 0 : i32
      %dma_wait3A_628 = tpu.memref_slice %arg7[%squeeze3A_127, %dma_wait3A_626, %dma_wait3A_627] : memref<125000x8x16xf32, #tpu.memory_space<hbm>> -> memref<1x8x16xf32, #tpu.memory_space<hbm>>
      %dma_wait3A_629 = tpu.memref_squeeze %dma_wait3A_628 : memref<1x8x16xf32, #tpu.memory_space<hbm>> -> memref<8x16xf32, #tpu.memory_space<hbm>>
      %dma_wait3A_630 = arith.constant 24 : i32
      %dma_wait3A_631 = arith.constant 0 : i32
      %dma_wait3A_632 = tpu.memref_slice %arg14[%dma_wait3A_630, %dma_wait3A_631] : memref<128x16xf32, #tpu.memory_space<vmem>> -> memref<8x16xf32, #tpu.memory_space<vmem>>
      %dma_wait3A_633 = arith.constant 0 : i32
      %dma_wait3A_634 = arith.constant 0 : i32
      %dma_wait3A_635 = tpu.memref_slice %arg7[%squeeze3A_127, %dma_wait3A_633, %dma_wait3A_634] : memref<125000x8x16xf32, #tpu.memory_space<hbm>> -> memref<1x8x16xf32, #tpu.memory_space<hbm>>
      %dma_wait3A_636 = tpu.memref_squeeze %dma_wait3A_635 : memref<1x8x16xf32, #tpu.memory_space<hbm>> -> memref<8x16xf32, #tpu.memory_space<hbm>>
      tpu.wait_dma2 semaphore(%arg17 : memref<!tpu.dma_semaphore, #tpu.memory_space<semaphore_mem>>) src(%dma_wait3A_636 : memref<8x16xf32, #tpu.memory_space<hbm>>) dst(%dma_wait3A_632 : memref<8x16xf32, #tpu.memory_space<vmem>>)
      %dma_wait3A_637 = arith.constant 32 : i32
      %dma_wait3A_638 = arith.constant 0 : i32
      %dma_wait3A_639 = tpu.memref_slice %arg13[%dma_wait3A_637, %dma_wait3A_638] : memref<128x16xf32, #tpu.memory_space<vmem>> -> memref<8x16xf32, #tpu.memory_space<vmem>>
      %dma_wait3A_640 = arith.constant 0 : i32
      %dma_wait3A_641 = arith.constant 0 : i32
      %dma_wait3A_642 = tpu.memref_slice %arg6[%squeeze3A_143, %dma_wait3A_640, %dma_wait3A_641] : memref<125000x8x16xf32, #tpu.memory_space<hbm>> -> memref<1x8x16xf32, #tpu.memory_space<hbm>>
      %dma_wait3A_643 = tpu.memref_squeeze %dma_wait3A_642 : memref<1x8x16xf32, #tpu.memory_space<hbm>> -> memref<8x16xf32, #tpu.memory_space<hbm>>
      %dma_wait3A_644 = arith.constant 32 : i32
      %dma_wait3A_645 = arith.constant 0 : i32
      %dma_wait3A_646 = tpu.memref_slice %arg13[%dma_wait3A_644, %dma_wait3A_645] : memref<128x16xf32, #tpu.memory_space<vmem>> -> memref<8x16xf32, #tpu.memory_space<vmem>>
      %dma_wait3A_647 = arith.constant 0 : i32
      %dma_wait3A_648 = arith.constant 0 : i32
      %dma_wait3A_649 = tpu.memref_slice %arg6[%squeeze3A_143, %dma_wait3A_647, %dma_wait3A_648] : memref<125000x8x16xf32, #tpu.memory_space<hbm>> -> memref<1x8x16xf32, #tpu.memory_space<hbm>>
      %dma_wait3A_650 = tpu.memref_squeeze %dma_wait3A_649 : memref<1x8x16xf32, #tpu.memory_space<hbm>> -> memref<8x16xf32, #tpu.memory_space<hbm>>
      tpu.wait_dma2 semaphore(%arg16 : memref<!tpu.dma_semaphore, #tpu.memory_space<semaphore_mem>>) src(%dma_wait3A_650 : memref<8x16xf32, #tpu.memory_space<hbm>>) dst(%dma_wait3A_646 : memref<8x16xf32, #tpu.memory_space<vmem>>)
      %dma_wait3A_651 = arith.constant 32 : i32
      %dma_wait3A_652 = arith.constant 0 : i32
      %dma_wait3A_653 = tpu.memref_slice %arg14[%dma_wait3A_651, %dma_wait3A_652] : memref<128x16xf32, #tpu.memory_space<vmem>> -> memref<8x16xf32, #tpu.memory_space<vmem>>
      %dma_wait3A_654 = arith.constant 0 : i32
      %dma_wait3A_655 = arith.constant 0 : i32
      %dma_wait3A_656 = tpu.memref_slice %arg7[%squeeze3A_159, %dma_wait3A_654, %dma_wait3A_655] : memref<125000x8x16xf32, #tpu.memory_space<hbm>> -> memref<1x8x16xf32, #tpu.memory_space<hbm>>
      %dma_wait3A_657 = tpu.memref_squeeze %dma_wait3A_656 : memref<1x8x16xf32, #tpu.memory_space<hbm>> -> memref<8x16xf32, #tpu.memory_space<hbm>>
      %dma_wait3A_658 = arith.constant 32 : i32
      %dma_wait3A_659 = arith.constant 0 : i32
      %dma_wait3A_660 = tpu.memref_slice %arg14[%dma_wait3A_658, %dma_wait3A_659] : memref<128x16xf32, #tpu.memory_space<vmem>> -> memref<8x16xf32, #tpu.memory_space<vmem>>
      %dma_wait3A_661 = arith.constant 0 : i32
      %dma_wait3A_662 = arith.constant 0 : i32
      %dma_wait3A_663 = tpu.memref_slice %arg7[%squeeze3A_159, %dma_wait3A_661, %dma_wait3A_662] : memref<125000x8x16xf32, #tpu.memory_space<hbm>> -> memref<1x8x16xf32, #tpu.memory_space<hbm>>
      %dma_wait3A_664 = tpu.memref_squeeze %dma_wait3A_663 : memref<1x8x16xf32, #tpu.memory_space<hbm>> -> memref<8x16xf32, #tpu.memory_space<hbm>>
      tpu.wait_dma2 semaphore(%arg17 : memref<!tpu.dma_semaphore, #tpu.memory_space<semaphore_mem>>) src(%dma_wait3A_664 : memref<8x16xf32, #tpu.memory_space<hbm>>) dst(%dma_wait3A_660 : memref<8x16xf32, #tpu.memory_space<vmem>>)
      %dma_wait3A_665 = arith.constant 40 : i32
      %dma_wait3A_666 = arith.constant 0 : i32
      %dma_wait3A_667 = tpu.memref_slice %arg13[%dma_wait3A_665, %dma_wait3A_666] : memref<128x16xf32, #tpu.memory_space<vmem>> -> memref<8x16xf32, #tpu.memory_space<vmem>>
      %dma_wait3A_668 = arith.constant 0 : i32
      %dma_wait3A_669 = arith.constant 0 : i32
      %dma_wait3A_670 = tpu.memref_slice %arg6[%squeeze3A_175, %dma_wait3A_668, %dma_wait3A_669] : memref<125000x8x16xf32, #tpu.memory_space<hbm>> -> memref<1x8x16xf32, #tpu.memory_space<hbm>>
      %dma_wait3A_671 = tpu.memref_squeeze %dma_wait3A_670 : memref<1x8x16xf32, #tpu.memory_space<hbm>> -> memref<8x16xf32, #tpu.memory_space<hbm>>
      %dma_wait3A_672 = arith.constant 40 : i32
      %dma_wait3A_673 = arith.constant 0 : i32
      %dma_wait3A_674 = tpu.memref_slice %arg13[%dma_wait3A_672, %dma_wait3A_673] : memref<128x16xf32, #tpu.memory_space<vmem>> -> memref<8x16xf32, #tpu.memory_space<vmem>>
      %dma_wait3A_675 = arith.constant 0 : i32
      %dma_wait3A_676 = arith.constant 0 : i32
      %dma_wait3A_677 = tpu.memref_slice %arg6[%squeeze3A_175, %dma_wait3A_675, %dma_wait3A_676] : memref<125000x8x16xf32, #tpu.memory_space<hbm>> -> memref<1x8x16xf32, #tpu.memory_space<hbm>>
      %dma_wait3A_678 = tpu.memref_squeeze %dma_wait3A_677 : memref<1x8x16xf32, #tpu.memory_space<hbm>> -> memref<8x16xf32, #tpu.memory_space<hbm>>
      tpu.wait_dma2 semaphore(%arg16 : memref<!tpu.dma_semaphore, #tpu.memory_space<semaphore_mem>>) src(%dma_wait3A_678 : memref<8x16xf32, #tpu.memory_space<hbm>>) dst(%dma_wait3A_674 : memref<8x16xf32, #tpu.memory_space<vmem>>)
      %dma_wait3A_679 = arith.constant 40 : i32
      %dma_wait3A_680 = arith.constant 0 : i32
      %dma_wait3A_681 = tpu.memref_slice %arg14[%dma_wait3A_679, %dma_wait3A_680] : memref<128x16xf32, #tpu.memory_space<vmem>> -> memref<8x16xf32, #tpu.memory_space<vmem>>
      %dma_wait3A_682 = arith.constant 0 : i32
      %dma_wait3A_683 = arith.constant 0 : i32
      %dma_wait3A_684 = tpu.memref_slice %arg7[%squeeze3A_191, %dma_wait3A_682, %dma_wait3A_683] : memref<125000x8x16xf32, #tpu.memory_space<hbm>> -> memref<1x8x16xf32, #tpu.memory_space<hbm>>
      %dma_wait3A_685 = tpu.memref_squeeze %dma_wait3A_684 : memref<1x8x16xf32, #tpu.memory_space<hbm>> -> memref<8x16xf32, #tpu.memory_space<hbm>>
      %dma_wait3A_686 = arith.constant 40 : i32
      %dma_wait3A_687 = arith.constant 0 : i32
      %dma_wait3A_688 = tpu.memref_slice %arg14[%dma_wait3A_686, %dma_wait3A_687] : memref<128x16xf32, #tpu.memory_space<vmem>> -> memref<8x16xf32, #tpu.memory_space<vmem>>
      %dma_wait3A_689 = arith.constant 0 : i32
      %dma_wait3A_690 = arith.constant 0 : i32
      %dma_wait3A_691 = tpu.memref_slice %arg7[%squeeze3A_191, %dma_wait3A_689, %dma_wait3A_690] : memref<125000x8x16xf32, #tpu.memory_space<hbm>> -> memref<1x8x16xf32, #tpu.memory_space<hbm>>
      %dma_wait3A_692 = tpu.memref_squeeze %dma_wait3A_691 : memref<1x8x16xf32, #tpu.memory_space<hbm>> -> memref<8x16xf32, #tpu.memory_space<hbm>>
      tpu.wait_dma2 semaphore(%arg17 : memref<!tpu.dma_semaphore, #tpu.memory_space<semaphore_mem>>) src(%dma_wait3A_692 : memref<8x16xf32, #tpu.memory_space<hbm>>) dst(%dma_wait3A_688 : memref<8x16xf32, #tpu.memory_space<vmem>>)
      %dma_wait3A_693 = arith.constant 48 : i32
      %dma_wait3A_694 = arith.constant 0 : i32
      %dma_wait3A_695 = tpu.memref_slice %arg13[%dma_wait3A_693, %dma_wait3A_694] : memref<128x16xf32, #tpu.memory_space<vmem>> -> memref<8x16xf32, #tpu.memory_space<vmem>>
      %dma_wait3A_696 = arith.constant 0 : i32
      %dma_wait3A_697 = arith.constant 0 : i32
      %dma_wait3A_698 = tpu.memref_slice %arg6[%squeeze3A_207, %dma_wait3A_696, %dma_wait3A_697] : memref<125000x8x16xf32, #tpu.memory_space<hbm>> -> memref<1x8x16xf32, #tpu.memory_space<hbm>>
      %dma_wait3A_699 = tpu.memref_squeeze %dma_wait3A_698 : memref<1x8x16xf32, #tpu.memory_space<hbm>> -> memref<8x16xf32, #tpu.memory_space<hbm>>
      %dma_wait3A_700 = arith.constant 48 : i32
      %dma_wait3A_701 = arith.constant 0 : i32
      %dma_wait3A_702 = tpu.memref_slice %arg13[%dma_wait3A_700, %dma_wait3A_701] : memref<128x16xf32, #tpu.memory_space<vmem>> -> memref<8x16xf32, #tpu.memory_space<vmem>>
      %dma_wait3A_703 = arith.constant 0 : i32
      %dma_wait3A_704 = arith.constant 0 : i32
      %dma_wait3A_705 = tpu.memref_slice %arg6[%squeeze3A_207, %dma_wait3A_703, %dma_wait3A_704] : memref<125000x8x16xf32, #tpu.memory_space<hbm>> -> memref<1x8x16xf32, #tpu.memory_space<hbm>>
      %dma_wait3A_706 = tpu.memref_squeeze %dma_wait3A_705 : memref<1x8x16xf32, #tpu.memory_space<hbm>> -> memref<8x16xf32, #tpu.memory_space<hbm>>
      tpu.wait_dma2 semaphore(%arg16 : memref<!tpu.dma_semaphore, #tpu.memory_space<semaphore_mem>>) src(%dma_wait3A_706 : memref<8x16xf32, #tpu.memory_space<hbm>>) dst(%dma_wait3A_702 : memref<8x16xf32, #tpu.memory_space<vmem>>)
      %dma_wait3A_707 = arith.constant 48 : i32
      %dma_wait3A_708 = arith.constant 0 : i32
      %dma_wait3A_709 = tpu.memref_slice %arg14[%dma_wait3A_707, %dma_wait3A_708] : memref<128x16xf32, #tpu.memory_space<vmem>> -> memref<8x16xf32, #tpu.memory_space<vmem>>
      %dma_wait3A_710 = arith.constant 0 : i32
      %dma_wait3A_711 = arith.constant 0 : i32
      %dma_wait3A_712 = tpu.memref_slice %arg7[%squeeze3A_223, %dma_wait3A_710, %dma_wait3A_711] : memref<125000x8x16xf32, #tpu.memory_space<hbm>> -> memref<1x8x16xf32, #tpu.memory_space<hbm>>
      %dma_wait3A_713 = tpu.memref_squeeze %dma_wait3A_712 : memref<1x8x16xf32, #tpu.memory_space<hbm>> -> memref<8x16xf32, #tpu.memory_space<hbm>>
      %dma_wait3A_714 = arith.constant 48 : i32
      %dma_wait3A_715 = arith.constant 0 : i32
      %dma_wait3A_716 = tpu.memref_slice %arg14[%dma_wait3A_714, %dma_wait3A_715] : memref<128x16xf32, #tpu.memory_space<vmem>> -> memref<8x16xf32, #tpu.memory_space<vmem>>
      %dma_wait3A_717 = arith.constant 0 : i32
      %dma_wait3A_718 = arith.constant 0 : i32
      %dma_wait3A_719 = tpu.memref_slice %arg7[%squeeze3A_223, %dma_wait3A_717, %dma_wait3A_718] : memref<125000x8x16xf32, #tpu.memory_space<hbm>> -> memref<1x8x16xf32, #tpu.memory_space<hbm>>
      %dma_wait3A_720 = tpu.memref_squeeze %dma_wait3A_719 : memref<1x8x16xf32, #tpu.memory_space<hbm>> -> memref<8x16xf32, #tpu.memory_space<hbm>>
      tpu.wait_dma2 semaphore(%arg17 : memref<!tpu.dma_semaphore, #tpu.memory_space<semaphore_mem>>) src(%dma_wait3A_720 : memref<8x16xf32, #tpu.memory_space<hbm>>) dst(%dma_wait3A_716 : memref<8x16xf32, #tpu.memory_space<vmem>>)
      %dma_wait3A_721 = arith.constant 56 : i32
      %dma_wait3A_722 = arith.constant 0 : i32
      %dma_wait3A_723 = tpu.memref_slice %arg13[%dma_wait3A_721, %dma_wait3A_722] : memref<128x16xf32, #tpu.memory_space<vmem>> -> memref<8x16xf32, #tpu.memory_space<vmem>>
      %dma_wait3A_724 = arith.constant 0 : i32
      %dma_wait3A_725 = arith.constant 0 : i32
      %dma_wait3A_726 = tpu.memref_slice %arg6[%squeeze3A_239, %dma_wait3A_724, %dma_wait3A_725] : memref<125000x8x16xf32, #tpu.memory_space<hbm>> -> memref<1x8x16xf32, #tpu.memory_space<hbm>>
      %dma_wait3A_727 = tpu.memref_squeeze %dma_wait3A_726 : memref<1x8x16xf32, #tpu.memory_space<hbm>> -> memref<8x16xf32, #tpu.memory_space<hbm>>
      %dma_wait3A_728 = arith.constant 56 : i32
      %dma_wait3A_729 = arith.constant 0 : i32
      %dma_wait3A_730 = tpu.memref_slice %arg13[%dma_wait3A_728, %dma_wait3A_729] : memref<128x16xf32, #tpu.memory_space<vmem>> -> memref<8x16xf32, #tpu.memory_space<vmem>>
      %dma_wait3A_731 = arith.constant 0 : i32
      %dma_wait3A_732 = arith.constant 0 : i32
      %dma_wait3A_733 = tpu.memref_slice %arg6[%squeeze3A_239, %dma_wait3A_731, %dma_wait3A_732] : memref<125000x8x16xf32, #tpu.memory_space<hbm>> -> memref<1x8x16xf32, #tpu.memory_space<hbm>>
      %dma_wait3A_734 = tpu.memref_squeeze %dma_wait3A_733 : memref<1x8x16xf32, #tpu.memory_space<hbm>> -> memref<8x16xf32, #tpu.memory_space<hbm>>
      tpu.wait_dma2 semaphore(%arg16 : memref<!tpu.dma_semaphore, #tpu.memory_space<semaphore_mem>>) src(%dma_wait3A_734 : memref<8x16xf32, #tpu.memory_space<hbm>>) dst(%dma_wait3A_730 : memref<8x16xf32, #tpu.memory_space<vmem>>)
      %dma_wait3A_735 = arith.constant 56 : i32
      %dma_wait3A_736 = arith.constant 0 : i32
      %dma_wait3A_737 = tpu.memref_slice %arg14[%dma_wait3A_735, %dma_wait3A_736] : memref<128x16xf32, #tpu.memory_space<vmem>> -> memref<8x16xf32, #tpu.memory_space<vmem>>
      %dma_wait3A_738 = arith.constant 0 : i32
      %dma_wait3A_739 = arith.constant 0 : i32
      %dma_wait3A_740 = tpu.memref_slice %arg7[%squeeze3A_255, %dma_wait3A_738, %dma_wait3A_739] : memref<125000x8x16xf32, #tpu.memory_space<hbm>> -> memref<1x8x16xf32, #tpu.memory_space<hbm>>
      %dma_wait3A_741 = tpu.memref_squeeze %dma_wait3A_740 : memref<1x8x16xf32, #tpu.memory_space<hbm>> -> memref<8x16xf32, #tpu.memory_space<hbm>>
      %dma_wait3A_742 = arith.constant 56 : i32
      %dma_wait3A_743 = arith.constant 0 : i32
      %dma_wait3A_744 = tpu.memref_slice %arg14[%dma_wait3A_742, %dma_wait3A_743] : memref<128x16xf32, #tpu.memory_space<vmem>> -> memref<8x16xf32, #tpu.memory_space<vmem>>
      %dma_wait3A_745 = arith.constant 0 : i32
      %dma_wait3A_746 = arith.constant 0 : i32
      %dma_wait3A_747 = tpu.memref_slice %arg7[%squeeze3A_255, %dma_wait3A_745, %dma_wait3A_746] : memref<125000x8x16xf32, #tpu.memory_space<hbm>> -> memref<1x8x16xf32, #tpu.memory_space<hbm>>
      %dma_wait3A_748 = tpu.memref_squeeze %dma_wait3A_747 : memref<1x8x16xf32, #tpu.memory_space<hbm>> -> memref<8x16xf32, #tpu.memory_space<hbm>>
      tpu.wait_dma2 semaphore(%arg17 : memref<!tpu.dma_semaphore, #tpu.memory_space<semaphore_mem>>) src(%dma_wait3A_748 : memref<8x16xf32, #tpu.memory_space<hbm>>) dst(%dma_wait3A_744 : memref<8x16xf32, #tpu.memory_space<vmem>>)
      %dma_wait3A_749 = arith.constant 64 : i32
      %dma_wait3A_750 = arith.constant 0 : i32
      %dma_wait3A_751 = tpu.memref_slice %arg13[%dma_wait3A_749, %dma_wait3A_750] : memref<128x16xf32, #tpu.memory_space<vmem>> -> memref<8x16xf32, #tpu.memory_space<vmem>>
      %dma_wait3A_752 = arith.constant 0 : i32
      %dma_wait3A_753 = arith.constant 0 : i32
      %dma_wait3A_754 = tpu.memref_slice %arg6[%squeeze3A_271, %dma_wait3A_752, %dma_wait3A_753] : memref<125000x8x16xf32, #tpu.memory_space<hbm>> -> memref<1x8x16xf32, #tpu.memory_space<hbm>>
      %dma_wait3A_755 = tpu.memref_squeeze %dma_wait3A_754 : memref<1x8x16xf32, #tpu.memory_space<hbm>> -> memref<8x16xf32, #tpu.memory_space<hbm>>
      %dma_wait3A_756 = arith.constant 64 : i32
      %dma_wait3A_757 = arith.constant 0 : i32
      %dma_wait3A_758 = tpu.memref_slice %arg13[%dma_wait3A_756, %dma_wait3A_757] : memref<128x16xf32, #tpu.memory_space<vmem>> -> memref<8x16xf32, #tpu.memory_space<vmem>>
      %dma_wait3A_759 = arith.constant 0 : i32
      %dma_wait3A_760 = arith.constant 0 : i32
      %dma_wait3A_761 = tpu.memref_slice %arg6[%squeeze3A_271, %dma_wait3A_759, %dma_wait3A_760] : memref<125000x8x16xf32, #tpu.memory_space<hbm>> -> memref<1x8x16xf32, #tpu.memory_space<hbm>>
      %dma_wait3A_762 = tpu.memref_squeeze %dma_wait3A_761 : memref<1x8x16xf32, #tpu.memory_space<hbm>> -> memref<8x16xf32, #tpu.memory_space<hbm>>
      tpu.wait_dma2 semaphore(%arg16 : memref<!tpu.dma_semaphore, #tpu.memory_space<semaphore_mem>>) src(%dma_wait3A_762 : memref<8x16xf32, #tpu.memory_space<hbm>>) dst(%dma_wait3A_758 : memref<8x16xf32, #tpu.memory_space<vmem>>)
      %dma_wait3A_763 = arith.constant 64 : i32
      %dma_wait3A_764 = arith.constant 0 : i32
      %dma_wait3A_765 = tpu.memref_slice %arg14[%dma_wait3A_763, %dma_wait3A_764] : memref<128x16xf32, #tpu.memory_space<vmem>> -> memref<8x16xf32, #tpu.memory_space<vmem>>
      %dma_wait3A_766 = arith.constant 0 : i32
      %dma_wait3A_767 = arith.constant 0 : i32
      %dma_wait3A_768 = tpu.memref_slice %arg7[%squeeze3A_287, %dma_wait3A_766, %dma_wait3A_767] : memref<125000x8x16xf32, #tpu.memory_space<hbm>> -> memref<1x8x16xf32, #tpu.memory_space<hbm>>
      %dma_wait3A_769 = tpu.memref_squeeze %dma_wait3A_768 : memref<1x8x16xf32, #tpu.memory_space<hbm>> -> memref<8x16xf32, #tpu.memory_space<hbm>>
      %dma_wait3A_770 = arith.constant 64 : i32
      %dma_wait3A_771 = arith.constant 0 : i32
      %dma_wait3A_772 = tpu.memref_slice %arg14[%dma_wait3A_770, %dma_wait3A_771] : memref<128x16xf32, #tpu.memory_space<vmem>> -> memref<8x16xf32, #tpu.memory_space<vmem>>
      %dma_wait3A_773 = arith.constant 0 : i32
      %dma_wait3A_774 = arith.constant 0 : i32
      %dma_wait3A_775 = tpu.memref_slice %arg7[%squeeze3A_287, %dma_wait3A_773, %dma_wait3A_774] : memref<125000x8x16xf32, #tpu.memory_space<hbm>> -> memref<1x8x16xf32, #tpu.memory_space<hbm>>
      %dma_wait3A_776 = tpu.memref_squeeze %dma_wait3A_775 : memref<1x8x16xf32, #tpu.memory_space<hbm>> -> memref<8x16xf32, #tpu.memory_space<hbm>>
      tpu.wait_dma2 semaphore(%arg17 : memref<!tpu.dma_semaphore, #tpu.memory_space<semaphore_mem>>) src(%dma_wait3A_776 : memref<8x16xf32, #tpu.memory_space<hbm>>) dst(%dma_wait3A_772 : memref<8x16xf32, #tpu.memory_space<vmem>>)
      %dma_wait3A_777 = arith.constant 72 : i32
      %dma_wait3A_778 = arith.constant 0 : i32
      %dma_wait3A_779 = tpu.memref_slice %arg13[%dma_wait3A_777, %dma_wait3A_778] : memref<128x16xf32, #tpu.memory_space<vmem>> -> memref<8x16xf32, #tpu.memory_space<vmem>>
      %dma_wait3A_780 = arith.constant 0 : i32
      %dma_wait3A_781 = arith.constant 0 : i32
      %dma_wait3A_782 = tpu.memref_slice %arg6[%squeeze3A_303, %dma_wait3A_780, %dma_wait3A_781] : memref<125000x8x16xf32, #tpu.memory_space<hbm>> -> memref<1x8x16xf32, #tpu.memory_space<hbm>>
      %dma_wait3A_783 = tpu.memref_squeeze %dma_wait3A_782 : memref<1x8x16xf32, #tpu.memory_space<hbm>> -> memref<8x16xf32, #tpu.memory_space<hbm>>
      %dma_wait3A_784 = arith.constant 72 : i32
      %dma_wait3A_785 = arith.constant 0 : i32
      %dma_wait3A_786 = tpu.memref_slice %arg13[%dma_wait3A_784, %dma_wait3A_785] : memref<128x16xf32, #tpu.memory_space<vmem>> -> memref<8x16xf32, #tpu.memory_space<vmem>>
      %dma_wait3A_787 = arith.constant 0 : i32
      %dma_wait3A_788 = arith.constant 0 : i32
      %dma_wait3A_789 = tpu.memref_slice %arg6[%squeeze3A_303, %dma_wait3A_787, %dma_wait3A_788] : memref<125000x8x16xf32, #tpu.memory_space<hbm>> -> memref<1x8x16xf32, #tpu.memory_space<hbm>>
      %dma_wait3A_790 = tpu.memref_squeeze %dma_wait3A_789 : memref<1x8x16xf32, #tpu.memory_space<hbm>> -> memref<8x16xf32, #tpu.memory_space<hbm>>
      tpu.wait_dma2 semaphore(%arg16 : memref<!tpu.dma_semaphore, #tpu.memory_space<semaphore_mem>>) src(%dma_wait3A_790 : memref<8x16xf32, #tpu.memory_space<hbm>>) dst(%dma_wait3A_786 : memref<8x16xf32, #tpu.memory_space<vmem>>)
      %dma_wait3A_791 = arith.constant 72 : i32
      %dma_wait3A_792 = arith.constant 0 : i32
      %dma_wait3A_793 = tpu.memref_slice %arg14[%dma_wait3A_791, %dma_wait3A_792] : memref<128x16xf32, #tpu.memory_space<vmem>> -> memref<8x16xf32, #tpu.memory_space<vmem>>
      %dma_wait3A_794 = arith.constant 0 : i32
      %dma_wait3A_795 = arith.constant 0 : i32
      %dma_wait3A_796 = tpu.memref_slice %arg7[%squeeze3A_319, %dma_wait3A_794, %dma_wait3A_795] : memref<125000x8x16xf32, #tpu.memory_space<hbm>> -> memref<1x8x16xf32, #tpu.memory_space<hbm>>
      %dma_wait3A_797 = tpu.memref_squeeze %dma_wait3A_796 : memref<1x8x16xf32, #tpu.memory_space<hbm>> -> memref<8x16xf32, #tpu.memory_space<hbm>>
      %dma_wait3A_798 = arith.constant 72 : i32
      %dma_wait3A_799 = arith.constant 0 : i32
      %dma_wait3A_800 = tpu.memref_slice %arg14[%dma_wait3A_798, %dma_wait3A_799] : memref<128x16xf32, #tpu.memory_space<vmem>> -> memref<8x16xf32, #tpu.memory_space<vmem>>
      %dma_wait3A_801 = arith.constant 0 : i32
      %dma_wait3A_802 = arith.constant 0 : i32
      %dma_wait3A_803 = tpu.memref_slice %arg7[%squeeze3A_319, %dma_wait3A_801, %dma_wait3A_802] : memref<125000x8x16xf32, #tpu.memory_space<hbm>> -> memref<1x8x16xf32, #tpu.memory_space<hbm>>
      %dma_wait3A_804 = tpu.memref_squeeze %dma_wait3A_803 : memref<1x8x16xf32, #tpu.memory_space<hbm>> -> memref<8x16xf32, #tpu.memory_space<hbm>>
      tpu.wait_dma2 semaphore(%arg17 : memref<!tpu.dma_semaphore, #tpu.memory_space<semaphore_mem>>) src(%dma_wait3A_804 : memref<8x16xf32, #tpu.memory_space<hbm>>) dst(%dma_wait3A_800 : memref<8x16xf32, #tpu.memory_space<vmem>>)
      %dma_wait3A_805 = arith.constant 80 : i32
      %dma_wait3A_806 = arith.constant 0 : i32
      %dma_wait3A_807 = tpu.memref_slice %arg13[%dma_wait3A_805, %dma_wait3A_806] : memref<128x16xf32, #tpu.memory_space<vmem>> -> memref<8x16xf32, #tpu.memory_space<vmem>>
      %dma_wait3A_808 = arith.constant 0 : i32
      %dma_wait3A_809 = arith.constant 0 : i32
      %dma_wait3A_810 = tpu.memref_slice %arg6[%squeeze3A_335, %dma_wait3A_808, %dma_wait3A_809] : memref<125000x8x16xf32, #tpu.memory_space<hbm>> -> memref<1x8x16xf32, #tpu.memory_space<hbm>>
      %dma_wait3A_811 = tpu.memref_squeeze %dma_wait3A_810 : memref<1x8x16xf32, #tpu.memory_space<hbm>> -> memref<8x16xf32, #tpu.memory_space<hbm>>
      %dma_wait3A_812 = arith.constant 80 : i32
      %dma_wait3A_813 = arith.constant 0 : i32
      %dma_wait3A_814 = tpu.memref_slice %arg13[%dma_wait3A_812, %dma_wait3A_813] : memref<128x16xf32, #tpu.memory_space<vmem>> -> memref<8x16xf32, #tpu.memory_space<vmem>>
      %dma_wait3A_815 = arith.constant 0 : i32
      %dma_wait3A_816 = arith.constant 0 : i32
      %dma_wait3A_817 = tpu.memref_slice %arg6[%squeeze3A_335, %dma_wait3A_815, %dma_wait3A_816] : memref<125000x8x16xf32, #tpu.memory_space<hbm>> -> memref<1x8x16xf32, #tpu.memory_space<hbm>>
      %dma_wait3A_818 = tpu.memref_squeeze %dma_wait3A_817 : memref<1x8x16xf32, #tpu.memory_space<hbm>> -> memref<8x16xf32, #tpu.memory_space<hbm>>
      tpu.wait_dma2 semaphore(%arg16 : memref<!tpu.dma_semaphore, #tpu.memory_space<semaphore_mem>>) src(%dma_wait3A_818 : memref<8x16xf32, #tpu.memory_space<hbm>>) dst(%dma_wait3A_814 : memref<8x16xf32, #tpu.memory_space<vmem>>)
      %dma_wait3A_819 = arith.constant 80 : i32
      %dma_wait3A_820 = arith.constant 0 : i32
      %dma_wait3A_821 = tpu.memref_slice %arg14[%dma_wait3A_819, %dma_wait3A_820] : memref<128x16xf32, #tpu.memory_space<vmem>> -> memref<8x16xf32, #tpu.memory_space<vmem>>
      %dma_wait3A_822 = arith.constant 0 : i32
      %dma_wait3A_823 = arith.constant 0 : i32
      %dma_wait3A_824 = tpu.memref_slice %arg7[%squeeze3A_351, %dma_wait3A_822, %dma_wait3A_823] : memref<125000x8x16xf32, #tpu.memory_space<hbm>> -> memref<1x8x16xf32, #tpu.memory_space<hbm>>
      %dma_wait3A_825 = tpu.memref_squeeze %dma_wait3A_824 : memref<1x8x16xf32, #tpu.memory_space<hbm>> -> memref<8x16xf32, #tpu.memory_space<hbm>>
      %dma_wait3A_826 = arith.constant 80 : i32
      %dma_wait3A_827 = arith.constant 0 : i32
      %dma_wait3A_828 = tpu.memref_slice %arg14[%dma_wait3A_826, %dma_wait3A_827] : memref<128x16xf32, #tpu.memory_space<vmem>> -> memref<8x16xf32, #tpu.memory_space<vmem>>
      %dma_wait3A_829 = arith.constant 0 : i32
      %dma_wait3A_830 = arith.constant 0 : i32
      %dma_wait3A_831 = tpu.memref_slice %arg7[%squeeze3A_351, %dma_wait3A_829, %dma_wait3A_830] : memref<125000x8x16xf32, #tpu.memory_space<hbm>> -> memref<1x8x16xf32, #tpu.memory_space<hbm>>
      %dma_wait3A_832 = tpu.memref_squeeze %dma_wait3A_831 : memref<1x8x16xf32, #tpu.memory_space<hbm>> -> memref<8x16xf32, #tpu.memory_space<hbm>>
      tpu.wait_dma2 semaphore(%arg17 : memref<!tpu.dma_semaphore, #tpu.memory_space<semaphore_mem>>) src(%dma_wait3A_832 : memref<8x16xf32, #tpu.memory_space<hbm>>) dst(%dma_wait3A_828 : memref<8x16xf32, #tpu.memory_space<vmem>>)
      %dma_wait3A_833 = arith.constant 88 : i32
      %dma_wait3A_834 = arith.constant 0 : i32
      %dma_wait3A_835 = tpu.memref_slice %arg13[%dma_wait3A_833, %dma_wait3A_834] : memref<128x16xf32, #tpu.memory_space<vmem>> -> memref<8x16xf32, #tpu.memory_space<vmem>>
      %dma_wait3A_836 = arith.constant 0 : i32
      %dma_wait3A_837 = arith.constant 0 : i32
      %dma_wait3A_838 = tpu.memref_slice %arg6[%squeeze3A_367, %dma_wait3A_836, %dma_wait3A_837] : memref<125000x8x16xf32, #tpu.memory_space<hbm>> -> memref<1x8x16xf32, #tpu.memory_space<hbm>>
      %dma_wait3A_839 = tpu.memref_squeeze %dma_wait3A_838 : memref<1x8x16xf32, #tpu.memory_space<hbm>> -> memref<8x16xf32, #tpu.memory_space<hbm>>
      %dma_wait3A_840 = arith.constant 88 : i32
      %dma_wait3A_841 = arith.constant 0 : i32
      %dma_wait3A_842 = tpu.memref_slice %arg13[%dma_wait3A_840, %dma_wait3A_841] : memref<128x16xf32, #tpu.memory_space<vmem>> -> memref<8x16xf32, #tpu.memory_space<vmem>>
      %dma_wait3A_843 = arith.constant 0 : i32
      %dma_wait3A_844 = arith.constant 0 : i32
      %dma_wait3A_845 = tpu.memref_slice %arg6[%squeeze3A_367, %dma_wait3A_843, %dma_wait3A_844] : memref<125000x8x16xf32, #tpu.memory_space<hbm>> -> memref<1x8x16xf32, #tpu.memory_space<hbm>>
      %dma_wait3A_846 = tpu.memref_squeeze %dma_wait3A_845 : memref<1x8x16xf32, #tpu.memory_space<hbm>> -> memref<8x16xf32, #tpu.memory_space<hbm>>
      tpu.wait_dma2 semaphore(%arg16 : memref<!tpu.dma_semaphore, #tpu.memory_space<semaphore_mem>>) src(%dma_wait3A_846 : memref<8x16xf32, #tpu.memory_space<hbm>>) dst(%dma_wait3A_842 : memref<8x16xf32, #tpu.memory_space<vmem>>)
      %dma_wait3A_847 = arith.constant 88 : i32
      %dma_wait3A_848 = arith.constant 0 : i32
      %dma_wait3A_849 = tpu.memref_slice %arg14[%dma_wait3A_847, %dma_wait3A_848] : memref<128x16xf32, #tpu.memory_space<vmem>> -> memref<8x16xf32, #tpu.memory_space<vmem>>
      %dma_wait3A_850 = arith.constant 0 : i32
      %dma_wait3A_851 = arith.constant 0 : i32
      %dma_wait3A_852 = tpu.memref_slice %arg7[%squeeze3A_383, %dma_wait3A_850, %dma_wait3A_851] : memref<125000x8x16xf32, #tpu.memory_space<hbm>> -> memref<1x8x16xf32, #tpu.memory_space<hbm>>
      %dma_wait3A_853 = tpu.memref_squeeze %dma_wait3A_852 : memref<1x8x16xf32, #tpu.memory_space<hbm>> -> memref<8x16xf32, #tpu.memory_space<hbm>>
      %dma_wait3A_854 = arith.constant 88 : i32
      %dma_wait3A_855 = arith.constant 0 : i32
      %dma_wait3A_856 = tpu.memref_slice %arg14[%dma_wait3A_854, %dma_wait3A_855] : memref<128x16xf32, #tpu.memory_space<vmem>> -> memref<8x16xf32, #tpu.memory_space<vmem>>
      %dma_wait3A_857 = arith.constant 0 : i32
      %dma_wait3A_858 = arith.constant 0 : i32
      %dma_wait3A_859 = tpu.memref_slice %arg7[%squeeze3A_383, %dma_wait3A_857, %dma_wait3A_858] : memref<125000x8x16xf32, #tpu.memory_space<hbm>> -> memref<1x8x16xf32, #tpu.memory_space<hbm>>
      %dma_wait3A_860 = tpu.memref_squeeze %dma_wait3A_859 : memref<1x8x16xf32, #tpu.memory_space<hbm>> -> memref<8x16xf32, #tpu.memory_space<hbm>>
      tpu.wait_dma2 semaphore(%arg17 : memref<!tpu.dma_semaphore, #tpu.memory_space<semaphore_mem>>) src(%dma_wait3A_860 : memref<8x16xf32, #tpu.memory_space<hbm>>) dst(%dma_wait3A_856 : memref<8x16xf32, #tpu.memory_space<vmem>>)
      %dma_wait3A_861 = arith.constant 96 : i32
      %dma_wait3A_862 = arith.constant 0 : i32
      %dma_wait3A_863 = tpu.memref_slice %arg13[%dma_wait3A_861, %dma_wait3A_862] : memref<128x16xf32, #tpu.memory_space<vmem>> -> memref<8x16xf32, #tpu.memory_space<vmem>>
      %dma_wait3A_864 = arith.constant 0 : i32
      %dma_wait3A_865 = arith.constant 0 : i32
      %dma_wait3A_866 = tpu.memref_slice %arg6[%squeeze3A_399, %dma_wait3A_864, %dma_wait3A_865] : memref<125000x8x16xf32, #tpu.memory_space<hbm>> -> memref<1x8x16xf32, #tpu.memory_space<hbm>>
      %dma_wait3A_867 = tpu.memref_squeeze %dma_wait3A_866 : memref<1x8x16xf32, #tpu.memory_space<hbm>> -> memref<8x16xf32, #tpu.memory_space<hbm>>
      %dma_wait3A_868 = arith.constant 96 : i32
      %dma_wait3A_869 = arith.constant 0 : i32
      %dma_wait3A_870 = tpu.memref_slice %arg13[%dma_wait3A_868, %dma_wait3A_869] : memref<128x16xf32, #tpu.memory_space<vmem>> -> memref<8x16xf32, #tpu.memory_space<vmem>>
      %dma_wait3A_871 = arith.constant 0 : i32
      %dma_wait3A_872 = arith.constant 0 : i32
      %dma_wait3A_873 = tpu.memref_slice %arg6[%squeeze3A_399, %dma_wait3A_871, %dma_wait3A_872] : memref<125000x8x16xf32, #tpu.memory_space<hbm>> -> memref<1x8x16xf32, #tpu.memory_space<hbm>>
      %dma_wait3A_874 = tpu.memref_squeeze %dma_wait3A_873 : memref<1x8x16xf32, #tpu.memory_space<hbm>> -> memref<8x16xf32, #tpu.memory_space<hbm>>
      tpu.wait_dma2 semaphore(%arg16 : memref<!tpu.dma_semaphore, #tpu.memory_space<semaphore_mem>>) src(%dma_wait3A_874 : memref<8x16xf32, #tpu.memory_space<hbm>>) dst(%dma_wait3A_870 : memref<8x16xf32, #tpu.memory_space<vmem>>)
      %dma_wait3A_875 = arith.constant 96 : i32
      %dma_wait3A_876 = arith.constant 0 : i32
      %dma_wait3A_877 = tpu.memref_slice %arg14[%dma_wait3A_875, %dma_wait3A_876] : memref<128x16xf32, #tpu.memory_space<vmem>> -> memref<8x16xf32, #tpu.memory_space<vmem>>
      %dma_wait3A_878 = arith.constant 0 : i32
      %dma_wait3A_879 = arith.constant 0 : i32
      %dma_wait3A_880 = tpu.memref_slice %arg7[%squeeze3A_415, %dma_wait3A_878, %dma_wait3A_879] : memref<125000x8x16xf32, #tpu.memory_space<hbm>> -> memref<1x8x16xf32, #tpu.memory_space<hbm>>
      %dma_wait3A_881 = tpu.memref_squeeze %dma_wait3A_880 : memref<1x8x16xf32, #tpu.memory_space<hbm>> -> memref<8x16xf32, #tpu.memory_space<hbm>>
      %dma_wait3A_882 = arith.constant 96 : i32
      %dma_wait3A_883 = arith.constant 0 : i32
      %dma_wait3A_884 = tpu.memref_slice %arg14[%dma_wait3A_882, %dma_wait3A_883] : memref<128x16xf32, #tpu.memory_space<vmem>> -> memref<8x16xf32, #tpu.memory_space<vmem>>
      %dma_wait3A_885 = arith.constant 0 : i32
      %dma_wait3A_886 = arith.constant 0 : i32
      %dma_wait3A_887 = tpu.memref_slice %arg7[%squeeze3A_415, %dma_wait3A_885, %dma_wait3A_886] : memref<125000x8x16xf32, #tpu.memory_space<hbm>> -> memref<1x8x16xf32, #tpu.memory_space<hbm>>
      %dma_wait3A_888 = tpu.memref_squeeze %dma_wait3A_887 : memref<1x8x16xf32, #tpu.memory_space<hbm>> -> memref<8x16xf32, #tpu.memory_space<hbm>>
      tpu.wait_dma2 semaphore(%arg17 : memref<!tpu.dma_semaphore, #tpu.memory_space<semaphore_mem>>) src(%dma_wait3A_888 : memref<8x16xf32, #tpu.memory_space<hbm>>) dst(%dma_wait3A_884 : memref<8x16xf32, #tpu.memory_space<vmem>>)
      %dma_wait3A_889 = arith.constant 104 : i32
      %dma_wait3A_890 = arith.constant 0 : i32
      %dma_wait3A_891 = tpu.memref_slice %arg13[%dma_wait3A_889, %dma_wait3A_890] : memref<128x16xf32, #tpu.memory_space<vmem>> -> memref<8x16xf32, #tpu.memory_space<vmem>>
      %dma_wait3A_892 = arith.constant 0 : i32
      %dma_wait3A_893 = arith.constant 0 : i32
      %dma_wait3A_894 = tpu.memref_slice %arg6[%squeeze3A_431, %dma_wait3A_892, %dma_wait3A_893] : memref<125000x8x16xf32, #tpu.memory_space<hbm>> -> memref<1x8x16xf32, #tpu.memory_space<hbm>>
      %dma_wait3A_895 = tpu.memref_squeeze %dma_wait3A_894 : memref<1x8x16xf32, #tpu.memory_space<hbm>> -> memref<8x16xf32, #tpu.memory_space<hbm>>
      %dma_wait3A_896 = arith.constant 104 : i32
      %dma_wait3A_897 = arith.constant 0 : i32
      %dma_wait3A_898 = tpu.memref_slice %arg13[%dma_wait3A_896, %dma_wait3A_897] : memref<128x16xf32, #tpu.memory_space<vmem>> -> memref<8x16xf32, #tpu.memory_space<vmem>>
      %dma_wait3A_899 = arith.constant 0 : i32
      %dma_wait3A_900 = arith.constant 0 : i32
      %dma_wait3A_901 = tpu.memref_slice %arg6[%squeeze3A_431, %dma_wait3A_899, %dma_wait3A_900] : memref<125000x8x16xf32, #tpu.memory_space<hbm>> -> memref<1x8x16xf32, #tpu.memory_space<hbm>>
      %dma_wait3A_902 = tpu.memref_squeeze %dma_wait3A_901 : memref<1x8x16xf32, #tpu.memory_space<hbm>> -> memref<8x16xf32, #tpu.memory_space<hbm>>
      tpu.wait_dma2 semaphore(%arg16 : memref<!tpu.dma_semaphore, #tpu.memory_space<semaphore_mem>>) src(%dma_wait3A_902 : memref<8x16xf32, #tpu.memory_space<hbm>>) dst(%dma_wait3A_898 : memref<8x16xf32, #tpu.memory_space<vmem>>)
      %dma_wait3A_903 = arith.constant 104 : i32
      %dma_wait3A_904 = arith.constant 0 : i32
      %dma_wait3A_905 = tpu.memref_slice %arg14[%dma_wait3A_903, %dma_wait3A_904] : memref<128x16xf32, #tpu.memory_space<vmem>> -> memref<8x16xf32, #tpu.memory_space<vmem>>
      %dma_wait3A_906 = arith.constant 0 : i32
      %dma_wait3A_907 = arith.constant 0 : i32
      %dma_wait3A_908 = tpu.memref_slice %arg7[%squeeze3A_447, %dma_wait3A_906, %dma_wait3A_907] : memref<125000x8x16xf32, #tpu.memory_space<hbm>> -> memref<1x8x16xf32, #tpu.memory_space<hbm>>
      %dma_wait3A_909 = tpu.memref_squeeze %dma_wait3A_908 : memref<1x8x16xf32, #tpu.memory_space<hbm>> -> memref<8x16xf32, #tpu.memory_space<hbm>>
      %dma_wait3A_910 = arith.constant 104 : i32
      %dma_wait3A_911 = arith.constant 0 : i32
      %dma_wait3A_912 = tpu.memref_slice %arg14[%dma_wait3A_910, %dma_wait3A_911] : memref<128x16xf32, #tpu.memory_space<vmem>> -> memref<8x16xf32, #tpu.memory_space<vmem>>
      %dma_wait3A_913 = arith.constant 0 : i32
      %dma_wait3A_914 = arith.constant 0 : i32
      %dma_wait3A_915 = tpu.memref_slice %arg7[%squeeze3A_447, %dma_wait3A_913, %dma_wait3A_914] : memref<125000x8x16xf32, #tpu.memory_space<hbm>> -> memref<1x8x16xf32, #tpu.memory_space<hbm>>
      %dma_wait3A_916 = tpu.memref_squeeze %dma_wait3A_915 : memref<1x8x16xf32, #tpu.memory_space<hbm>> -> memref<8x16xf32, #tpu.memory_space<hbm>>
      tpu.wait_dma2 semaphore(%arg17 : memref<!tpu.dma_semaphore, #tpu.memory_space<semaphore_mem>>) src(%dma_wait3A_916 : memref<8x16xf32, #tpu.memory_space<hbm>>) dst(%dma_wait3A_912 : memref<8x16xf32, #tpu.memory_space<vmem>>)
      %dma_wait3A_917 = arith.constant 112 : i32
      %dma_wait3A_918 = arith.constant 0 : i32
      %dma_wait3A_919 = tpu.memref_slice %arg13[%dma_wait3A_917, %dma_wait3A_918] : memref<128x16xf32, #tpu.memory_space<vmem>> -> memref<8x16xf32, #tpu.memory_space<vmem>>
      %dma_wait3A_920 = arith.constant 0 : i32
      %dma_wait3A_921 = arith.constant 0 : i32
      %dma_wait3A_922 = tpu.memref_slice %arg6[%squeeze3A_463, %dma_wait3A_920, %dma_wait3A_921] : memref<125000x8x16xf32, #tpu.memory_space<hbm>> -> memref<1x8x16xf32, #tpu.memory_space<hbm>>
      %dma_wait3A_923 = tpu.memref_squeeze %dma_wait3A_922 : memref<1x8x16xf32, #tpu.memory_space<hbm>> -> memref<8x16xf32, #tpu.memory_space<hbm>>
      %dma_wait3A_924 = arith.constant 112 : i32
      %dma_wait3A_925 = arith.constant 0 : i32
      %dma_wait3A_926 = tpu.memref_slice %arg13[%dma_wait3A_924, %dma_wait3A_925] : memref<128x16xf32, #tpu.memory_space<vmem>> -> memref<8x16xf32, #tpu.memory_space<vmem>>
      %dma_wait3A_927 = arith.constant 0 : i32
      %dma_wait3A_928 = arith.constant 0 : i32
      %dma_wait3A_929 = tpu.memref_slice %arg6[%squeeze3A_463, %dma_wait3A_927, %dma_wait3A_928] : memref<125000x8x16xf32, #tpu.memory_space<hbm>> -> memref<1x8x16xf32, #tpu.memory_space<hbm>>
      %dma_wait3A_930 = tpu.memref_squeeze %dma_wait3A_929 : memref<1x8x16xf32, #tpu.memory_space<hbm>> -> memref<8x16xf32, #tpu.memory_space<hbm>>
      tpu.wait_dma2 semaphore(%arg16 : memref<!tpu.dma_semaphore, #tpu.memory_space<semaphore_mem>>) src(%dma_wait3A_930 : memref<8x16xf32, #tpu.memory_space<hbm>>) dst(%dma_wait3A_926 : memref<8x16xf32, #tpu.memory_space<vmem>>)
      %dma_wait3A_931 = arith.constant 112 : i32
      %dma_wait3A_932 = arith.constant 0 : i32
      %dma_wait3A_933 = tpu.memref_slice %arg14[%dma_wait3A_931, %dma_wait3A_932] : memref<128x16xf32, #tpu.memory_space<vmem>> -> memref<8x16xf32, #tpu.memory_space<vmem>>
      %dma_wait3A_934 = arith.constant 0 : i32
      %dma_wait3A_935 = arith.constant 0 : i32
      %dma_wait3A_936 = tpu.memref_slice %arg7[%squeeze3A_479, %dma_wait3A_934, %dma_wait3A_935] : memref<125000x8x16xf32, #tpu.memory_space<hbm>> -> memref<1x8x16xf32, #tpu.memory_space<hbm>>
      %dma_wait3A_937 = tpu.memref_squeeze %dma_wait3A_936 : memref<1x8x16xf32, #tpu.memory_space<hbm>> -> memref<8x16xf32, #tpu.memory_space<hbm>>
      %dma_wait3A_938 = arith.constant 112 : i32
      %dma_wait3A_939 = arith.constant 0 : i32
      %dma_wait3A_940 = tpu.memref_slice %arg14[%dma_wait3A_938, %dma_wait3A_939] : memref<128x16xf32, #tpu.memory_space<vmem>> -> memref<8x16xf32, #tpu.memory_space<vmem>>
      %dma_wait3A_941 = arith.constant 0 : i32
      %dma_wait3A_942 = arith.constant 0 : i32
      %dma_wait3A_943 = tpu.memref_slice %arg7[%squeeze3A_479, %dma_wait3A_941, %dma_wait3A_942] : memref<125000x8x16xf32, #tpu.memory_space<hbm>> -> memref<1x8x16xf32, #tpu.memory_space<hbm>>
      %dma_wait3A_944 = tpu.memref_squeeze %dma_wait3A_943 : memref<1x8x16xf32, #tpu.memory_space<hbm>> -> memref<8x16xf32, #tpu.memory_space<hbm>>
      tpu.wait_dma2 semaphore(%arg17 : memref<!tpu.dma_semaphore, #tpu.memory_space<semaphore_mem>>) src(%dma_wait3A_944 : memref<8x16xf32, #tpu.memory_space<hbm>>) dst(%dma_wait3A_940 : memref<8x16xf32, #tpu.memory_space<vmem>>)
      %dma_wait3A_945 = arith.constant 120 : i32
      %dma_wait3A_946 = arith.constant 0 : i32
      %dma_wait3A_947 = tpu.memref_slice %arg13[%dma_wait3A_945, %dma_wait3A_946] : memref<128x16xf32, #tpu.memory_space<vmem>> -> memref<8x16xf32, #tpu.memory_space<vmem>>
      %dma_wait3A_948 = arith.constant 0 : i32
      %dma_wait3A_949 = arith.constant 0 : i32
      %dma_wait3A_950 = tpu.memref_slice %arg6[%squeeze3A_495, %dma_wait3A_948, %dma_wait3A_949] : memref<125000x8x16xf32, #tpu.memory_space<hbm>> -> memref<1x8x16xf32, #tpu.memory_space<hbm>>
      %dma_wait3A_951 = tpu.memref_squeeze %dma_wait3A_950 : memref<1x8x16xf32, #tpu.memory_space<hbm>> -> memref<8x16xf32, #tpu.memory_space<hbm>>
      %dma_wait3A_952 = arith.constant 120 : i32
      %dma_wait3A_953 = arith.constant 0 : i32
      %dma_wait3A_954 = tpu.memref_slice %arg13[%dma_wait3A_952, %dma_wait3A_953] : memref<128x16xf32, #tpu.memory_space<vmem>> -> memref<8x16xf32, #tpu.memory_space<vmem>>
      %dma_wait3A_955 = arith.constant 0 : i32
      %dma_wait3A_956 = arith.constant 0 : i32
      %dma_wait3A_957 = tpu.memref_slice %arg6[%squeeze3A_495, %dma_wait3A_955, %dma_wait3A_956] : memref<125000x8x16xf32, #tpu.memory_space<hbm>> -> memref<1x8x16xf32, #tpu.memory_space<hbm>>
      %dma_wait3A_958 = tpu.memref_squeeze %dma_wait3A_957 : memref<1x8x16xf32, #tpu.memory_space<hbm>> -> memref<8x16xf32, #tpu.memory_space<hbm>>
      tpu.wait_dma2 semaphore(%arg16 : memref<!tpu.dma_semaphore, #tpu.memory_space<semaphore_mem>>) src(%dma_wait3A_958 : memref<8x16xf32, #tpu.memory_space<hbm>>) dst(%dma_wait3A_954 : memref<8x16xf32, #tpu.memory_space<vmem>>)
      %dma_wait3A_959 = arith.constant 120 : i32
      %dma_wait3A_960 = arith.constant 0 : i32
      %dma_wait3A_961 = tpu.memref_slice %arg14[%dma_wait3A_959, %dma_wait3A_960] : memref<128x16xf32, #tpu.memory_space<vmem>> -> memref<8x16xf32, #tpu.memory_space<vmem>>
      %dma_wait3A_962 = arith.constant 0 : i32
      %dma_wait3A_963 = arith.constant 0 : i32
      %dma_wait3A_964 = tpu.memref_slice %arg7[%squeeze3A_511, %dma_wait3A_962, %dma_wait3A_963] : memref<125000x8x16xf32, #tpu.memory_space<hbm>> -> memref<1x8x16xf32, #tpu.memory_space<hbm>>
      %dma_wait3A_965 = tpu.memref_squeeze %dma_wait3A_964 : memref<1x8x16xf32, #tpu.memory_space<hbm>> -> memref<8x16xf32, #tpu.memory_space<hbm>>
      %dma_wait3A_966 = arith.constant 120 : i32
      %dma_wait3A_967 = arith.constant 0 : i32
      %dma_wait3A_968 = tpu.memref_slice %arg14[%dma_wait3A_966, %dma_wait3A_967] : memref<128x16xf32, #tpu.memory_space<vmem>> -> memref<8x16xf32, #tpu.memory_space<vmem>>
      %dma_wait3A_969 = arith.constant 0 : i32
      %dma_wait3A_970 = arith.constant 0 : i32
      %dma_wait3A_971 = tpu.memref_slice %arg7[%squeeze3A_511, %dma_wait3A_969, %dma_wait3A_970] : memref<125000x8x16xf32, #tpu.memory_space<hbm>> -> memref<1x8x16xf32, #tpu.memory_space<hbm>>
      %dma_wait3A_972 = tpu.memref_squeeze %dma_wait3A_971 : memref<1x8x16xf32, #tpu.memory_space<hbm>> -> memref<8x16xf32, #tpu.memory_space<hbm>>
      tpu.wait_dma2 semaphore(%arg17 : memref<!tpu.dma_semaphore, #tpu.memory_space<semaphore_mem>>) src(%dma_wait3A_972 : memref<8x16xf32, #tpu.memory_space<hbm>>) dst(%dma_wait3A_968 : memref<8x16xf32, #tpu.memory_space<vmem>>)
      %mul3A_973 = arith.constant 16 : i32
      %mul3A_974 = arith.muli %scan3A_9, %mul3A_973 : i32
      %get3A_975 = arith.index_cast %mul3A_974 : i32 to index
      %get3A_976 = tpu.vector_load %arg11[%get3A_975] {strides = array<i32>} : memref<512xi32, #tpu.memory_space<vmem>>, vector<16xi32>,
      %add3A_977 = arith.addi %mul3A_3, %get3A_976 : vector<16xi32>
      %mul3A_978 = arith.constant 16 : i32
      %mul3A_979 = arith.muli %scan3A_9, %mul3A_978 : i32
      %get3A_980 = arith.index_cast %mul3A_979 : i32 to index
      %get3A_981 = tpu.vector_load %arg12[%get3A_980] {strides = array<i32>} : memref<512xi32, #tpu.memory_space<vmem>>, vector<16xi32>,
      %add3A_982 = arith.addi %mul3A_3, %get3A_981 : vector<16xi32>
      %broadcast_in_dim3A = arith.constant 0 : i32
      %broadcast_in_dim3A_983 = vector.broadcast %broadcast_in_dim3A : i32 to vector<16xi32>
      %gather3A = tpu.vector_load_idx %arg13[%add3A_977, %broadcast_in_dim3A_983] : memref<128x16xf32, #tpu.memory_space<vmem>>[vector<16xi32>, vector<16xi32>], vector<16xf32>,
      %gather3A_984 = tpu.vector_load_idx %arg14[%add3A_982, %broadcast_in_dim3A_983] : memref<128x16xf32, #tpu.memory_space<vmem>>[vector<16xi32>, vector<16xi32>], vector<16xf32>,
      %mul3A_985 = arith.mulf %gather3A, %gather3A_984 : vector<16xf32>
      %add3A_986 = arith.constant 1 : i32
      %add3A_987 = vector.broadcast %add3A_986 : i32 to vector<16xi32>
      %add3A_988 = arith.addi %broadcast_in_dim3A_983, %add3A_987 : vector<16xi32>
      %gather3A_989 = tpu.vector_load_idx %arg13[%add3A_977, %add3A_988] : memref<128x16xf32, #tpu.memory_space<vmem>>[vector<16xi32>, vector<16xi32>], vector<16xf32>,
      %add3A_990 = arith.constant 1 : i32
      %add3A_991 = vector.broadcast %add3A_990 : i32 to vector<16xi32>
      %add3A_992 = arith.addi %broadcast_in_dim3A_983, %add3A_991 : vector<16xi32>
      %gather3A_993 = tpu.vector_load_idx %arg14[%add3A_982, %add3A_992] : memref<128x16xf32, #tpu.memory_space<vmem>>[vector<16xi32>, vector<16xi32>], vector<16xf32>,
      %mul3A_994 = arith.mulf %gather3A_989, %gather3A_993 : vector<16xf32>
      %add3A_995 = arith.constant 2 : i32
      %add3A_996 = vector.broadcast %add3A_995 : i32 to vector<16xi32>
      %add3A_997 = arith.addi %broadcast_in_dim3A_983, %add3A_996 : vector<16xi32>
      %gather3A_998 = tpu.vector_load_idx %arg13[%add3A_977, %add3A_997] : memref<128x16xf32, #tpu.memory_space<vmem>>[vector<16xi32>, vector<16xi32>], vector<16xf32>,
      %add3A_999 = arith.constant 2 : i32
      %add3A_1000 = vector.broadcast %add3A_999 : i32 to vector<16xi32>
      %add3A_1001 = arith.addi %broadcast_in_dim3A_983, %add3A_1000 : vector<16xi32>
      %gather3A_1002 = tpu.vector_load_idx %arg14[%add3A_982, %add3A_1001] : memref<128x16xf32, #tpu.memory_space<vmem>>[vector<16xi32>, vector<16xi32>], vector<16xf32>,
      %mul3A_1003 = arith.mulf %gather3A_998, %gather3A_1002 : vector<16xf32>
      %add3A_1004 = arith.addf %mul3A_985, %mul3A_1003 : vector<16xf32>
      %add3A_1005 = arith.constant 2 : i32
      %add3A_1006 = vector.broadcast %add3A_1005 : i32 to vector<16xi32>
      %add3A_1007 = arith.addi %broadcast_in_dim3A_983, %add3A_1006 : vector<16xi32>
      %add3A_1008 = arith.constant 1 : i32
      %add3A_1009 = vector.broadcast %add3A_1008 : i32 to vector<16xi32>
      %add3A_1010 = arith.addi %add3A_1007, %add3A_1009 : vector<16xi32>
      %gather3A_1011 = tpu.vector_load_idx %arg13[%add3A_977, %add3A_1010] : memref<128x16xf32, #tpu.memory_space<vmem>>[vector<16xi32>, vector<16xi32>], vector<16xf32>,
      %add3A_1012 = arith.constant 2 : i32
      %add3A_1013 = vector.broadcast %add3A_1012 : i32 to vector<16xi32>
      %add3A_1014 = arith.addi %broadcast_in_dim3A_983, %add3A_1013 : vector<16xi32>
      %add3A_1015 = arith.constant 1 : i32
      %add3A_1016 = vector.broadcast %add3A_1015 : i32 to vector<16xi32>
      %add3A_1017 = arith.addi %add3A_1014, %add3A_1016 : vector<16xi32>
      %gather3A_1018 = tpu.vector_load_idx %arg14[%add3A_982, %add3A_1017] : memref<128x16xf32, #tpu.memory_space<vmem>>[vector<16xi32>, vector<16xi32>], vector<16xf32>,
      %mul3A_1019 = arith.mulf %gather3A_1011, %gather3A_1018 : vector<16xf32>
      %add3A_1020 = arith.addf %mul3A_994, %mul3A_1019 : vector<16xf32>
      %add3A_1021 = arith.constant 4 : i32
      %add3A_1022 = vector.broadcast %add3A_1021 : i32 to vector<16xi32>
      %add3A_1023 = arith.addi %broadcast_in_dim3A_983, %add3A_1022 : vector<16xi32>
      %gather3A_1024 = tpu.vector_load_idx %arg13[%add3A_977, %add3A_1023] : memref<128x16xf32, #tpu.memory_space<vmem>>[vector<16xi32>, vector<16xi32>], vector<16xf32>,
      %add3A_1025 = arith.constant 4 : i32
      %add3A_1026 = vector.broadcast %add3A_1025 : i32 to vector<16xi32>
      %add3A_1027 = arith.addi %broadcast_in_dim3A_983, %add3A_1026 : vector<16xi32>
      %gather3A_1028 = tpu.vector_load_idx %arg14[%add3A_982, %add3A_1027] : memref<128x16xf32, #tpu.memory_space<vmem>>[vector<16xi32>, vector<16xi32>], vector<16xf32>,
      %mul3A_1029 = arith.mulf %gather3A_1024, %gather3A_1028 : vector<16xf32>
      %add3A_1030 = arith.addf %add3A_1004, %mul3A_1029 : vector<16xf32>
      %add3A_1031 = arith.constant 4 : i32
      %add3A_1032 = vector.broadcast %add3A_1031 : i32 to vector<16xi32>
      %add3A_1033 = arith.addi %broadcast_in_dim3A_983, %add3A_1032 : vector<16xi32>
      %add3A_1034 = arith.constant 1 : i32
      %add3A_1035 = vector.broadcast %add3A_1034 : i32 to vector<16xi32>
      %add3A_1036 = arith.addi %add3A_1033, %add3A_1035 : vector<16xi32>
      %gather3A_1037 = tpu.vector_load_idx %arg13[%add3A_977, %add3A_1036] : memref<128x16xf32, #tpu.memory_space<vmem>>[vector<16xi32>, vector<16xi32>], vector<16xf32>,
      %add3A_1038 = arith.constant 4 : i32
      %add3A_1039 = vector.broadcast %add3A_1038 : i32 to vector<16xi32>
      %add3A_1040 = arith.addi %broadcast_in_dim3A_983, %add3A_1039 : vector<16xi32>
      %add3A_1041 = arith.constant 1 : i32
      %add3A_1042 = vector.broadcast %add3A_1041 : i32 to vector<16xi32>
      %add3A_1043 = arith.addi %add3A_1040, %add3A_1042 : vector<16xi32>
      %gather3A_1044 = tpu.vector_load_idx %arg14[%add3A_982, %add3A_1043] : memref<128x16xf32, #tpu.memory_space<vmem>>[vector<16xi32>, vector<16xi32>], vector<16xf32>,
      %mul3A_1045 = arith.mulf %gather3A_1037, %gather3A_1044 : vector<16xf32>
      %add3A_1046 = arith.addf %add3A_1020, %mul3A_1045 : vector<16xf32>
      %add3A_1047 = arith.constant 6 : i32
      %add3A_1048 = vector.broadcast %add3A_1047 : i32 to vector<16xi32>
      %add3A_1049 = arith.addi %broadcast_in_dim3A_983, %add3A_1048 : vector<16xi32>
      %gather3A_1050 = tpu.vector_load_idx %arg13[%add3A_977, %add3A_1049] : memref<128x16xf32, #tpu.memory_space<vmem>>[vector<16xi32>, vector<16xi32>], vector<16xf32>,
      %add3A_1051 = arith.constant 6 : i32
      %add3A_1052 = vector.broadcast %add3A_1051 : i32 to vector<16xi32>
      %add3A_1053 = arith.addi %broadcast_in_dim3A_983, %add3A_1052 : vector<16xi32>
      %gather3A_1054 = tpu.vector_load_idx %arg14[%add3A_982, %add3A_1053] : memref<128x16xf32, #tpu.memory_space<vmem>>[vector<16xi32>, vector<16xi32>], vector<16xf32>,
      %mul3A_1055 = arith.mulf %gather3A_1050, %gather3A_1054 : vector<16xf32>
      %add3A_1056 = arith.addf %add3A_1030, %mul3A_1055 : vector<16xf32>
      %add3A_1057 = arith.constant 6 : i32
      %add3A_1058 = vector.broadcast %add3A_1057 : i32 to vector<16xi32>
      %add3A_1059 = arith.addi %broadcast_in_dim3A_983, %add3A_1058 : vector<16xi32>
      %add3A_1060 = arith.constant 1 : i32
      %add3A_1061 = vector.broadcast %add3A_1060 : i32 to vector<16xi32>
      %add3A_1062 = arith.addi %add3A_1059, %add3A_1061 : vector<16xi32>
      %gather3A_1063 = tpu.vector_load_idx %arg13[%add3A_977, %add3A_1062] : memref<128x16xf32, #tpu.memory_space<vmem>>[vector<16xi32>, vector<16xi32>], vector<16xf32>,
      %add3A_1064 = arith.constant 6 : i32
      %add3A_1065 = vector.broadcast %add3A_1064 : i32 to vector<16xi32>
      %add3A_1066 = arith.addi %broadcast_in_dim3A_983, %add3A_1065 : vector<16xi32>
      %add3A_1067 = arith.constant 1 : i32
      %add3A_1068 = vector.broadcast %add3A_1067 : i32 to vector<16xi32>
      %add3A_1069 = arith.addi %add3A_1066, %add3A_1068 : vector<16xi32>
      %gather3A_1070 = tpu.vector_load_idx %arg14[%add3A_982, %add3A_1069] : memref<128x16xf32, #tpu.memory_space<vmem>>[vector<16xi32>, vector<16xi32>], vector<16xf32>,
      %mul3A_1071 = arith.mulf %gather3A_1063, %gather3A_1070 : vector<16xf32>
      %add3A_1072 = arith.addf %add3A_1046, %mul3A_1071 : vector<16xf32>
      %add3A_1073 = arith.constant 8 : i32
      %add3A_1074 = vector.broadcast %add3A_1073 : i32 to vector<16xi32>
      %add3A_1075 = arith.addi %broadcast_in_dim3A_983, %add3A_1074 : vector<16xi32>
      %gather3A_1076 = tpu.vector_load_idx %arg13[%add3A_977, %add3A_1075] : memref<128x16xf32, #tpu.memory_space<vmem>>[vector<16xi32>, vector<16xi32>], vector<16xf32>,
      %add3A_1077 = arith.constant 8 : i32
      %add3A_1078 = vector.broadcast %add3A_1077 : i32 to vector<16xi32>
      %add3A_1079 = arith.addi %broadcast_in_dim3A_983, %add3A_1078 : vector<16xi32>
      %gather3A_1080 = tpu.vector_load_idx %arg14[%add3A_982, %add3A_1079] : memref<128x16xf32, #tpu.memory_space<vmem>>[vector<16xi32>, vector<16xi32>], vector<16xf32>,
      %mul3A_1081 = arith.mulf %gather3A_1076, %gather3A_1080 : vector<16xf32>
      %add3A_1082 = arith.addf %add3A_1056, %mul3A_1081 : vector<16xf32>
      %add3A_1083 = arith.constant 8 : i32
      %add3A_1084 = vector.broadcast %add3A_1083 : i32 to vector<16xi32>
      %add3A_1085 = arith.addi %broadcast_in_dim3A_983, %add3A_1084 : vector<16xi32>
      %add3A_1086 = arith.constant 1 : i32
      %add3A_1087 = vector.broadcast %add3A_1086 : i32 to vector<16xi32>
      %add3A_1088 = arith.addi %add3A_1085, %add3A_1087 : vector<16xi32>
      %gather3A_1089 = tpu.vector_load_idx %arg13[%add3A_977, %add3A_1088] : memref<128x16xf32, #tpu.memory_space<vmem>>[vector<16xi32>, vector<16xi32>], vector<16xf32>,
      %add3A_1090 = arith.constant 8 : i32
      %add3A_1091 = vector.broadcast %add3A_1090 : i32 to vector<16xi32>
      %add3A_1092 = arith.addi %broadcast_in_dim3A_983, %add3A_1091 : vector<16xi32>
      %add3A_1093 = arith.constant 1 : i32
      %add3A_1094 = vector.broadcast %add3A_1093 : i32 to vector<16xi32>
      %add3A_1095 = arith.addi %add3A_1092, %add3A_1094 : vector<16xi32>
      %gather3A_1096 = tpu.vector_load_idx %arg14[%add3A_982, %add3A_1095] : memref<128x16xf32, #tpu.memory_space<vmem>>[vector<16xi32>, vector<16xi32>], vector<16xf32>,
      %mul3A_1097 = arith.mulf %gather3A_1089, %gather3A_1096 : vector<16xf32>
      %add3A_1098 = arith.addf %add3A_1072, %mul3A_1097 : vector<16xf32>
      %add3A_1099 = arith.constant 10 : i32
      %add3A_1100 = vector.broadcast %add3A_1099 : i32 to vector<16xi32>
      %add3A_1101 = arith.addi %broadcast_in_dim3A_983, %add3A_1100 : vector<16xi32>
      %gather3A_1102 = tpu.vector_load_idx %arg13[%add3A_977, %add3A_1101] : memref<128x16xf32, #tpu.memory_space<vmem>>[vector<16xi32>, vector<16xi32>], vector<16xf32>,
      %add3A_1103 = arith.constant 10 : i32
      %add3A_1104 = vector.broadcast %add3A_1103 : i32 to vector<16xi32>
      %add3A_1105 = arith.addi %broadcast_in_dim3A_983, %add3A_1104 : vector<16xi32>
      %gather3A_1106 = tpu.vector_load_idx %arg14[%add3A_982, %add3A_1105] : memref<128x16xf32, #tpu.memory_space<vmem>>[vector<16xi32>, vector<16xi32>], vector<16xf32>,
      %mul3A_1107 = arith.mulf %gather3A_1102, %gather3A_1106 : vector<16xf32>
      %add3A_1108 = arith.addf %add3A_1082, %mul3A_1107 : vector<16xf32>
      %add3A_1109 = arith.constant 10 : i32
      %add3A_1110 = vector.broadcast %add3A_1109 : i32 to vector<16xi32>
      %add3A_1111 = arith.addi %broadcast_in_dim3A_983, %add3A_1110 : vector<16xi32>
      %add3A_1112 = arith.constant 1 : i32
      %add3A_1113 = vector.broadcast %add3A_1112 : i32 to vector<16xi32>
      %add3A_1114 = arith.addi %add3A_1111, %add3A_1113 : vector<16xi32>
      %gather3A_1115 = tpu.vector_load_idx %arg13[%add3A_977, %add3A_1114] : memref<128x16xf32, #tpu.memory_space<vmem>>[vector<16xi32>, vector<16xi32>], vector<16xf32>,
      %add3A_1116 = arith.constant 10 : i32
      %add3A_1117 = vector.broadcast %add3A_1116 : i32 to vector<16xi32>
      %add3A_1118 = arith.addi %broadcast_in_dim3A_983, %add3A_1117 : vector<16xi32>
      %add3A_1119 = arith.constant 1 : i32
      %add3A_1120 = vector.broadcast %add3A_1119 : i32 to vector<16xi32>
      %add3A_1121 = arith.addi %add3A_1118, %add3A_1120 : vector<16xi32>
      %gather3A_1122 = tpu.vector_load_idx %arg14[%add3A_982, %add3A_1121] : memref<128x16xf32, #tpu.memory_space<vmem>>[vector<16xi32>, vector<16xi32>], vector<16xf32>,
      %mul3A_1123 = arith.mulf %gather3A_1115, %gather3A_1122 : vector<16xf32>
      %add3A_1124 = arith.addf %add3A_1098, %mul3A_1123 : vector<16xf32>
      %add3A_1125 = arith.constant 12 : i32
      %add3A_1126 = vector.broadcast %add3A_1125 : i32 to vector<16xi32>
      %add3A_1127 = arith.addi %broadcast_in_dim3A_983, %add3A_1126 : vector<16xi32>
      %gather3A_1128 = tpu.vector_load_idx %arg13[%add3A_977, %add3A_1127] : memref<128x16xf32, #tpu.memory_space<vmem>>[vector<16xi32>, vector<16xi32>], vector<16xf32>,
      %add3A_1129 = arith.constant 12 : i32
      %add3A_1130 = vector.broadcast %add3A_1129 : i32 to vector<16xi32>
      %add3A_1131 = arith.addi %broadcast_in_dim3A_983, %add3A_1130 : vector<16xi32>
      %gather3A_1132 = tpu.vector_load_idx %arg14[%add3A_982, %add3A_1131] : memref<128x16xf32, #tpu.memory_space<vmem>>[vector<16xi32>, vector<16xi32>], vector<16xf32>,
      %mul3A_1133 = arith.mulf %gather3A_1128, %gather3A_1132 : vector<16xf32>
      %add3A_1134 = arith.addf %add3A_1108, %mul3A_1133 : vector<16xf32>
      %add3A_1135 = arith.constant 12 : i32
      %add3A_1136 = vector.broadcast %add3A_1135 : i32 to vector<16xi32>
      %add3A_1137 = arith.addi %broadcast_in_dim3A_983, %add3A_1136 : vector<16xi32>
      %add3A_1138 = arith.constant 1 : i32
      %add3A_1139 = vector.broadcast %add3A_1138 : i32 to vector<16xi32>
      %add3A_1140 = arith.addi %add3A_1137, %add3A_1139 : vector<16xi32>
      %gather3A_1141 = tpu.vector_load_idx %arg13[%add3A_977, %add3A_1140] : memref<128x16xf32, #tpu.memory_space<vmem>>[vector<16xi32>, vector<16xi32>], vector<16xf32>,
      %add3A_1142 = arith.constant 12 : i32
      %add3A_1143 = vector.broadcast %add3A_1142 : i32 to vector<16xi32>
      %add3A_1144 = arith.addi %broadcast_in_dim3A_983, %add3A_1143 : vector<16xi32>
      %add3A_1145 = arith.constant 1 : i32
      %add3A_1146 = vector.broadcast %add3A_1145 : i32 to vector<16xi32>
      %add3A_1147 = arith.addi %add3A_1144, %add3A_1146 : vector<16xi32>
      %gather3A_1148 = tpu.vector_load_idx %arg14[%add3A_982, %add3A_1147] : memref<128x16xf32, #tpu.memory_space<vmem>>[vector<16xi32>, vector<16xi32>], vector<16xf32>,
      %mul3A_1149 = arith.mulf %gather3A_1141, %gather3A_1148 : vector<16xf32>
      %add3A_1150 = arith.addf %add3A_1124, %mul3A_1149 : vector<16xf32>
      %add3A_1151 = arith.constant 14 : i32
      %add3A_1152 = vector.broadcast %add3A_1151 : i32 to vector<16xi32>
      %add3A_1153 = arith.addi %broadcast_in_dim3A_983, %add3A_1152 : vector<16xi32>
      %gather3A_1154 = tpu.vector_load_idx %arg13[%add3A_977, %add3A_1153] : memref<128x16xf32, #tpu.memory_space<vmem>>[vector<16xi32>, vector<16xi32>], vector<16xf32>,
      %add3A_1155 = arith.constant 14 : i32
      %add3A_1156 = vector.broadcast %add3A_1155 : i32 to vector<16xi32>
      %add3A_1157 = arith.addi %broadcast_in_dim3A_983, %add3A_1156 : vector<16xi32>
      %gather3A_1158 = tpu.vector_load_idx %arg14[%add3A_982, %add3A_1157] : memref<128x16xf32, #tpu.memory_space<vmem>>[vector<16xi32>, vector<16xi32>], vector<16xf32>,
      %mul3A_1159 = arith.mulf %gather3A_1154, %gather3A_1158 : vector<16xf32>
      %add3A_1160 = arith.addf %add3A_1134, %mul3A_1159 : vector<16xf32>
      %add3A_1161 = arith.constant 14 : i32
      %add3A_1162 = vector.broadcast %add3A_1161 : i32 to vector<16xi32>
      %add3A_1163 = arith.addi %broadcast_in_dim3A_983, %add3A_1162 : vector<16xi32>
      %add3A_1164 = arith.constant 1 : i32
      %add3A_1165 = vector.broadcast %add3A_1164 : i32 to vector<16xi32>
      %add3A_1166 = arith.addi %add3A_1163, %add3A_1165 : vector<16xi32>
      %gather3A_1167 = tpu.vector_load_idx %arg13[%add3A_977, %add3A_1166] : memref<128x16xf32, #tpu.memory_space<vmem>>[vector<16xi32>, vector<16xi32>], vector<16xf32>,
      %add3A_1168 = arith.constant 14 : i32
      %add3A_1169 = vector.broadcast %add3A_1168 : i32 to vector<16xi32>
      %add3A_1170 = arith.addi %broadcast_in_dim3A_983, %add3A_1169 : vector<16xi32>
      %add3A_1171 = arith.constant 1 : i32
      %add3A_1172 = vector.broadcast %add3A_1171 : i32 to vector<16xi32>
      %add3A_1173 = arith.addi %add3A_1170, %add3A_1172 : vector<16xi32>
      %gather3A_1174 = tpu.vector_load_idx %arg14[%add3A_982, %add3A_1173] : memref<128x16xf32, #tpu.memory_space<vmem>>[vector<16xi32>, vector<16xi32>], vector<16xf32>,
      %mul3A_1175 = arith.mulf %gather3A_1167, %gather3A_1174 : vector<16xf32>
      %add3A_1176 = arith.addf %add3A_1150, %mul3A_1175 : vector<16xf32>
      %add3A_1177 = arith.addf %add3A_1160, %add3A_1176 : vector<16xf32>
      %mul3A_1178 = arith.constant 16 : i32
      %mul3A_1179 = arith.muli %scan3A_9, %mul3A_1178 : i32
      %swap3A = arith.index_cast %mul3A_1179 : i32 to index
      %swap3A_1180 = tpu.vector_load %arg15[%swap3A] {strides = array<i32>} : memref<512xf32, #tpu.memory_space<vmem>>, vector<16xf32>,
      tpu.vector_store %arg15[%swap3A], %add3A_1177 {strides = array<i32>} : memref<512xf32, #tpu.memory_space<vmem>>, vector<16xf32>,
    }
    %scan3A_8 = arith.constant 32 : i32
    "tpu.region"() ({
      %run_scoped3A = tpu.sem_alloc : memref<!tpu.dma_semaphore, #tpu.memory_space<semaphore_mem>>
      %dma_start3A = arith.constant 0 : i32
      %dma_start3A_9 = tpu.memref_slice %arg8[%add3A, %dma_start3A] : memref<32x512xf32, #tpu.memory_space<hbm>> -> memref<1x512xf32, #tpu.memory_space<hbm>>
      %dma_start3A_10 = tpu.memref_squeeze %dma_start3A_9 : memref<1x512xf32, #tpu.memory_space<hbm>> -> memref<512xf32, #tpu.memory_space<hbm>>
      %dma_start3A_11 = arith.constant 0 : i32
      %dma_start3A_12 = tpu.memref_slice %arg8[%add3A, %dma_start3A_11] : memref<32x512xf32, #tpu.memory_space<hbm>> -> memref<1x512xf32, #tpu.memory_space<hbm>>
      %dma_start3A_13 = tpu.memref_squeeze %dma_start3A_12 : memref<1x512xf32, #tpu.memory_space<hbm>> -> memref<512xf32, #tpu.memory_space<hbm>>
      tpu.enqueue_dma source(%arg15 : memref<512xf32, #tpu.memory_space<vmem>>) target(%dma_start3A_13 : memref<512xf32, #tpu.memory_space<hbm>>) target_semaphore(%run_scoped3A : memref<!tpu.dma_semaphore, #tpu.memory_space<semaphore_mem>>)
      %dma_wait3A = arith.constant 0 : i32
      %dma_wait3A_14 = tpu.memref_slice %arg8[%add3A, %dma_wait3A] : memref<32x512xf32, #tpu.memory_space<hbm>> -> memref<1x512xf32, #tpu.memory_space<hbm>>
      %dma_wait3A_15 = tpu.memref_squeeze %dma_wait3A_14 : memref<1x512xf32, #tpu.memory_space<hbm>> -> memref<512xf32, #tpu.memory_space<hbm>>
      %dma_wait3A_16 = arith.constant 0 : i32
      %dma_wait3A_17 = tpu.memref_slice %arg8[%add3A, %dma_wait3A_16] : memref<32x512xf32, #tpu.memory_space<hbm>> -> memref<1x512xf32, #tpu.memory_space<hbm>>
      %dma_wait3A_18 = tpu.memref_squeeze %dma_wait3A_17 : memref<1x512xf32, #tpu.memory_space<hbm>> -> memref<512xf32, #tpu.memory_space<hbm>>
      tpu.wait_dma2 semaphore(%run_scoped3A : memref<!tpu.dma_semaphore, #tpu.memory_space<semaphore_mem>>) src(%arg15 : memref<512xf32, #tpu.memory_space<vmem>>) dst(%dma_wait3A_18 : memref<512xf32, #tpu.memory_space<hbm>>)
      tpu.yield
    }) : () -> ()
    return
  }
}

</mosaic_0001>

<sc_bundles>
// kernel: kernel.3.cloned.1.call-start
scs
__scs_entry_jumppad:
0x0: {  	(pc) =	sbr.rel $0x88, $3  }
0x1: {  	(tag) =	ssettag $0x0;
	lr =	simm.s32 $0x1  }
0x2: {  	[smem:$0x3F9D] =	sst lr;
	_ =	strace $0xD0000000  }
0x3: {  	_ = 	snop  }
0x4: {  	_ = 	snop  }
0x5: {  	_ = 	snop  }
0x6: {  	_ = 	snop  }
0x7: {  	_ = 	snop  }
__scs_overlays_trampoline_lowered:
0x8: {  	[smem:$0x3FAC] =	sst s0  }
0x9: {  	[smem:$0x3FAD] =	sst s1  }
0xa: {  	[smem:$0x3FAE] =	sst s2  }
0xb: {  	[smem:$0x3FAF] =	sst s3  }
0xc: {  	[smem:$0x3FB0] =	sst s4  }
0xd: {  	[smem:$0x3FB1] =	sst s5  }
0xe: {  	[smem:$0x3FB2] =	sst s6  }
0xf: {  	[smem:$0x3FB3] =	sst s7  }
0x10: {  	[smem:$0x3FB4] =	sst s8  }
0x11: {  	[smem:$0x3FB5] =	sst s9;
	s0 =	simm.s32 @!p0 $0x0  }
0x12: {  	s1 =	sld [smem:$0x3F9B];
	s0 =	simm.s32 @p0 $0x1  }
0x13: {  	[smem:$0x3FB6] =	sst s0;
	s0 =	simm.s32 @!p1 $0x0  }
0x14: {  	s2 =	sld [smem:$0x3F9A];
	s0 =	simm.s32 @p1 $0x1  }
0x15: {  	[smem:$0x3FB7] =	sst s0;
	s0 =	simm.s32 @!p2 $0x0  }
0x16: {  	s3 =	sld [smem:$0x3FDB];
	s0 =	simm.s32 @p2 $0x1  }
0x17: {  	s4 =	simm.s32 $0x1BF5;
	[smem:$0x3FB9] =	sst s0  }
0x18: {  	s0 =	sld [smem:$0x3F9C];
	_ =	swait.ge [sflag:s4], $0x0  }
0x19: {  	s7 =	sld [smem:$0x3F9D]  }
0x1a: {  	s8 =	sadd.s32 $0xFFFFE003, lr  }
0x1b: {  	s9 =	sadd.s32 $0xFFFFFEF7, lr;
	s5 =	simm.s32 $0xFFFFFFFF;
	p2 =	slt.u32 s8, $0xFFFFF086  }
0x1c: {  	p1 =	slt.u32 s9, $0xF7A;
	s5 =	simm.s32 @!p2 $0x0  }
0x1d: {  	s5 =	simm.s32 @p1 $0x1;
	p0 =	seq.s32 s7, s2  }
0x1e: {  	s7 =	smul.u32 @!p0 $0xF7A, s2;
	p2 =	seq.s32 @!p0 s5, $0x0  }
0x1f: {  	s9 =	smul.u32 $0xF7A, s1;
	s8 =	simm.s32 @!p0 $0x1BF5;
	p2 =	por !p2, p0  }
0x20: {  	[sflag:s8] =	ssyncset.s32 @!p0 $0xFFFFF086;
	s6 =	sadd.s32 @!p0 s3, s7;
	s7 =	simm.s32 @!p0 $0x108  }
0x21: {  	s3 =	sadd.s32 s3, s9;
	s6 =	sadd.s32 @!p0 $0x88, s6;
	s7 =	simm.s32 @p2 $0x1082  }
0x22: {  	[simem:s7], [sflag:s8] =	dma.local @!p0 [hbm:s6], $0xF7A  }
0x23: {  	s9 =	sor.u32 $0xD0000000, s2;
	s6 =	simm.s32 $0x108;
	_ =	swait.ge @!p0 [sflag:s8], $0x0  }
0x24: {  	s3 =	sadd.s32 $0x88, s3;
	s6 =	simm.s32 @!p1 $0x1082;
	[sflag:s4] =	ssyncset.s32 $0xFFFFF086  }
0x25: {  	[simem:s6], [sflag:s4] =	dma.local [hbm:s3], $0xF7A  }
0x26: {  	[smem:$0x3F9D] =	sst s1;
	(tag) =	ssettag s2;
	_ =	strace s9  }
0x27: {  	s1 =	sld [smem:$0x3FAD]  }
0x28: {  	s2 =	sld [smem:$0x3FAE]  }
0x29: {  	s4 =	sld [smem:$0x3FB0]  }
0x2a: {  	p0 =	seq.s32 s5, $0x0;
	s5 =	sld [smem:$0x3FB1]  }
0x2b: {  	s6 =	sld [smem:$0x3FB2]  }
0x2c: {  	s7 =	sld [smem:$0x3FB3]  }
0x2d: {  	s3 =	simm.s32 $0x108;
	s8 =	sld [smem:$0x3FB4]  }
0x2e: {  	s3 =	simm.s32 @!p0 $0x1082;
	s9 =	sld [smem:$0x3FB5]  }
0x2f: {  	lr =	sadd.s32 s0, s3;
	s0 =	sld [smem:$0x3FAC]  }
0x30: {  	s3 =	sld [smem:$0x3FAF]  }
0x31: {  	[smem:$0x3FB8] =	sst s10  }
0x32: {  	s10 =	sld [smem:$0x3FB6];
	_ =	sdelay $0x3  }
0x33: {  	p0 =	seq.s32 s10, $0x1;
	s10 =	sld [smem:$0x3FB8];
	_ =	sdelay $0x3  }
0x34: {  	[smem:$0x3FB8] =	sst s10  }
0x35: {  	s10 =	sld [smem:$0x3FB7];
	_ =	sdelay $0x3  }
0x36: {  	p1 =	seq.s32 s10, $0x1;
	s10 =	sld [smem:$0x3FB8];
	_ =	sdelay $0x3  }
0x37: {  	[smem:$0x3FB8] =	sst s10  }
0x38: {  	s10 =	sld [smem:$0x3FB9]  }
0x39: {  	_ = 	snop;
	(pc) =	sbr.ind lr, $3  }
0x3a: {  	_ = 	snop  }
0x3b: {  	_ = 	snop  }
0x3c: {  	p2 =	seq.s32 s10, $0x1;
	s10 =	sld [smem:$0x3FB8]  }
0x3d: {  	_ =	shalt  }
0x3e: {  	_ =	shalt  }
0x3f: {  	_ =	shalt  }
0x40: {  	_ =	shalt  }
0x41: {  	_ =	shalt  }
0x42: {  	_ =	shalt  }
0x43: {  	_ =	shalt  }
0x44: {  	_ =	shalt  }
0x45: {  	_ =	shalt  }
0x46: {  	_ =	shalt  }
0x47: {  	_ =	shalt  }
0x48: {  	_ =	shalt  }
0x49: {  	_ =	shalt  }
0x4a: {  	_ =	shalt  }
0x4b: {  	_ =	shalt  }
0x4c: {  	_ =	shalt  }
0x4d: {  	_ =	shalt  }
0x4e: {  	_ =	shalt  }
0x4f: {  	_ =	shalt  }
0x50: {  	_ =	shalt  }
0x51: {  	_ =	shalt  }
0x52: {  	_ =	shalt  }
0x53: {  	_ =	shalt  }
0x54: {  	_ =	shalt  }
0x55: {  	_ =	shalt  }
0x56: {  	_ =	shalt  }
0x57: {  	_ =	shalt  }
0x58: {  	_ =	shalt  }
0x59: {  	_ =	shalt  }
0x5a: {  	_ =	shalt  }
0x5b: {  	_ =	shalt  }
0x5c: {  	_ =	shalt  }
0x5d: {  	_ =	shalt  }
0x5e: {  	_ =	shalt  }
0x5f: {  	_ =	shalt  }
0x60: {  	_ =	shalt  }
0x61: {  	_ =	shalt  }
0x62: {  	_ =	shalt  }
0x63: {  	_ =	shalt  }
0x64: {  	_ =	shalt  }
0x65: {  	_ =	shalt  }
0x66: {  	_ =	shalt  }
0x67: {  	_ =	shalt  }
0x68: {  	_ =	shalt  }
0x69: {  	_ =	shalt  }
0x6a: {  	_ =	shalt  }
0x6b: {  	_ =	shalt  }
0x6c: {  	_ =	shalt  }
0x6d: {  	_ =	shalt  }
0x6e: {  	_ =	shalt  }
0x6f: {  	_ =	shalt  }
0x70: {  	_ =	shalt  }
0x71: {  	_ =	shalt  }
0x72: {  	_ =	shalt  }
0x73: {  	_ =	shalt  }
0x74: {  	_ =	shalt  }
0x75: {  	_ =	shalt  }
0x76: {  	_ =	shalt  }
0x77: {  	_ =	shalt  }
0x78: {  	_ =	shalt  }
0x79: {  	_ =	shalt  }
0x7a: {  	_ =	shalt  }
0x7b: {  	_ =	shalt  }
0x7c: {  	_ =	shalt  }
0x7d: {  	_ =	shalt  }
0x7e: {  	_ =	shalt  }
0x7f: {  	_ =	shalt  }
0x80: {  	_ =	shalt  }
0x81: {  	_ =	shalt  }
0x82: {  	_ =	shalt  }
0x83: {  	_ =	shalt  }
0x84: {  	_ =	shalt  }
0x85: {  	_ =	shalt  }
0x86: {  	_ =	shalt  }
0x87: {  	_ =	shalt  }
.Lfunc_end0:
.L_simem_size_0:
called_computation_lowered:
.L_overlay_start_0:
0x88: {  	s2 =	sld [smem:$0x3FD9]  }
0x89: {  	s3 =	sld [smem:$0x3FFE];
	_ =	sdelay $0x1  }
0x8a: {  	s1 =	srdreg.scid  }
0x8b: {  	s0 =	sand.u32 $0x1, s1  }
0x8c: {  	s17 =	sshll.u32 s0, $0xA;
	s2 =	sadd.s32 s3, s2  }
0x8d: {  	s2 =	sadd.s32 s2, s17  }
0x8e: {  	[smem:$0x3FC4] =	sst s2  }
0x8f: {  	_ = 	snop  }
0x90: {  	s2 =	sld [smem:$0x3FD0];
	(tm) =	ssettm $0x1  }
0x91: {  	s18 =	sld [smem:$0x3FFB];
	_ =	sdelay $0x3  }
0x92: {  	_ =	strace s18  }
0x93: {  	s3 =	sld [smem:$0x3FFC];
	_ =	sdelay $0x3  }
0x94: {  	_ =	strace s3  }
0x95: {  	s3 =	sld [smem:$0x3FFD];
	_ =	sdelay $0x3  }
0x96: {  	_ =	strace s3  }
0x97: {  	_ =	strace $0x8FFFFFFF  }
0x98: {  	s19 =	sld [smem:$0x3FDB];
	_ =	sdelay $0x1  }
0x99: {  	s4 =	simm.s32 $_scs_section_size  }
0x9a: {  	s5 =	simm.s32 $_size__tile_overlayer_lowered;
	s6 =	simm.s32 $_tile_overlayer_lowered  }
0x9b: {  	s22 =	simm.s32 $0x1BFF;
	s21 =	sshll.u32 s6, $0x1;
	s3 =	sadd.s32 s4, s19  }
0x9c: {  	s7 =	simm.s32 $0x0;
	s20 =	sshll.u32 s5, $0x1;
	s5 =	sadd.s32 s21, s3  }
0x9d: {  	[timem:s7], [sflag:s22] =	dma.local [hbm:s5], s20  }
0x9e: {  	_ =	swait.ge [sflag:s22], s20  }
0x9f: {  	s4 =	ssub.s32 $0x0, s20;
	[sflag:s22] =	ssyncset.done $0x0  }
0xa0: {  	[sflag:s22] =	ssyncadd.s32 s4;
	_ =	sdelay $0x1  }
0xa1: {  	s23 =	simm.s32 $0x1B8B  }
0xa2: {  	_ =	swait.ge [sflag:s23], $0x1  }
0xa3: {  	[sflag:s23] =	ssyncset.done $0x0  }
0xa4: {  	s25 =	simm.s32 $0x1B8E;
	s24 =	sld [smem:$0x3FFE];
	[sflag:s23] =	ssyncadd.s32 $0xFFFFFFFF  }
0xa5: {  	s26 =	simm.s32 $execute0_lowered;
	[smem:$0x3FD2] =	sst s25  }
0xa6: {  	s5 =	sshll.u32 s26, $0x1;
	_ =	strace $0x80000046;
	[dreg:$0x1] =	wrdreg $0xFFFFFFFF  }
0xa7: {  	s28 =	simm.s32 $_size_execute0_lowered;
	s3 =	sadd.s32 s3, s5;
	[dreg:$0x0] =	wrdreg $0x0  }
0xa8: {  	s5 =	sshll.u32 s28, $0x1;
	[dreg:$0x2] =	wrdreg s3  }
0xa9: {  	[dreg:$0x3] =	wrdreg s5  }
0xaa: {  	[dreg:$0x4] =	wrdreg $0xC0  }
0xab: {  	_ =	task [dreg:s7], $0x5FFFF  }
0xac: {  	[dreg:$0x1] =	wrdreg $0xFFFFFFFF  }
0xad: {  	[dreg:$0x0] =	wrdreg $0x60  }
0xae: {  	[dreg:$0x2] =	wrdreg s2  }
0xaf: {  	[dreg:$0x3] =	wrdreg s24  }
0xb0: {  	[dreg:$0x4] =	wrdreg $0x9  }
0xb1: {  	_ =	task.clear_ibuf [dreg:s7], $0x5FFFF;
	_ =	strace $0x90000046  }
0xb2: {  	s29 =	simm.s32 $0x9;
	_ =	strace $0x80000048  }
0xb3: {  	_ =	swait.ge [sflag:s29], $0x1  }
0xb4: {  	[sflag:s29] =	ssyncadd.s32 $0xFFFFFFFF  }
0xb5: {  	_ =	strace $0x90000048  }
0xb6: {  	_ =	sfence  }
0xb7: {  	s30 =	sld [smem:$0x0];
	_ =	sdelay $0x2  }
0xb8: {  	s31 =	sshll.u32 s1, $0xD;
	s1 =	sshrl.u32 s1, $0x2  }
0xb9: {  	s3 =	sand.u32 $0x4000, s31;
	s1 =	sadd.s32 s1, s30  }
0xba: {  	s0 =	sor.u32 s3, s0;
	s1 =	sshll.u32 s1, $0x11  }
0xbb: {  	s0 =	sor.u32 s1, s0  }
0xbc: {  	s0 =	sadd.s32 $0x8F2B, s0  }
0xbd: {  	[sflag:s0] =	ssyncadd.remote.s32 $0x1  }
0xbe: {  	_ =	sfence.sel $0xFFFF  }
0xbf: {  	[dreg:$0x0] =	wrdreg $0xFFFFFFFF;
	(pc) =	sbr.abs _section_cstart, $3  }
0xc0: {  	[dreg:$0x1] =	wrdreg $0xFFFFFFFF  }
0xc1: {  	_ =	task.clear_ibuf [dreg:s7], $0x2FFFF;
	_ =	strace $0x9FFFFFFF  }
0xc2: {  	(tm) =	ssettm $0x7FFFFFFF  }
0xc3: {  	_ =	shalt  }
tec
execute0_lowered:
.L_overlay_start_1:
0x0: {  	(tag) =	ssettag $0x1  }
0x1: {  	s0 =	rddreg [dreg:$0x0]  }
0x2: {  	s4 =	rddreg [dreg:$0x1];
	s15 =	simm.s32 $0x0  }
0x3: {  	s2 =	simm.s32 $0xC00;
	[smem:$0x7FF] =	sst s15  }
0x4: {  	s3 =	simm.s32 $0x4C00;
	_ =	strace $0x80000047;
	[dreg:$0x3] =	wrdreg s2  }
0x5: {  	s5 =	simm.s32 $0x1000;
	[dreg:$0x4] =	wrdreg s3  }
0x6: {  	s22 =	simm.s32 $0x5000;
	[dreg:$0x5] =	wrdreg s5  }
0x7: {  	s23 =	simm.s32 $0x1400;
	[dreg:$0x6] =	wrdreg s22  }
0x8: {  	s24 =	simm.s32 $0x5400;
	[dreg:$0x7] =	wrdreg s23  }
0x9: {  	s25 =	simm.s32 $0x1800;
	[dreg:$0x8] =	wrdreg s24  }
0xa: {  	s26 =	simm.s32 $0x5800;
	[dreg:$0x9] =	wrdreg s25  }
0xb: {  	s28 =	simm.s32 $0x1C00;
	[dreg:$0xa] =	wrdreg s26  }
0xc: {  	s29 =	simm.s32 $0x5C00;
	[dreg:$0xb] =	wrdreg s28  }
0xd: {  	s30 =	simm.s32 $0x2000;
	[dreg:$0xc] =	wrdreg s29  }
0xe: {  	s31 =	simm.s32 $0x6000;
	[dreg:$0xd] =	wrdreg s30  }
0xf: {  	s1 =	simm.s32 $0x2400;
	[dreg:$0xe] =	wrdreg s31  }
0x10: {  	s10 =	simm.s32 $0x6800;
	[dreg:$0xf] =	wrdreg s1  }
0x11: {  	s6 =	srdreg.scid;
	s12 =	simm.s32 $0x2C00;
	[dreg:$0x12] =	wrdreg s10  }
0x12: {  	s8 =	stileid.u32;
	s13 =	simm.s32 $0x6C00;
	[dreg:$0x13] =	wrdreg s12  }
0x13: {  	s14 =	simm.s32 $0x3000;
	s17 =	simm.s32 $0x7000;
	[dreg:$0x14] =	wrdreg s13  }
0x14: {  	s19 =	simm.s32 $0x3400;
	s21 =	simm.s32 $0x7400;
	[dreg:$0x15] =	wrdreg s14  }
0x15: {  	s6 =	sand.u32 $0x1, s6;
	s7 =	sshll.u32 s8, $0x7;
	[dreg:$0x16] =	wrdreg s17  }
0x16: {  	s8 =	sshll.u32 s8, $0x5;
	s2 =	sadd.s32 $0x2000, s4;
	[dreg:$0x17] =	wrdreg s19  }
0x17: {  	s3 =	sadd.s32 $0xF44400, s4;
	[dreg:$0x18] =	wrdreg s21;
	s22 =	simm.s32 $0x3800  }
0x18: {  	s7 =	sand.u32 $0x600, s7;
	s24 =	simm.s32 $0x7800;
	[dreg:$0x19] =	wrdreg s22  }
0x19: {  	s9 =	sshll.u32 s6, $0x4;
	s25 =	simm.s32 $0x3C00;
	[dreg:$0x1a] =	wrdreg s24  }
0x1a: {  	s8 =	sand.u32 $0x60, s8;
	s26 =	simm.s32 $0x7C00;
	[dreg:$0x1b] =	wrdreg s25  }
0x1b: {  	s6 =	ssub.s32 $0x2, s6;
	s28 =	simm.s32 $0x4000;
	[dreg:$0x1c] =	wrdreg s26  }
0x1c: {  	s5 =	simm.s32 $0x400;
	s29 =	simm.s32 $0x8000;
	[dreg:$0x1d] =	wrdreg s28  }
0x1d: {  	s30 =	simm.s32 $0x4400;
	s31 =	simm.s32 $0x8400;
	[dreg:$0x1e] =	wrdreg s29  }
0x1e: {  	s19 =	simm.s32 $0x2;
	s8 =	sor.u32 s9, s8;
	[dreg:$0x1f] =	wrdreg s30  }
0x1f: {  	s9 =	simm.s32 $0x2800;
	s11 =	sshrl.u32 s6, $0x1;
	[smem:$0x7FD] =	sst s31  }
0x20: {  	s7 =	sor.u32 s7, s8;
	s8 =	simm.s32 $0x6400;
	[dreg:$0x11] =	wrdreg s9  }
0x21: {  	s6 =	ssub.s32 s6, s11;
	[dreg:$0x10] =	wrdreg s8;
	s0 =	sadd.s32 s0, s7  }
0x22: {  	s4 =	sadd.s32 s7, s4;
	s23 =	smax.u32 s6, $0x1;
	[smem:$0x7F7] =	sst s0  }
0x23: {  	s14 =	simm.s32 $0x4800;
	s16 =	sadd.s32 $0x1800, s4;
	[smem:$0x7FC] =	sst s23  }
0x24: {  	s6 =	simm.s32 $0x3;
	s18 =	sadd.s32 $0x800, s4;
	[smem:$0x7F8] =	sst s16  }
0x25: {  	s7 =	simm.s32 $0x0;
	s20 =	sadd.s32 $0x1000, s4;
	[smem:$0x7F9] =	sst s18  }
0x26: {  	v0 =	vlaneseq.u32;
	s4 =	sadd.s32 $0x1E86800, s4;
	s23 =	simm.s32 $0x800;
	[smem:$0x7FA] =	sst s20  }
0x27: {  	v0 =	vmul.u32 $0x400, v0;
	[smem:$0x7FB] =	sst s4;
	s4 =	simm.s32 $0x80;
	s18 =	simm.s32 $0x1  }
.LBB2_1:
0x28: {  	s0 =	sld [smem:$0x7F7];
	_ =	sdelay $0x1  }
0x29: {  	[smem:$0x7F6] =	sst s7  }
0x2a: {  	[tilespmem:s15], [sflag:$0x3] =	stream.strided.gather [hbm4b:s0+s4], $0x200, s5, s4, $0x38;
	[tilespmem:$0x8A00] =	vst v63  }
0x2b: {  	_ =	swait.ge [sflag:s6], $0x200  }
0x2c: {  	s31 =	sld [smem:$0x7F8]  }
0x2d: {  	[sflag:s6] =	ssyncset.done $0x0  }
0x2e: {  	s1 =	simm.s32 $0x200;
	[sflag:s6] =	ssyncadd.s32 $0xFFFFFE00  }
0x2f: {  	[tilespmem:s1], [sflag:$0x3] =	stream.strided.gather [hbm4b:s31+s4], $0x200, s5, s4, $0x38;
	[tilespmem:$0x8A00] =	vst v63  }
0x30: {  	_ =	swait.ge [sflag:s6], $0x200  }
0x31: {  	s8 =	sld [smem:$0x7F9]  }
0x32: {  	[sflag:s6] =	ssyncset.done $0x0  }
0x33: {  	[sflag:s6] =	ssyncadd.s32 $0xFFFFFE00  }
0x34: {  	[tilespmem:s5], [sflag:$0x3] =	stream.strided.gather [hbm4b:s8+s4], $0x200, s5, s4, $0x38;
	[tilespmem:$0x8A00] =	vst v63  }
0x35: {  	_ =	swait.ge [sflag:s6], $0x200  }
0x36: {  	s9 =	sld [smem:$0x7FA]  }
0x37: {  	[sflag:s6] =	ssyncset.done $0x0  }
0x38: {  	s10 =	simm.s32 $0x600;
	[sflag:s6] =	ssyncadd.s32 $0xFFFFFE00  }
0x39: {  	[tilespmem:s10], [sflag:$0x3] =	stream.strided.gather [hbm4b:s9+s4], $0x200, s5, s4, $0x38;
	[tilespmem:$0x8A00] =	vst v63  }
0x3a: {  	_ =	swait.ge [sflag:s6], $0x200  }
0x3b: {  	[sflag:s6] =	ssyncset.done $0x0  }
0x3c: {  	s9 =	simm.s32 $0x0;
	[sflag:s6] =	ssyncadd.s32 $0xFFFFFE00  }
0x3d: {  	v1 =	vld [tilespmem:s9+$0x0];
	_ =	sdelay $0x1  }
0x3e: {  	v3 =	vld [tilespmem:s9+$0x200];
	_ =	sdelay $0x2  }
0x3f: {  	v2 =	vshll.u32 v1, $0x7  }
0x40: {  	(v2sf) =	vpush v2, $0x0  }
0x41: {  	v1 =	vshll.u32 v3, $0x7;
	(v2sf) =	vpush v2, $0x1  }
0x42: {  	(v2sf) =	vpush v1, $0x0;
	_ =	sdelay $0x2  }
0x43: {  	(v2sf) =	vpush v1, $0x1  }
0x44: {  	(v2sf) =	vpush v2, $0x2;
	_ =	sdelay $0x1  }
0x45: {  	(v2sf) =	vpush v1, $0x2;
	_ =	sdelay $0x1  }
0x46: {  	(v2sf) =	vpush v2, $0x3  }
0x47: {  	s17 =	rddreg [dreg:$0x3]  }
0x48: {  	s20 =	rddreg [dreg:$0x4]  }
0x49: {  	s21 =	rddreg [dreg:$0x5]  }
0x4a: {  	s7 =	simm.s32 $0x800;
	s26 =	rddreg [dreg:$0x6]  }
0x4b: {  	s8 =	simm.s32 $0x4800;
	s28 =	rddreg [dreg:$0x7];
	s11 =	spop (v2sf)  }
0x4c: {  	s31 =	rddreg [dreg:$0x8];
	(v2sf) =	vpush v1, $0x3;
	s12 =	spop (v2sf);
	s0 =	sand.u32 $0x1FFFFF80, s11  }
0x4d: {  	s1 =	rddreg [dreg:$0x9];
	s13 =	spop (v2sf);
	s0 =	sadd.s32 s2, s0  }
0x4e: {  	(v2sf) =	vpush v2, $0x4;
	s4 =	sand.u32 $0x1FFFFF80, s12;
	s12 =	rddreg [dreg:$0xa];
	s5 =	sand.u32 $0x1FFFFF80, s13  }
0x4f: {  	(v2sf) =	vpush v1, $0x4;
	[tilespmem:s7], [sflag:$0x1] =	stream.linear.gather [hbm4b:s0+s15], $0x400, $0x38;
	[tilespmem:$0x8A00] =	vst v63  }
0x50: {  	s16 =	spop (v2sf);
	s4 =	sadd.s32 s2, s4;
	s13 =	rddreg [dreg:$0xb]  }
0x51: {  	(v2sf) =	vpush v2, $0x5;
	s5 =	sadd.s32 s3, s5;
	s0 =	sand.u32 $0x1FFFFF80, s16;
	s22 =	spop (v2sf)  }
0x52: {  	(v2sf) =	vpush v1, $0x5;
	[tilespmem:s8], [sflag:$0x2] =	stream.linear.gather [hbm4b:s5+s15], $0x400, $0x38;
	[tilespmem:$0x8A00] =	vst v63  }
0x53: {  	s0 =	sadd.s32 s3, s0;
	s24 =	sand.u32 $0x1FFFFF80, s22;
	s25 =	spop (v2sf)  }
0x54: {  	(v2sf) =	vpush v2, $0x6;
	[tilespmem:s17], [sflag:$0x1] =	stream.linear.gather [hbm4b:s4+s15], $0x400, $0x38;
	[tilespmem:$0x8A00] =	vst v63  }
0x55: {  	s5 =	sand.u32 $0x1FFFFF80, s25;
	s29 =	spop (v2sf);
	s25 =	rddreg [dreg:$0xe]  }
0x56: {  	(v2sf) =	vpush v1, $0x6;
	[tilespmem:s20], [sflag:$0x2] =	stream.linear.gather [hbm4b:s0+s15], $0x400, $0x38;
	[tilespmem:$0x8A00] =	vst v63  }
0x57: {  	s0 =	sadd.s32 s2, s24;
	s20 =	rddreg [dreg:$0xc]  }
0x58: {  	[tilespmem:s21], [sflag:$0x1] =	stream.linear.gather [hbm4b:s0+s15], $0x400, $0x38;
	[tilespmem:$0x8A00] =	vst v63  }
0x59: {  	s5 =	sadd.s32 s3, s5;
	s4 =	sand.u32 $0x1FFFFF80, s29;
	s21 =	rddreg [dreg:$0xd]  }
0x5a: {  	[tilespmem:s26], [sflag:$0x2] =	stream.linear.gather [hbm4b:s5+s15], $0x400, $0x38;
	[tilespmem:$0x8A00] =	vst v63  }
0x5b: {  	s4 =	sadd.s32 s2, s4;
	s26 =	rddreg [dreg:$0xf];
	s30 =	spop (v2sf)  }
0x5c: {  	[tilespmem:s28], [sflag:$0x1] =	stream.linear.gather [hbm4b:s4+s15], $0x400, $0x38;
	(v2sf) =	vpush v2, $0x7;
	[tilespmem:$0x8A00] =	vst v63  }
0x5d: {  	s5 =	sand.u32 $0x1FFFFF80, s30;
	s10 =	spop (v2sf);
	s30 =	rddreg [dreg:$0x10]  }
0x5e: {  	(v2sf) =	vpush v1, $0x7;
	s5 =	sadd.s32 s3, s5;
	s4 =	sand.u32 $0x1FFFFF80, s10;
	s11 =	spop (v2sf)  }
0x5f: {  	(v2sf) =	vpush v2, $0x8;
	[tilespmem:s31], [sflag:$0x2] =	stream.linear.gather [hbm4b:s5+s15], $0x400, $0x38;
	[tilespmem:$0x8A00] =	vst v63  }
0x60: {  	s5 =	sand.u32 $0x1FFFFF80, s11;
	s16 =	spop (v2sf);
	s31 =	rddreg [dreg:$0x11]  }
0x61: {  	s4 =	sadd.s32 s2, s4;
	(v2sf) =	vpush v1, $0x8;
	s11 =	rddreg [dreg:$0x12];
	s17 =	spop (v2sf)  }
0x62: {  	(v2sf) =	vpush v2, $0x9;
	[tilespmem:s1], [sflag:$0x1] =	stream.linear.gather [hbm4b:s4+s15], $0x400, $0x38;
	[tilespmem:$0x8A00] =	vst v63  }
0x63: {  	s5 =	sadd.s32 s3, s5;
	s4 =	sand.u32 $0x1FFFFF80, s16;
	s22 =	spop (v2sf)  }
0x64: {  	(v2sf) =	vpush v1, $0x9;
	[tilespmem:s12], [sflag:$0x2] =	stream.linear.gather [hbm4b:s5+s15], $0x400, $0x38;
	[tilespmem:$0x8A00] =	vst v63  }
0x65: {  	s4 =	sadd.s32 s2, s4;
	s24 =	spop (v2sf);
	s5 =	sand.u32 $0x1FFFFF80, s17  }
0x66: {  	[tilespmem:s13], [sflag:$0x1] =	stream.linear.gather [hbm4b:s4+s15], $0x400, $0x38;
	[tilespmem:$0x8A00] =	vst v63  }
0x67: {  	s12 =	rddreg [dreg:$0x13];
	s5 =	sadd.s32 s3, s5;
	s4 =	sand.u32 $0x1FFFFF80, s22  }
0x68: {  	(v2sf) =	vpush v2, $0xA;
	[tilespmem:s20], [sflag:$0x2] =	stream.linear.gather [hbm4b:s5+s15], $0x400, $0x38;
	[tilespmem:$0x8A00] =	vst v63  }
0x69: {  	s17 =	rddreg [dreg:$0x14];
	s4 =	sadd.s32 s2, s4;
	s5 =	sand.u32 $0x1FFFFF80, s24  }
0x6a: {  	[tilespmem:s21], [sflag:$0x1] =	stream.linear.gather [hbm4b:s4+s15], $0x400, $0x38;
	[tilespmem:$0x8A00] =	vst v63  }
0x6b: {  	s22 =	rddreg [dreg:$0x15];
	s5 =	sadd.s32 s3, s5;
	s28 =	spop (v2sf)  }
0x6c: {  	[tilespmem:s25], [sflag:$0x2] =	stream.linear.gather [hbm4b:s5+s15], $0x400, $0x38;
	(v2sf) =	vpush v1, $0xA;
	[tilespmem:$0x8A00] =	vst v63  }
0x6d: {  	s25 =	rddreg [dreg:$0x16];
	s4 =	sand.u32 $0x1FFFFF80, s28;
	s29 =	spop (v2sf)  }
0x6e: {  	(v2sf) =	vpush v2, $0xB;
	s5 =	sand.u32 $0x1FFFFF80, s29;
	s4 =	sadd.s32 s2, s4;
	s1 =	spop (v2sf)  }
0x6f: {  	(v2sf) =	vpush v1, $0xB;
	[tilespmem:s26], [sflag:$0x1] =	stream.linear.gather [hbm4b:s4+s15], $0x400, $0x38;
	[tilespmem:$0x8A00] =	vst v63  }
0x70: {  	s5 =	sadd.s32 s3, s5;
	s10 =	spop (v2sf);
	s26 =	rddreg [dreg:$0x17]  }
0x71: {  	s4 =	sand.u32 $0x1FFFFF80, s1;
	(v2sf) =	vpush v2, $0xC;
	s1 =	rddreg [dreg:$0x19];
	s13 =	spop (v2sf)  }
0x72: {  	[tilespmem:s30], [sflag:$0x2] =	stream.linear.gather [hbm4b:s5+s15], $0x400, $0x38;
	[tilespmem:$0x8A00] =	vst v63  }
0x73: {  	s4 =	sadd.s32 s2, s4;
	(v2sf) =	vpush v1, $0xC;
	s5 =	sand.u32 $0x1FFFFF80, s10;
	s16 =	spop (v2sf)  }
0x74: {  	[tilespmem:s31], [sflag:$0x1] =	stream.linear.gather [hbm4b:s4+s15], $0x400, $0x38;
	[tilespmem:$0x8A00] =	vst v63  }
0x75: {  	(v2sf) =	vpush v2, $0xD;
	s30 =	rddreg [dreg:$0x18];
	s5 =	sadd.s32 s3, s5;
	s4 =	sand.u32 $0x1FFFFF80, s13  }
0x76: {  	[tilespmem:s11], [sflag:$0x2] =	stream.linear.gather [hbm4b:s5+s15], $0x400, $0x38;
	[tilespmem:$0x8A00] =	vst v63  }
0x77: {  	s20 =	spop (v2sf);
	(v2sf) =	vpush v1, $0xD;
	s4 =	sadd.s32 s2, s4;
	s5 =	sand.u32 $0x1FFFFF80, s16  }
0x78: {  	[tilespmem:s12], [sflag:$0x1] =	stream.linear.gather [hbm4b:s4+s15], $0x400, $0x38;
	[tilespmem:$0x8A00] =	vst v63  }
0x79: {  	s10 =	rddreg [dreg:$0x1a];
	s0 =	sand.u32 $0x1FFFFF80, s20;
	s21 =	sadd.s32 s3, s5  }
0x7a: {  	[tilespmem:s17], [sflag:$0x2] =	stream.linear.gather [hbm4b:s21+s15], $0x400, $0x38;
	[tilespmem:$0x8A00] =	vst v63  }
0x7b: {  	s20 =	rddreg [dreg:$0x1d];
	s0 =	sadd.s32 s2, s0;
	s24 =	spop (v2sf);
	(v2sf) =	vpush v2, $0xE  }
0x7c: {  	[tilespmem:s22], [sflag:$0x1] =	stream.linear.gather [hbm4b:s0+s15], $0x400, $0x38;
	[tilespmem:$0x8A00] =	vst v63  }
0x7d: {  	s11 =	rddreg [dreg:$0x1b];
	s4 =	sand.u32 $0x1FFFFF80, s24;
	s28 =	spop (v2sf);
	(v2sf) =	vpush v1, $0xE  }
0x7e: {  	s4 =	sadd.s32 s3, s4;
	s29 =	spop (v2sf);
	s5 =	sand.u32 $0x1FFFFF80, s28;
	(v2sf) =	vpush v2, $0xF  }
0x7f: {  	[tilespmem:s25], [sflag:$0x2] =	stream.linear.gather [hbm4b:s4+s15], $0x400, $0x38;
	[tilespmem:$0x8A00] =	vst v63  }
0x80: {  	s4 =	sand.u32 $0x1FFFFF80, s29;
	s5 =	sadd.s32 s2, s5;
	s31 =	spop (v2sf);
	(v2sf) =	vpush v1, $0xF  }
0x81: {  	[tilespmem:s26], [sflag:$0x1] =	stream.linear.gather [hbm4b:s5+s15], $0x400, $0x38;
	[tilespmem:$0x8A00] =	vst v63  }
0x82: {  	s4 =	sadd.s32 s3, s4;
	s6 =	spop (v2sf);
	s0 =	sand.u32 $0x1FFFFF80, s31  }
0x83: {  	[tilespmem:s30], [sflag:$0x2] =	stream.linear.gather [hbm4b:s4+s15], $0x400, $0x38;
	[tilespmem:$0x8A00] =	vst v63  }
0x84: {  	s0 =	sadd.s32 s2, s0;
	s12 =	spop (v2sf);
	s4 =	sand.u32 $0x1FFFFF80, s6  }
0x85: {  	[tilespmem:s1], [sflag:$0x1] =	stream.linear.gather [hbm4b:s0+s15], $0x400, $0x38;
	[tilespmem:$0x8A00] =	vst v63  }
0x86: {  	s13 =	sand.u32 $0x1FFFFF80, s12;
	s16 =	spop (v2sf);
	s4 =	sadd.s32 s3, s4  }
0x87: {  	[tilespmem:s10], [sflag:$0x2] =	stream.linear.gather [hbm4b:s4+s15], $0x400, $0x38;
	[tilespmem:$0x8A00] =	vst v63  }
0x88: {  	s17 =	rddreg [dreg:$0x1c];
	s5 =	sand.u32 $0x1FFFFF80, s16;
	s4 =	sadd.s32 s2, s13  }
0x89: {  	[tilespmem:s11], [sflag:$0x1] =	stream.linear.gather [hbm4b:s4+s15], $0x400, $0x38;
	[tilespmem:$0x8A00] =	vst v63  }
0x8a: {  	s24 =	rddreg [dreg:$0x1e];
	s5 =	sadd.s32 s3, s5;
	s21 =	spop (v2sf)  }
0x8b: {  	[tilespmem:s17], [sflag:$0x2] =	stream.linear.gather [hbm4b:s5+s15], $0x400, $0x38;
	[tilespmem:$0x8A00] =	vst v63  }
0x8c: {  	s28 =	rddreg [dreg:$0x1f];
	s4 =	sand.u32 $0x1FFFFF80, s21;
	s22 =	spop (v2sf)  }
0x8d: {  	s5 =	sand.u32 $0x1FFFFF80, s22;
	s4 =	sadd.s32 s2, s4;
	s25 =	spop (v2sf)  }
0x8e: {  	[tilespmem:s20], [sflag:$0x1] =	stream.linear.gather [hbm4b:s4+s15], $0x400, $0x38;
	[tilespmem:$0x8A00] =	vst v63  }
0x8f: {  	s26 =	sadd.s32 s3, s5;
	s0 =	sand.u32 $0x1FFFFF80, s25;
	s29 =	spop (v2sf)  }
0x90: {  	[tilespmem:s24], [sflag:$0x2] =	stream.linear.gather [hbm4b:s26+s15], $0x400, $0x38;
	[tilespmem:$0x8A00] =	vst v63  }
0x91: {  	s30 =	sld [smem:$0x7FD];
	s4 =	sand.u32 $0x1FFFFF80, s29;
	s0 =	sadd.s32 s2, s0  }
0x92: {  	[tilespmem:s28], [sflag:$0x1] =	stream.linear.gather [hbm4b:s0+s15], $0x400, $0x38;
	[tilespmem:$0x8A00] =	vst v63  }
0x93: {  	s31 =	sadd.s32 s3, s4  }
0x94: {  	[tilespmem:s30], [sflag:$0x2] =	stream.linear.gather [hbm4b:s31+s15], $0x400, $0x38;
	[tilespmem:$0x8A00] =	vst v63  }
0x95: {  	_ =	swait.ge [sflag:s18], $0x400  }
0x96: {  	[sflag:s18] =	ssyncset.done $0x0  }
0x97: {  	[sflag:s18] =	ssyncadd.s32 $0xFFFFFC00  }
0x98: {  	_ =	swait.ge [sflag:s19], $0x400  }
0x99: {  	[sflag:s19] =	ssyncset.done $0x0  }
0x9a: {  	[sflag:s19] =	ssyncadd.s32 $0xFFFFFC00  }
0x9b: {  	_ =	swait.ge [sflag:s18], $0x400  }
0x9c: {  	[sflag:s18] =	ssyncset.done $0x0  }
0x9d: {  	[sflag:s18] =	ssyncadd.s32 $0xFFFFFC00  }
0x9e: {  	_ =	swait.ge [sflag:s19], $0x400  }
0x9f: {  	[sflag:s19] =	ssyncset.done $0x0  }
0xa0: {  	[sflag:s19] =	ssyncadd.s32 $0xFFFFFC00  }
0xa1: {  	_ =	swait.ge [sflag:s18], $0x400  }
0xa2: {  	[sflag:s18] =	ssyncset.done $0x0  }
0xa3: {  	[sflag:s18] =	ssyncadd.s32 $0xFFFFFC00  }
0xa4: {  	_ =	swait.ge [sflag:s19], $0x400  }
0xa5: {  	[sflag:s19] =	ssyncset.done $0x0  }
0xa6: {  	[sflag:s19] =	ssyncadd.s32 $0xFFFFFC00  }
0xa7: {  	_ =	swait.ge [sflag:s18], $0x400  }
0xa8: {  	[sflag:s18] =	ssyncset.done $0x0  }
0xa9: {  	[sflag:s18] =	ssyncadd.s32 $0xFFFFFC00  }
0xaa: {  	_ =	swait.ge [sflag:s19], $0x400  }
0xab: {  	[sflag:s19] =	ssyncset.done $0x0  }
0xac: {  	[sflag:s19] =	ssyncadd.s32 $0xFFFFFC00  }
0xad: {  	_ =	swait.ge [sflag:s18], $0x400  }
0xae: {  	[sflag:s18] =	ssyncset.done $0x0  }
0xaf: {  	[sflag:s18] =	ssyncadd.s32 $0xFFFFFC00  }
0xb0: {  	_ =	swait.ge [sflag:s19], $0x400  }
0xb1: {  	[sflag:s19] =	ssyncset.done $0x0  }
0xb2: {  	[sflag:s19] =	ssyncadd.s32 $0xFFFFFC00  }
0xb3: {  	_ =	swait.ge [sflag:s18], $0x400  }
0xb4: {  	[sflag:s18] =	ssyncset.done $0x0  }
0xb5: {  	[sflag:s18] =	ssyncadd.s32 $0xFFFFFC00  }
0xb6: {  	_ =	swait.ge [sflag:s19], $0x400  }
0xb7: {  	[sflag:s19] =	ssyncset.done $0x0  }
0xb8: {  	[sflag:s19] =	ssyncadd.s32 $0xFFFFFC00  }
0xb9: {  	_ =	swait.ge [sflag:s18], $0x400  }
0xba: {  	[sflag:s18] =	ssyncset.done $0x0  }
0xbb: {  	[sflag:s18] =	ssyncadd.s32 $0xFFFFFC00  }
0xbc: {  	_ =	swait.ge [sflag:s19], $0x400  }
0xbd: {  	[sflag:s19] =	ssyncset.done $0x0  }
0xbe: {  	[sflag:s19] =	ssyncadd.s32 $0xFFFFFC00  }
0xbf: {  	_ =	swait.ge [sflag:s18], $0x400  }
0xc0: {  	[sflag:s18] =	ssyncset.done $0x0  }
0xc1: {  	[sflag:s18] =	ssyncadd.s32 $0xFFFFFC00  }
0xc2: {  	_ =	swait.ge [sflag:s19], $0x400  }
0xc3: {  	[sflag:s19] =	ssyncset.done $0x0  }
0xc4: {  	[sflag:s19] =	ssyncadd.s32 $0xFFFFFC00  }
0xc5: {  	_ =	swait.ge [sflag:s18], $0x400  }
0xc6: {  	[sflag:s18] =	ssyncset.done $0x0  }
0xc7: {  	[sflag:s18] =	ssyncadd.s32 $0xFFFFFC00  }
0xc8: {  	_ =	swait.ge [sflag:s19], $0x400  }
0xc9: {  	[sflag:s19] =	ssyncset.done $0x0  }
0xca: {  	[sflag:s19] =	ssyncadd.s32 $0xFFFFFC00  }
0xcb: {  	_ =	swait.ge [sflag:s18], $0x400  }
0xcc: {  	[sflag:s18] =	ssyncset.done $0x0  }
0xcd: {  	[sflag:s18] =	ssyncadd.s32 $0xFFFFFC00  }
0xce: {  	_ =	swait.ge [sflag:s19], $0x400  }
0xcf: {  	[sflag:s19] =	ssyncset.done $0x0  }
0xd0: {  	[sflag:s19] =	ssyncadd.s32 $0xFFFFFC00  }
0xd1: {  	_ =	swait.ge [sflag:s18], $0x400  }
0xd2: {  	[sflag:s18] =	ssyncset.done $0x0  }
0xd3: {  	[sflag:s18] =	ssyncadd.s32 $0xFFFFFC00  }
0xd4: {  	_ =	swait.ge [sflag:s19], $0x400  }
0xd5: {  	[sflag:s19] =	ssyncset.done $0x0  }
0xd6: {  	[sflag:s19] =	ssyncadd.s32 $0xFFFFFC00  }
0xd7: {  	_ =	swait.ge [sflag:s18], $0x400  }
0xd8: {  	[sflag:s18] =	ssyncset.done $0x0  }
0xd9: {  	[sflag:s18] =	ssyncadd.s32 $0xFFFFFC00  }
0xda: {  	_ =	swait.ge [sflag:s19], $0x400  }
0xdb: {  	[sflag:s19] =	ssyncset.done $0x0  }
0xdc: {  	[sflag:s19] =	ssyncadd.s32 $0xFFFFFC00  }
0xdd: {  	_ =	swait.ge [sflag:s18], $0x400  }
0xde: {  	[sflag:s18] =	ssyncset.done $0x0  }
0xdf: {  	[sflag:s18] =	ssyncadd.s32 $0xFFFFFC00  }
0xe0: {  	_ =	swait.ge [sflag:s19], $0x400  }
0xe1: {  	[sflag:s19] =	ssyncset.done $0x0  }
0xe2: {  	[sflag:s19] =	ssyncadd.s32 $0xFFFFFC00  }
0xe3: {  	_ =	swait.ge [sflag:s18], $0x400  }
0xe4: {  	[sflag:s18] =	ssyncset.done $0x0  }
0xe5: {  	[sflag:s18] =	ssyncadd.s32 $0xFFFFFC00  }
0xe6: {  	_ =	swait.ge [sflag:s19], $0x400  }
0xe7: {  	[sflag:s19] =	ssyncset.done $0x0  }
0xe8: {  	[sflag:s19] =	ssyncadd.s32 $0xFFFFFC00  }
0xe9: {  	_ =	swait.ge [sflag:s18], $0x400  }
0xea: {  	[sflag:s18] =	ssyncset.done $0x0  }
0xeb: {  	[sflag:s18] =	ssyncadd.s32 $0xFFFFFC00  }
0xec: {  	_ =	swait.ge [sflag:s19], $0x400  }
0xed: {  	[sflag:s19] =	ssyncset.done $0x0  }
0xee: {  	[sflag:s19] =	ssyncadd.s32 $0xFFFFFC00  }
0xef: {  	_ =	swait.ge [sflag:s18], $0x400  }
0xf0: {  	[sflag:s18] =	ssyncset.done $0x0  }
0xf1: {  	[sflag:s18] =	ssyncadd.s32 $0xFFFFFC00  }
0xf2: {  	_ =	swait.ge [sflag:s19], $0x400  }
0xf3: {  	[sflag:s19] =	ssyncset.done $0x0  }
0xf4: {  	[sflag:s19] =	ssyncadd.s32 $0xFFFFFC00  }
0xf5: {  	v1 =	vld [tilespmem:s9+$0x600];
	_ =	sdelay $0x1  }
0xf6: {  	v2 =	vld [tilespmem:s9+$0x400];
	_ =	sdelay $0x2  }
0xf7: {  	v1 =	vshll.u32 v1, $0x7  }
0xf8: {  	v7 =	vadd.s32 v0, v1  }
0xf9: {  	v1 =	vshll.u32 v2, $0x7;
	v2 =	vor.u32 $0x4, v7  }
0xfa: {  	v27 =	vadd.s32 v0, v1;
	v1 =	vor.u32 $0x6, v7  }
0xfb: {  	v4 =	vor.u32 $0x9, v7  }
0xfc: {  	v9 =	vor.u32 $0xB, v7  }
0xfd: {  	v10 =	vor.u32 $0x7, v7;
	v30 =	vld.idx.msk [tilespmem:v7+s8+$0x0], $0xffff  }
0xfe: {  	v32 =	vld.idx.msk [tilespmem:v2+s8+$0x0], $0xffff  }
0xff: {  	v31 =	vor.u32 $0x1, v7;
	v2 =	vld.idx.msk [tilespmem:v1+s8+$0x0], $0xffff  }
0x100: {  	v3 =	vor.u32 $0x1, v27;
	v5 =	vld.idx.msk [tilespmem:v4+s8+$0x0], $0xffff  }
0x101: {  	v8 =	vor.u32 $0xA, v7;
	v4 =	vld.idx.msk [tilespmem:v9+s8+$0x0], $0xffff  }
0x102: {  	v6 =	vor.u32 $0x3, v27;
	v9 =	vld.idx.msk [tilespmem:v10+s8+$0x0], $0xffff  }
0x103: {  	v11 =	vor.u32 $0x2, v27;
	v26 =	vld.idx.msk [tilespmem:v27+s7+$0x0], $0xffff  }
0x104: {  	v12 =	vor.u32 $0x4, v27;
	v31 =	vld.idx.msk [tilespmem:v31+s8+$0x0], $0xffff  }
0x105: {  	v1 =	vor.u32 $0x8, v7;
	v13 =	vld.idx.msk [tilespmem:v3+s7+$0x0], $0xffff  }
0x106: {  	v3 =	vld.idx.msk [tilespmem:v8+s8+$0x0], $0xffff;
	v8 =	vor.u32 $0x5, v27  }
0x107: {  	v15 =	vor.u32 $0x6, v27;
	v14 =	vld.idx.msk [tilespmem:v6+s7+$0x0], $0xffff  }
0x108: {  	v10 =	vor.u32 $0x7, v27;
	v21 =	vld.idx.msk [tilespmem:v11+s7+$0x0], $0xffff  }
0x109: {  	v11 =	vor.u32 $0x3, v7;
	v33 =	vld.idx.msk [tilespmem:v12+s7+$0x0], $0xffff  }
0x10a: {  	v6 =	vld.idx.msk [tilespmem:v1+s8+$0x0], $0xffff;
	v1 =	vor.u32 $0x5, v7  }
0x10b: {  	v20 =	vld.idx.msk [tilespmem:v8+s7+$0x0], $0xffff;
	v8 =	vor.u32 $0x9, v27  }
0x10c: {  	v29 =	vld.idx.msk [tilespmem:v15+s7+$0x0], $0xffff  }
0x10d: {  	v24 =	vor.u32 $0xD, v7;
	v16 =	vld.idx.msk [tilespmem:v10+s7+$0x0], $0xffff  }
0x10e: {  	v23 =	vor.u32 $0xC, v7;
	v19 =	vor.u32 $0xE, v7;
	v25 =	vor.u32 $0x8, v27;
	v28 =	vld.idx.msk [tilespmem:v11+s8+$0x0], $0xffff  }
0x10f: {  	v18 =	vor.u32 $0xB, v27;
	v15 =	vor.u32 $0xF, v7;
	v12 =	vor.u32 $0xD, v27;
	v22 =	vld.idx.msk [tilespmem:v1+s8+$0x0], $0xffff  }
0x110: {  	s1 =	simm.s32 $0x10;
	v10 =	vor.u32 $0xC, v27;
	v11 =	vor.u32 $0xA, v27;
	v1 =	vor.u32 $0x2, v7;
	s8 =	rddreg [dreg:$0x1d];
	v17 =	vld.idx.msk [tilespmem:v8+s7+$0x0], $0xffff  }
0x111: {  	s24 =	simm.s32 $0x80;
	v7 =	vor.u32 $0xF, v27;
	s7 =	rddreg [dreg:$0x1e];
	v8 =	vor.u32 $0xE, v27;
	v27 =	vmul.f32 v32, v33;
	v32 =	vld [tilespmem:s1+$0x0]  }
.LBB2_2:
0x112: {  	[smem:$0x7F2] =	sst s8  }
0x113: {  	[smem:$0x7F4] =	sst s1  }
0x114: {  	[smem:$0x7F3] =	sst s7  }
0x115: {  	s0 =	rddreg [dreg:$0x1c]  }
0x116: {  	s26 =	rddreg [dreg:$0x1b]  }
0x117: {  	s28 =	rddreg [dreg:$0x1a]  }
0x118: {  	s29 =	rddreg [dreg:$0x18]  }
0x119: {  	s30 =	rddreg [dreg:$0x17]  }
0x11a: {  	s31 =	rddreg [dreg:$0x16]  }
0x11b: {  	v34 =	vld [tilespmem:s1+$0x200];
	s1 =	rddreg [dreg:$0x14]  }
0x11c: {  	s20 =	rddreg [dreg:$0x13]  }
0x11d: {  	s5 =	rddreg [dreg:$0x12]  }
0x11e: {  	v33 =	vld.idx.msk [tilespmem:v1+s14+$0x0], $0xffff;
	s6 =	rddreg [dreg:$0x11]  }
0x11f: {  	s7 =	rddreg [dreg:$0x10]  }
0x120: {  	v24 =	vld.idx.msk [tilespmem:v24+s14+$0x0], $0xffff;
	s8 =	rddreg [dreg:$0xf]  }
0x121: {  	v25 =	vld.idx.msk [tilespmem:v25+s23+$0x0], $0xffff;
	s10 =	rddreg [dreg:$0xd];
	v29 =	vmul.f32 v2, v29;
	v1 =	vshll.u32 v32, $0x7;
	v13 =	vmul.f32 v31, v13  }
0x122: {  	v23 =	vld.idx.msk [tilespmem:v23+s14+$0x0], $0xffff;
	s11 =	rddreg [dreg:$0xc];
	v26 =	vmul.f32 v30, v26;
	v14 =	vmul.f32 v28, v14;
	(v2sf) =	vpush v1, $0x0  }
0x123: {  	v18 =	vld.idx.msk [tilespmem:v18+s23+$0x0], $0xffff;
	s12 =	rddreg [dreg:$0xb];
	v2 =	vshll.u32 v34, $0x7;
	v21 =	vmul.f32 v33, v21;
	(v2sf) =	vpush v1, $0x1  }
0x124: {  	v19 =	vld.idx.msk [tilespmem:v19+s14+$0x0], $0xffff;
	s21 =	rddreg [dreg:$0xa];
	v13 =	vadd.f32 v14, v13;
	v14 =	vmul.f32 v22, v20;
	(v2sf) =	vpush v2, $0x0  }
0x125: {  	v15 =	vld.idx.msk [tilespmem:v15+s14+$0x0], $0xffff;
	s13 =	rddreg [dreg:$0x9];
	v20 =	vadd.f32 v21, v26;
	(v2sf) =	vpush v2, $0x1  }
0x126: {  	v11 =	vld.idx.msk [tilespmem:v11+s23+$0x0], $0xffff;
	s16 =	rddreg [dreg:$0x8];
	v9 =	vmul.f32 v9, v16;
	v13 =	vadd.f32 v14, v13;
	(v2sf) =	vpush v1, $0x2  }
0x127: {  	v12 =	vld.idx.msk [tilespmem:v12+s23+$0x0], $0xffff;
	s17 =	rddreg [dreg:$0x6];
	v14 =	vadd.f32 v27, v20  }
0x128: {  	s25 =	smov.u32 s24;
	v10 =	vld.idx.msk [tilespmem:v10+s23+$0x0], $0xffff;
	[smem:$0x7F1] =	sst s0;
	v5 =	vmul.f32 v5, v17;
	(v2sf) =	vpush v2, $0x2;
	v9 =	vadd.f32 v9, v13  }
0x129: {  	v8 =	vld.idx.msk [tilespmem:v8+s23+$0x0], $0xffff;
	[smem:$0x7F5] =	sst s25;
	v6 =	vmul.f32 v6, v25;
	v13 =	vadd.f32 v29, v14  }
0x12a: {  	v7 =	vld.idx.msk [tilespmem:v7+s23+$0x0], $0xffff;
	[smem:$0x7F0] =	sst s26;
	v4 =	vmul.f32 v4, v18;
	(v2sf) =	vpush v1, $0x3;
	v5 =	vadd.f32 v5, v9  }
0x12b: {  	[smem:$0x7EF] =	sst s28;
	v3 =	vmul.f32 v3, v11;
	v6 =	vadd.f32 v6, v13  }
0x12c: {  	[smem:$0x7EE] =	sst s29;
	(v2sf) =	vpush v2, $0x3;
	v4 =	vadd.f32 v4, v5;
	v5 =	vmul.f32 v24, v12  }
0x12d: {  	[smem:$0x7ED] =	sst s30;
	v3 =	vadd.f32 v3, v6;
	v6 =	vmul.f32 v23, v10  }
0x12e: {  	[smem:$0x7EC] =	sst s31;
	(v2sf) =	vpush v1, $0x4;
	v4 =	vadd.f32 v5, v4  }
0x12f: {  	[smem:$0x7EB] =	sst s1;
	v5 =	vmul.f32 v19, v8;
	v3 =	vadd.f32 v6, v3;
	v6 =	vmul.f32 v15, v7  }
0x130: {  	s1 =	rddreg [dreg:$0xe];
	(v2sf) =	vpush v2, $0x4  }
0x131: {  	s25 =	rddreg [dreg:$0x7];
	v3 =	vadd.f32 v5, v3;
	v4 =	vadd.f32 v6, v4;
	s4 =	spop (v2sf)  }
0x132: {  	s29 =	rddreg [dreg:$0x4];
	s30 =	spop (v2sf);
	(v2sf) =	vpush v1, $0x5  }
0x133: {  	s28 =	rddreg [dreg:$0x3];
	s0 =	sand.u32 $0x1FFFFF80, s4;
	v3 =	vadd.f32 v4, v3;
	s31 =	spop (v2sf)  }
0x134: {  	s0 =	sadd.s32 s2, s0;
	s30 =	sand.u32 $0x1FFFFF80, s30;
	s22 =	spop (v2sf);
	(v2sf) =	vpush v2, $0x5  }
0x135: {  	s31 =	sand.u32 $0x1FFFFF80, s31;
	[tilespmem:s9+$0x8800] =	vst v3;
	s22 =	sand.u32 $0x1FFFFF80, s22;
	s4 =	spop (v2sf)  }
0x136: {  	[tilespmem:s23], [sflag:$0x1] =	stream.linear.gather [hbm4b:s0+s15], $0x400, $0x38;
	(v2sf) =	vpush v1, $0x6;
	[tilespmem:$0x8A00] =	vst v63  }
0x137: {  	s9 =	sadd.s32 s3, s31;
	s4 =	sand.u32 $0x1FFFFF80, s4;
	s31 =	spop (v2sf)  }
0x138: {  	(v2sf) =	vpush v2, $0x6;
	[tilespmem:s14], [sflag:$0x2] =	stream.linear.gather [hbm4b:s9+s15], $0x400, $0x38;
	[tilespmem:$0x8A00] =	vst v63  }
0x139: {  	s9 =	sadd.s32 s2, s30;
	s30 =	sand.u32 $0x1FFFFF80, s31;
	s31 =	spop (v2sf);
	(v2sf) =	vpush v1, $0x7  }
0x13a: {  	[tilespmem:s28], [sflag:$0x1] =	stream.linear.gather [hbm4b:s9+s15], $0x400, $0x38;
	[tilespmem:$0x8A00] =	vst v63  }
0x13b: {  	s9 =	sadd.s32 s3, s22;
	s22 =	sand.u32 $0x1FFFFF80, s31;
	s31 =	spop (v2sf);
	(v2sf) =	vpush v2, $0x7  }
0x13c: {  	[tilespmem:s29], [sflag:$0x2] =	stream.linear.gather [hbm4b:s9+s15], $0x400, $0x38;
	[tilespmem:$0x8A00] =	vst v63  }
0x13d: {  	s26 =	rddreg [dreg:$0x5];
	s9 =	sadd.s32 s2, s4;
	s29 =	spop (v2sf);
	(v2sf) =	vpush v1, $0x8  }
0x13e: {  	[tilespmem:s26], [sflag:$0x1] =	stream.linear.gather [hbm4b:s9+s15], $0x400, $0x38;
	[tilespmem:$0x8A00] =	vst v63  }
0x13f: {  	s4 =	sand.u32 $0x1FFFFF80, s31;
	s31 =	sadd.s32 s3, s30;
	s9 =	spop (v2sf)  }
0x140: {  	[tilespmem:s17], [sflag:$0x2] =	stream.linear.gather [hbm4b:s31+s15], $0x400, $0x38;
	[tilespmem:$0x8A00] =	vst v63  }
0x141: {  	s26 =	sand.u32 $0x1FFFFF80, s29;
	(v2sf) =	vpush v2, $0x8;
	s29 =	sadd.s32 s2, s22;
	s31 =	spop (v2sf)  }
0x142: {  	[tilespmem:s25], [sflag:$0x1] =	stream.linear.gather [hbm4b:s29+s15], $0x400, $0x38;
	[tilespmem:$0x8A00] =	vst v63  }
0x143: {  	s30 =	sand.u32 $0x1FFFFF80, s9;
	s9 =	sadd.s32 s3, s4;
	(v2sf) =	vpush v1, $0x9;
	s25 =	spop (v2sf)  }
0x144: {  	[tilespmem:s16], [sflag:$0x2] =	stream.linear.gather [hbm4b:s9+s15], $0x400, $0x38;
	[tilespmem:$0x8A00] =	vst v63  }
0x145: {  	s26 =	sadd.s32 s2, s26;
	s30 =	sadd.s32 s3, s30;
	s29 =	spop (v2sf)  }
0x146: {  	(v2sf) =	vpush v2, $0x9;
	[tilespmem:s13], [sflag:$0x1] =	stream.linear.gather [hbm4b:s26+s15], $0x400, $0x38;
	[tilespmem:$0x8A00] =	vst v63  }
0x147: {  	s4 =	sand.u32 $0x1FFFFF80, s31;
	s28 =	sand.u32 $0x1FFFFF80, s25;
	s9 =	spop (v2sf)  }
0x148: {  	(v2sf) =	vpush v1, $0xA;
	s31 =	sand.u32 $0x1FFFFF80, s29;
	s26 =	sadd.s32 s3, s28;
	s25 =	spop (v2sf)  }
0x149: {  	[tilespmem:s21], [sflag:$0x2] =	stream.linear.gather [hbm4b:s30+s15], $0x400, $0x38;
	[tilespmem:$0x8A00] =	vst v63  }
0x14a: {  	(v2sf) =	vpush v2, $0xA;
	s22 =	sand.u32 $0x1FFFFF80, s9;
	s21 =	sadd.s32 s2, s4;
	s29 =	spop (v2sf)  }
0x14b: {  	[tilespmem:s12], [sflag:$0x1] =	stream.linear.gather [hbm4b:s21+s15], $0x400, $0x38;
	[tilespmem:$0x8A00] =	vst v63  }
0x14c: {  	(v2sf) =	vpush v1, $0xB;
	s28 =	sand.u32 $0x1FFFFF80, s25;
	s30 =	sadd.s32 s2, s31;
	s9 =	spop (v2sf)  }
0x14d: {  	[tilespmem:s11], [sflag:$0x2] =	stream.linear.gather [hbm4b:s26+s15], $0x400, $0x38;
	[tilespmem:$0x8A00] =	vst v63  }
0x14e: {  	s31 =	sand.u32 $0x1FFFFF80, s29;
	s21 =	sadd.s32 s2, s28;
	s16 =	sand.u32 $0x1FFFFF80, s9  }
0x14f: {  	[tilespmem:s10], [sflag:$0x1] =	stream.linear.gather [hbm4b:s30+s15], $0x400, $0x38;
	[tilespmem:$0x8A00] =	vst v63  }
0x150: {  	(v2sf) =	vpush v2, $0xB;
	s26 =	sadd.s32 s3, s31;
	s17 =	spop (v2sf);
	s10 =	sadd.s32 s3, s22  }
0x151: {  	[tilespmem:s1], [sflag:$0x2] =	stream.linear.gather [hbm4b:s10+s15], $0x400, $0x38;
	[tilespmem:$0x8A00] =	vst v63  }
0x152: {  	(v2sf) =	vpush v1, $0xC;
	s22 =	sand.u32 $0x1FFFFF80, s17;
	s30 =	sadd.s32 s2, s16;
	s25 =	spop (v2sf)  }
0x153: {  	[tilespmem:s8], [sflag:$0x1] =	stream.linear.gather [hbm4b:s21+s15], $0x400, $0x38;
	[tilespmem:$0x8A00] =	vst v63  }
0x154: {  	(v2sf) =	vpush v2, $0xC;
	s9 =	sadd.s32 s3, s22;
	s22 =	sld [smem:$0x7EB];
	s28 =	sand.u32 $0x1FFFFF80, s25  }
0x155: {  	s8 =	sld [smem:$0x7F0];
	s29 =	spop (v2sf);
	s12 =	sadd.s32 s2, s28  }
0x156: {  	(v2sf) =	vpush v1, $0xD;
	[tilespmem:s7], [sflag:$0x2] =	stream.linear.gather [hbm4b:s26+s15], $0x400, $0x38;
	[tilespmem:$0x8A00] =	vst v63  }
0x157: {  	s31 =	sand.u32 $0x1FFFFF80, s29;
	s1 =	spop (v2sf);
	(v2sf) =	vpush v2, $0xD;
	s7 =	sld [smem:$0x7EC]  }
0x158: {  	[tilespmem:s6], [sflag:$0x1] =	stream.linear.gather [hbm4b:s30+s15], $0x400, $0x38;
	[tilespmem:$0x8A00] =	vst v63  }
0x159: {  	s10 =	sand.u32 $0x1FFFFF80, s1;
	s11 =	spop (v2sf);
	s17 =	sadd.s32 s3, s31  }
0x15a: {  	[tilespmem:s5], [sflag:$0x2] =	stream.linear.gather [hbm4b:s9+s15], $0x400, $0x38;
	[tilespmem:$0x8A00] =	vst v63  }
0x15b: {  	(v2sf) =	vpush v1, $0xE;
	s13 =	sand.u32 $0x1FFFFF80, s11;
	s16 =	spop (v2sf);
	s11 =	sld [smem:$0x7ED]  }
0x15c: {  	[tilespmem:s20], [sflag:$0x1] =	stream.linear.gather [hbm4b:s12+s15], $0x400, $0x38;
	[tilespmem:$0x8A00] =	vst v63  }
0x15d: {  	(v2sf) =	vpush v2, $0xE;
	s25 =	sadd.s32 s2, s10;
	s29 =	sadd.s32 s3, s13;
	s13 =	rddreg [dreg:$0x19]  }
0x15e: {  	[tilespmem:s22], [sflag:$0x2] =	stream.linear.gather [hbm4b:s17+s15], $0x400, $0x38;
	[tilespmem:$0x8A00] =	vst v63  }
0x15f: {  	s30 =	sand.u32 $0x1FFFFF80, s16;
	s21 =	spop (v2sf);
	s20 =	rddreg [dreg:$0x15]  }
0x160: {  	[tilespmem:s20], [sflag:$0x1] =	stream.linear.gather [hbm4b:s25+s15], $0x400, $0x38;
	[tilespmem:$0x8A00] =	vst v63  }
0x161: {  	(v2sf) =	vpush v1, $0xF;
	s9 =	sadd.s32 s2, s30;
	s26 =	sand.u32 $0x1FFFFF80, s21;
	s28 =	spop (v2sf)  }
0x162: {  	[tilespmem:s7], [sflag:$0x2] =	stream.linear.gather [hbm4b:s29+s15], $0x400, $0x38;
	[tilespmem:$0x8A00] =	vst v63  }
0x163: {  	(v2sf) =	vpush v2, $0xF;
	s12 =	sadd.s32 s3, s26;
	s31 =	spop (v2sf);
	s17 =	sld [smem:$0x7EE]  }
0x164: {  	[tilespmem:s11], [sflag:$0x1] =	stream.linear.gather [hbm4b:s9+s15], $0x400, $0x38;
	[tilespmem:$0x8A00] =	vst v63  }
0x165: {  	s10 =	sand.u32 $0x1FFFFF80, s28;
	s5 =	sand.u32 $0x1FFFFF80, s31;
	s16 =	spop (v2sf)  }
0x166: {  	s20 =	sadd.s32 s2, s10;
	s25 =	sadd.s32 s3, s5;
	s22 =	spop (v2sf)  }
0x167: {  	[tilespmem:s17], [sflag:$0x2] =	stream.linear.gather [hbm4b:s12+s15], $0x400, $0x38;
	[tilespmem:$0x8A00] =	vst v63  }
0x168: {  	s29 =	sld [smem:$0x7EF];
	s21 =	sand.u32 $0x1FFFFF80, s16;
	s26 =	sand.u32 $0x1FFFFF80, s22  }
0x169: {  	[tilespmem:s13], [sflag:$0x1] =	stream.linear.gather [hbm4b:s20+s15], $0x400, $0x38;
	[tilespmem:$0x8A00] =	vst v63  }
0x16a: {  	s28 =	spop (v2sf);
	s30 =	sadd.s32 s2, s21;
	s12 =	sld [smem:$0x7F1]  }
0x16b: {  	[tilespmem:s29], [sflag:$0x2] =	stream.linear.gather [hbm4b:s25+s15], $0x400, $0x38;
	[tilespmem:$0x8A00] =	vst v63  }
0x16c: {  	s22 =	rddreg [dreg:$0x1f];
	s31 =	sand.u32 $0x1FFFFF80, s28;
	s7 =	spop (v2sf)  }
0x16d: {  	[tilespmem:s8], [sflag:$0x1] =	stream.linear.gather [hbm4b:s30+s15], $0x400, $0x38;
	[tilespmem:$0x8A00] =	vst v63  }
0x16e: {  	s9 =	sadd.s32 s3, s26;
	s10 =	sand.u32 $0x1FFFFF80, s7;
	s20 =	sld [smem:$0x7F2]  }
0x16f: {  	[tilespmem:s12], [sflag:$0x2] =	stream.linear.gather [hbm4b:s9+s15], $0x400, $0x38;
	[tilespmem:$0x8A00] =	vst v63  }
0x170: {  	s13 =	sadd.s32 s2, s31;
	s11 =	spop (v2sf);
	s25 =	sld [smem:$0x7F3]  }
0x171: {  	[tilespmem:s20], [sflag:$0x1] =	stream.linear.gather [hbm4b:s13+s15], $0x400, $0x38;
	[tilespmem:$0x8A00] =	vst v63  }
0x172: {  	s21 =	sadd.s32 s3, s10;
	s16 =	sand.u32 $0x1FFFFF80, s11;
	s17 =	spop (v2sf)  }
0x173: {  	[tilespmem:s25], [sflag:$0x2] =	stream.linear.gather [hbm4b:s21+s15], $0x400, $0x38;
	[tilespmem:$0x8A00] =	vst v63  }
0x174: {  	s28 =	sld [smem:$0x7FD];
	s26 =	sadd.s32 s2, s16;
	s6 =	sand.u32 $0x1FFFFF80, s17  }
0x175: {  	[tilespmem:s22], [sflag:$0x1] =	stream.linear.gather [hbm4b:s26+s15], $0x400, $0x38;
	[tilespmem:$0x8A00] =	vst v63  }
0x176: {  	s30 =	sadd.s32 s3, s6  }
0x177: {  	[tilespmem:s28], [sflag:$0x2] =	stream.linear.gather [hbm4b:s30+s15], $0x400, $0x38;
	[tilespmem:$0x8A00] =	vst v63  }
0x178: {  	s29 =	sld [smem:$0x7F4];
	_ =	swait.ge [sflag:s18], $0x400  }
0x179: {  	[sflag:s18] =	ssyncset.done $0x0  }
0x17a: {  	[sflag:s18] =	ssyncadd.s32 $0xFFFFFC00  }
0x17b: {  	_ =	swait.ge [sflag:s19], $0x400  }
0x17c: {  	[sflag:s19] =	ssyncset.done $0x0  }
0x17d: {  	[sflag:s19] =	ssyncadd.s32 $0xFFFFFC00  }
0x17e: {  	_ =	swait.ge [sflag:s18], $0x400  }
0x17f: {  	[sflag:s18] =	ssyncset.done $0x0  }
0x180: {  	[sflag:s18] =	ssyncadd.s32 $0xFFFFFC00  }
0x181: {  	_ =	swait.ge [sflag:s19], $0x400  }
0x182: {  	[sflag:s19] =	ssyncset.done $0x0  }
0x183: {  	[sflag:s19] =	ssyncadd.s32 $0xFFFFFC00  }
0x184: {  	_ =	swait.ge [sflag:s18], $0x400  }
0x185: {  	[sflag:s18] =	ssyncset.done $0x0  }
0x186: {  	[sflag:s18] =	ssyncadd.s32 $0xFFFFFC00  }
0x187: {  	_ =	swait.ge [sflag:s19], $0x400  }
0x188: {  	[sflag:s19] =	ssyncset.done $0x0  }
0x189: {  	[sflag:s19] =	ssyncadd.s32 $0xFFFFFC00  }
0x18a: {  	_ =	swait.ge [sflag:s18], $0x400  }
0x18b: {  	[sflag:s18] =	ssyncset.done $0x0  }
0x18c: {  	[sflag:s18] =	ssyncadd.s32 $0xFFFFFC00  }
0x18d: {  	_ =	swait.ge [sflag:s19], $0x400  }
0x18e: {  	[sflag:s19] =	ssyncset.done $0x0  }
0x18f: {  	[sflag:s19] =	ssyncadd.s32 $0xFFFFFC00  }
0x190: {  	_ =	swait.ge [sflag:s18], $0x400  }
0x191: {  	[sflag:s18] =	ssyncset.done $0x0  }
0x192: {  	[sflag:s18] =	ssyncadd.s32 $0xFFFFFC00  }
0x193: {  	_ =	swait.ge [sflag:s19], $0x400  }
0x194: {  	[sflag:s19] =	ssyncset.done $0x0  }
0x195: {  	[sflag:s19] =	ssyncadd.s32 $0xFFFFFC00  }
0x196: {  	_ =	swait.ge [sflag:s18], $0x400  }
0x197: {  	[sflag:s18] =	ssyncset.done $0x0  }
0x198: {  	[sflag:s18] =	ssyncadd.s32 $0xFFFFFC00  }
0x199: {  	_ =	swait.ge [sflag:s19], $0x400  }
0x19a: {  	[sflag:s19] =	ssyncset.done $0x0  }
0x19b: {  	[sflag:s19] =	ssyncadd.s32 $0xFFFFFC00  }
0x19c: {  	_ =	swait.ge [sflag:s18], $0x400  }
0x19d: {  	[sflag:s18] =	ssyncset.done $0x0  }
0x19e: {  	[sflag:s18] =	ssyncadd.s32 $0xFFFFFC00  }
0x19f: {  	_ =	swait.ge [sflag:s19], $0x400  }
0x1a0: {  	[sflag:s19] =	ssyncset.done $0x0  }
0x1a1: {  	[sflag:s19] =	ssyncadd.s32 $0xFFFFFC00  }
0x1a2: {  	_ =	swait.ge [sflag:s18], $0x400  }
0x1a3: {  	[sflag:s18] =	ssyncset.done $0x0  }
0x1a4: {  	[sflag:s18] =	ssyncadd.s32 $0xFFFFFC00  }
0x1a5: {  	_ =	swait.ge [sflag:s19], $0x400  }
0x1a6: {  	[sflag:s19] =	ssyncset.done $0x0  }
0x1a7: {  	[sflag:s19] =	ssyncadd.s32 $0xFFFFFC00  }
0x1a8: {  	_ =	swait.ge [sflag:s18], $0x400  }
0x1a9: {  	[sflag:s18] =	ssyncset.done $0x0  }
0x1aa: {  	[sflag:s18] =	ssyncadd.s32 $0xFFFFFC00  }
0x1ab: {  	_ =	swait.ge [sflag:s19], $0x400  }
0x1ac: {  	[sflag:s19] =	ssyncset.done $0x0  }
0x1ad: {  	[sflag:s19] =	ssyncadd.s32 $0xFFFFFC00  }
0x1ae: {  	_ =	swait.ge [sflag:s18], $0x400  }
0x1af: {  	[sflag:s18] =	ssyncset.done $0x0  }
0x1b0: {  	[sflag:s18] =	ssyncadd.s32 $0xFFFFFC00  }
0x1b1: {  	_ =	swait.ge [sflag:s19], $0x400  }
0x1b2: {  	[sflag:s19] =	ssyncset.done $0x0  }
0x1b3: {  	[sflag:s19] =	ssyncadd.s32 $0xFFFFFC00  }
0x1b4: {  	_ =	swait.ge [sflag:s18], $0x400  }
0x1b5: {  	[sflag:s18] =	ssyncset.done $0x0  }
0x1b6: {  	[sflag:s18] =	ssyncadd.s32 $0xFFFFFC00  }
0x1b7: {  	_ =	swait.ge [sflag:s19], $0x400  }
0x1b8: {  	[sflag:s19] =	ssyncset.done $0x0  }
0x1b9: {  	[sflag:s19] =	ssyncadd.s32 $0xFFFFFC00  }
0x1ba: {  	_ =	swait.ge [sflag:s18], $0x400  }
0x1bb: {  	[sflag:s18] =	ssyncset.done $0x0  }
0x1bc: {  	[sflag:s18] =	ssyncadd.s32 $0xFFFFFC00  }
0x1bd: {  	_ =	swait.ge [sflag:s19], $0x400  }
0x1be: {  	[sflag:s19] =	ssyncset.done $0x0  }
0x1bf: {  	[sflag:s19] =	ssyncadd.s32 $0xFFFFFC00  }
0x1c0: {  	_ =	swait.ge [sflag:s18], $0x400  }
0x1c1: {  	[sflag:s18] =	ssyncset.done $0x0  }
0x1c2: {  	[sflag:s18] =	ssyncadd.s32 $0xFFFFFC00  }
0x1c3: {  	_ =	swait.ge [sflag:s19], $0x400  }
0x1c4: {  	[sflag:s19] =	ssyncset.done $0x0  }
0x1c5: {  	[sflag:s19] =	ssyncadd.s32 $0xFFFFFC00  }
0x1c6: {  	_ =	swait.ge [sflag:s18], $0x400  }
0x1c7: {  	[sflag:s18] =	ssyncset.done $0x0  }
0x1c8: {  	[sflag:s18] =	ssyncadd.s32 $0xFFFFFC00  }
0x1c9: {  	_ =	swait.ge [sflag:s19], $0x400  }
0x1ca: {  	[sflag:s19] =	ssyncset.done $0x0  }
0x1cb: {  	[sflag:s19] =	ssyncadd.s32 $0xFFFFFC00  }
0x1cc: {  	_ =	swait.ge [sflag:s18], $0x400  }
0x1cd: {  	[sflag:s18] =	ssyncset.done $0x0  }
0x1ce: {  	[sflag:s18] =	ssyncadd.s32 $0xFFFFFC00  }
0x1cf: {  	_ =	swait.ge [sflag:s19], $0x400  }
0x1d0: {  	[sflag:s19] =	ssyncset.done $0x0  }
0x1d1: {  	[sflag:s19] =	ssyncadd.s32 $0xFFFFFC00  }
0x1d2: {  	_ =	swait.ge [sflag:s18], $0x400  }
0x1d3: {  	[sflag:s18] =	ssyncset.done $0x0  }
0x1d4: {  	[sflag:s18] =	ssyncadd.s32 $0xFFFFFC00  }
0x1d5: {  	_ =	swait.ge [sflag:s19], $0x400  }
0x1d6: {  	[sflag:s19] =	ssyncset.done $0x0  }
0x1d7: {  	s9 =	smov.u32 s29;
	[sflag:s19] =	ssyncadd.s32 $0xFFFFFC00  }
0x1d8: {  	v1 =	vld [tilespmem:s9+$0x600]  }
0x1d9: {  	v2 =	vld [tilespmem:s9+$0x400];
	_ =	sdelay $0x3  }
0x1da: {  	v1 =	vshll.u32 v1, $0x7  }
0x1db: {  	v2 =	vshll.u32 v2, $0x7;
	v17 =	vadd.s32 v0, v1  }
0x1dc: {  	s31 =	sld [smem:$0x7F5];
	v16 =	vadd.s32 v0, v2;
	v2 =	vor.u32 $0x4, v17  }
0x1dd: {  	v5 =	vor.u32 $0x6, v17  }
0x1de: {  	v3 =	vor.u32 $0x1, v16  }
0x1df: {  	s1 =	sshra.s32 s31, $0x2;
	v7 =	vor.u32 $0x9, v17  }
0x1e0: {  	v32 =	vld [tilespmem:s1+$0x0];
	v4 =	vor.u32 $0x3, v16  }
0x1e1: {  	v26 =	vor.u32 $0xA, v17;
	v62 =	vld.idx.msk [tilespmem:v2+s14+$0x0], $0xffff  }
0x1e2: {  	v21 =	vor.u32 $0xB, v17;
	v2 =	vld.idx.msk [tilespmem:v5+s14+$0x0], $0xffff  }
0x1e3: {  	v6 =	vor.u32 $0x8, v17;
	v13 =	vld.idx.msk [tilespmem:v3+s23+$0x0], $0xffff  }
0x1e4: {  	v9 =	vor.u32 $0x7, v17;
	v5 =	vld.idx.msk [tilespmem:v7+s14+$0x0], $0xffff  }
0x1e5: {  	v20 =	vor.u32 $0x2, v16;
	v14 =	vld.idx.msk [tilespmem:v4+s23+$0x0], $0xffff  }
0x1e6: {  	v3 =	vld.idx.msk [tilespmem:v26+s14+$0x0], $0xffff  }
0x1e7: {  	v28 =	vor.u32 $0x5, v16;
	v4 =	vld.idx.msk [tilespmem:v21+s14+$0x0], $0xffff  }
0x1e8: {  	v29 =	vor.u32 $0x4, v16;
	v6 =	vld.idx.msk [tilespmem:v6+s14+$0x0], $0xffff  }
0x1e9: {  	v22 =	vor.u32 $0x5, v17;
	v9 =	vld.idx.msk [tilespmem:v9+s14+$0x0], $0xffff  }
0x1ea: {  	v61 =	vor.u32 $0x7, v16;
	v21 =	vld.idx.msk [tilespmem:v20+s23+$0x0], $0xffff  }
0x1eb: {  	v27 =	vor.u32 $0x3, v17;
	v26 =	vld.idx.msk [tilespmem:v16+s23+$0x0], $0xffff  }
0x1ec: {  	v30 =	vor.u32 $0x6, v16;
	v20 =	vld.idx.msk [tilespmem:v28+s23+$0x0], $0xffff  }
0x1ed: {  	v31 =	vor.u32 $0x1, v17;
	v63 =	vor.u32 $0x9, v16;
	v25 =	vor.u32 $0x8, v16;
	v35 =	vld.idx.msk [tilespmem:v29+s23+$0x0], $0xffff  }
0x1ee: {  	v18 =	vor.u32 $0xB, v16;
	v11 =	vor.u32 $0xA, v16;
	v10 =	vor.u32 $0xC, v16;
	v22 =	vld.idx.msk [tilespmem:v22+s14+$0x0], $0xffff  }
0x1ef: {  	p0 =	sne.s32 s24, $0x7C0;
	v12 =	vor.u32 $0xD, v16;
	v8 =	vor.u32 $0xE, v16;
	v7 =	vor.u32 $0xF, v16;
	v16 =	vld.idx.msk [tilespmem:v61+s23+$0x0], $0xffff  }
.Ltmp0:
0x1f0: {  	v28 =	vld.idx.msk [tilespmem:v27+s14+$0x0], $0xffff;
	(pc) =	sbr.rel @p0 .LBB2_2-.Ltmp0, $4  }
0x1f1: {  	v29 =	vld.idx.msk [tilespmem:v30+s23+$0x0], $0xffff  }
0x1f2: {  	v1 =	vor.u32 $0x2, v17;
	v24 =	vor.u32 $0xD, v17;
	v30 =	vld.idx.msk [tilespmem:v17+s14+$0x0], $0xffff  }
0x1f3: {  	s7 =	rddreg [dreg:$0x1e];
	v23 =	vor.u32 $0xC, v17;
	v19 =	vor.u32 $0xE, v17;
	v15 =	vor.u32 $0xF, v17;
	v17 =	vld.idx.msk [tilespmem:v63+s23+$0x0], $0xffff  }
0x1f4: {  	s24 =	sadd.s32 $0x40, s24;
	s8 =	rddreg [dreg:$0x1d];
	v31 =	vld.idx.msk [tilespmem:v31+s14+$0x0], $0xffff;
	v27 =	vmul.f32 v62, v35  }
0x1f5: {  	_ =	sdelay $0x2  }
0x1f6: {  	s6 =	simm.s32 $0x4800;
	v34 =	vld [tilespmem:s1+$0x200]  }
0x1f7: {  	v33 =	vld.idx.msk [tilespmem:v1+s6+$0x0], $0xffff;
	v1 =	vshll.u32 v32, $0x7  }
0x1f8: {  	(v2sf) =	vpush v1, $0x0;
	_ =	sdelay $0x1  }
0x1f9: {  	(v2sf) =	vpush v1, $0x1;
	_ =	sdelay $0x1  }
0x1fa: {  	v61 =	vmul.f32 v2, v29;
	v2 =	vshll.u32 v34, $0x7  }
0x1fb: {  	(v2sf) =	vpush v2, $0x0;
	_ =	sdelay $0x2  }
0x1fc: {  	(v2sf) =	vpush v2, $0x1;
	_ =	sdelay $0x3  }
0x1fd: {  	s5 =	simm.s32 $0x800;
	v24 =	vld.idx.msk [tilespmem:v24+s6+$0x0], $0xffff  }
0x1fe: {  	v25 =	vld.idx.msk [tilespmem:v25+s5+$0x0], $0xffff  }
0x1ff: {  	v14 =	vmul.f32 v28, v14;
	v23 =	vld.idx.msk [tilespmem:v23+s6+$0x0], $0xffff;
	v13 =	vmul.f32 v31, v13  }
0x200: {  	v18 =	vld.idx.msk [tilespmem:v18+s5+$0x0], $0xffff;
	v26 =	vmul.f32 v30, v26;
	v21 =	vmul.f32 v33, v21;
	s0 =	spop (v2sf);
	(v2sf) =	vpush v1, $0x2  }
0x201: {  	v59 =	vmul.f32 v22, v20;
	v19 =	vld.idx.msk [tilespmem:v19+s6+$0x0], $0xffff;
	v13 =	vadd.f32 v14, v13  }
0x202: {  	v15 =	vld.idx.msk [tilespmem:v15+s6+$0x0], $0xffff;
	v60 =	vadd.f32 v21, v26;
	s4 =	spop (v2sf);
	(v2sf) =	vpush v2, $0x2  }
0x203: {  	v9 =	vmul.f32 v9, v16;
	v11 =	vld.idx.msk [tilespmem:v11+s5+$0x0], $0xffff;
	v13 =	vadd.f32 v59, v13  }
0x204: {  	v12 =	vld.idx.msk [tilespmem:v12+s5+$0x0], $0xffff;
	v62 =	vadd.f32 v27, v60  }
0x205: {  	v10 =	vld.idx.msk [tilespmem:v10+s5+$0x0], $0xffff;
	v5 =	vmul.f32 v5, v17;
	v9 =	vadd.f32 v9, v13;
	s20 =	spop (v2sf);
	(v2sf) =	vpush v1, $0x3  }
0x206: {  	v8 =	vld.idx.msk [tilespmem:v8+s5+$0x0], $0xffff;
	v6 =	vmul.f32 v6, v25;
	v63 =	vadd.f32 v61, v62  }
0x207: {  	v7 =	vld.idx.msk [tilespmem:v7+s5+$0x0], $0xffff;
	v4 =	vmul.f32 v4, v18;
	v5 =	vadd.f32 v5, v9  }
0x208: {  	v3 =	vmul.f32 v3, v11;
	v6 =	vadd.f32 v6, v63;
	s24 =	spop (v2sf);
	(v2sf) =	vpush v2, $0x3  }
0x209: {  	v16 =	vmul.f32 v24, v12  }
0x20a: {  	v17 =	vmul.f32 v23, v10;
	v4 =	vadd.f32 v4, v5;
	v3 =	vadd.f32 v3, v6  }
0x20b: {  	v18 =	vmul.f32 v19, v8  }
0x20c: {  	v19 =	vmul.f32 v15, v7;
	v4 =	vadd.f32 v16, v4;
	v3 =	vadd.f32 v17, v3;
	_ =	sdelay $0x1  }
0x20d: {  	v4 =	vadd.f32 v19, v4;
	v3 =	vadd.f32 v18, v3  }
0x20e: {  	s26 =	spop (v2sf);
	(v2sf) =	vpush v1, $0x4  }
0x20f: {  	v3 =	vadd.f32 v4, v3  }
0x210: {  	s0 =	sand.u32 $0x1FFFFF80, s0;
	s29 =	spop (v2sf);
	(v2sf) =	vpush v2, $0x4  }
0x211: {  	s0 =	sadd.s32 s2, s0;
	[tilespmem:s9+$0x8800] =	vst v3  }
0x212: {  	[tilespmem:s5], [sflag:$0x1] =	stream.linear.gather [hbm4b:s0+s15], $0x400, $0x38;
	[tilespmem:$0x8A00] =	vst v63  }
0x213: {  	s0 =	sand.u32 $0x1FFFFF80, s20;
	s31 =	spop (v2sf);
	(v2sf) =	vpush v1, $0x5  }
0x214: {  	s0 =	sadd.s32 s3, s0  }
0x215: {  	[tilespmem:s6], [sflag:$0x2] =	stream.linear.gather [hbm4b:s0+s15], $0x400, $0x38;
	[tilespmem:$0x8A00] =	vst v63  }
0x216: {  	s4 =	sand.u32 $0x1FFFFF80, s4;
	s10 =	spop (v2sf);
	(v2sf) =	vpush v2, $0x5  }
0x217: {  	s21 =	rddreg [dreg:$0x3];
	s4 =	sadd.s32 s2, s4  }
0x218: {  	[tilespmem:s21], [sflag:$0x1] =	stream.linear.gather [hbm4b:s4+s15], $0x400, $0x38;
	[tilespmem:$0x8A00] =	vst v63  }
0x219: {  	s4 =	sand.u32 $0x1FFFFF80, s24  }
0x21a: {  	s22 =	rddreg [dreg:$0x4];
	s4 =	sadd.s32 s3, s4  }
0x21b: {  	[tilespmem:s22], [sflag:$0x2] =	stream.linear.gather [hbm4b:s4+s15], $0x400, $0x38;
	[tilespmem:$0x8A00] =	vst v63  }
0x21c: {  	s4 =	sand.u32 $0x1FFFFF80, s26  }
0x21d: {  	s25 =	rddreg [dreg:$0x5];
	s4 =	sadd.s32 s2, s4;
	s12 =	spop (v2sf);
	(v2sf) =	vpush v1, $0x6  }
0x21e: {  	[tilespmem:s25], [sflag:$0x1] =	stream.linear.gather [hbm4b:s4+s15], $0x400, $0x38;
	[tilespmem:$0x8A00] =	vst v63  }
0x21f: {  	s4 =	sand.u32 $0x1FFFFF80, s29;
	s16 =	spop (v2sf);
	(v2sf) =	vpush v2, $0x6  }
0x220: {  	s28 =	rddreg [dreg:$0x6];
	s4 =	sadd.s32 s3, s4  }
0x221: {  	[tilespmem:s28], [sflag:$0x2] =	stream.linear.gather [hbm4b:s4+s15], $0x400, $0x38;
	[tilespmem:$0x8A00] =	vst v63  }
0x222: {  	s4 =	sand.u32 $0x1FFFFF80, s31;
	s20 =	spop (v2sf);
	(v2sf) =	vpush v1, $0x7  }
0x223: {  	s30 =	rddreg [dreg:$0x7];
	s4 =	sadd.s32 s2, s4  }
0x224: {  	[tilespmem:s30], [sflag:$0x1] =	stream.linear.gather [hbm4b:s4+s15], $0x400, $0x38;
	[tilespmem:$0x8A00] =	vst v63  }
0x225: {  	s4 =	sand.u32 $0x1FFFFF80, s10;
	s22 =	spop (v2sf);
	(v2sf) =	vpush v2, $0x7  }
0x226: {  	s9 =	rddreg [dreg:$0x8];
	s4 =	sadd.s32 s3, s4  }
0x227: {  	[tilespmem:s9], [sflag:$0x2] =	stream.linear.gather [hbm4b:s4+s15], $0x400, $0x38;
	[tilespmem:$0x8A00] =	vst v63  }
0x228: {  	s4 =	sand.u32 $0x1FFFFF80, s12  }
0x229: {  	s11 =	rddreg [dreg:$0x9];
	s4 =	sadd.s32 s2, s4  }
0x22a: {  	[tilespmem:s11], [sflag:$0x1] =	stream.linear.gather [hbm4b:s4+s15], $0x400, $0x38;
	[tilespmem:$0x8A00] =	vst v63  }
0x22b: {  	s4 =	sand.u32 $0x1FFFFF80, s16  }
0x22c: {  	s13 =	rddreg [dreg:$0xa];
	s4 =	sadd.s32 s3, s4;
	s25 =	spop (v2sf);
	(v2sf) =	vpush v1, $0x8  }
0x22d: {  	[tilespmem:s13], [sflag:$0x2] =	stream.linear.gather [hbm4b:s4+s15], $0x400, $0x38;
	[tilespmem:$0x8A00] =	vst v63  }
0x22e: {  	s4 =	sand.u32 $0x1FFFFF80, s20;
	s28 =	spop (v2sf);
	(v2sf) =	vpush v2, $0x8  }
0x22f: {  	s17 =	rddreg [dreg:$0xb];
	s4 =	sadd.s32 s2, s4  }
0x230: {  	[tilespmem:s17], [sflag:$0x1] =	stream.linear.gather [hbm4b:s4+s15], $0x400, $0x38;
	[tilespmem:$0x8A00] =	vst v63  }
0x231: {  	s4 =	sand.u32 $0x1FFFFF80, s22;
	s30 =	spop (v2sf);
	(v2sf) =	vpush v1, $0x9  }
0x232: {  	s21 =	rddreg [dreg:$0xc];
	s4 =	sadd.s32 s3, s4  }
0x233: {  	[tilespmem:s21], [sflag:$0x2] =	stream.linear.gather [hbm4b:s4+s15], $0x400, $0x38;
	[tilespmem:$0x8A00] =	vst v63  }
0x234: {  	s4 =	sand.u32 $0x1FFFFF80, s25;
	s9 =	spop (v2sf);
	(v2sf) =	vpush v2, $0x9  }
0x235: {  	s24 =	rddreg [dreg:$0xd];
	s4 =	sadd.s32 s2, s4  }
0x236: {  	[tilespmem:s24], [sflag:$0x1] =	stream.linear.gather [hbm4b:s4+s15], $0x400, $0x38;
	[tilespmem:$0x8A00] =	vst v63  }
0x237: {  	s4 =	sand.u32 $0x1FFFFF80, s28  }
0x238: {  	s26 =	rddreg [dreg:$0xe];
	s4 =	sadd.s32 s3, s4  }
0x239: {  	[tilespmem:s26], [sflag:$0x2] =	stream.linear.gather [hbm4b:s4+s15], $0x400, $0x38;
	[tilespmem:$0x8A00] =	vst v63  }
0x23a: {  	s4 =	sand.u32 $0x1FFFFF80, s30  }
0x23b: {  	s29 =	rddreg [dreg:$0xf];
	s4 =	sadd.s32 s2, s4;
	s11 =	spop (v2sf);
	(v2sf) =	vpush v1, $0xA  }
0x23c: {  	[tilespmem:s29], [sflag:$0x1] =	stream.linear.gather [hbm4b:s4+s15], $0x400, $0x38;
	[tilespmem:$0x8A00] =	vst v63  }
0x23d: {  	s4 =	sand.u32 $0x1FFFFF80, s9;
	s13 =	spop (v2sf);
	(v2sf) =	vpush v2, $0xA  }
0x23e: {  	s31 =	rddreg [dreg:$0x10];
	s4 =	sadd.s32 s3, s4  }
0x23f: {  	[tilespmem:s31], [sflag:$0x2] =	stream.linear.gather [hbm4b:s4+s15], $0x400, $0x38;
	[tilespmem:$0x8A00] =	vst v63  }
0x240: {  	s4 =	sand.u32 $0x1FFFFF80, s11;
	s17 =	spop (v2sf);
	(v2sf) =	vpush v1, $0xB  }
0x241: {  	s10 =	rddreg [dreg:$0x11];
	s4 =	sadd.s32 s2, s4  }
0x242: {  	[tilespmem:s10], [sflag:$0x1] =	stream.linear.gather [hbm4b:s4+s15], $0x400, $0x38;
	[tilespmem:$0x8A00] =	vst v63  }
0x243: {  	s4 =	sand.u32 $0x1FFFFF80, s13;
	s21 =	spop (v2sf);
	(v2sf) =	vpush v2, $0xB  }
0x244: {  	s12 =	rddreg [dreg:$0x12];
	s4 =	sadd.s32 s3, s4  }
0x245: {  	[tilespmem:s12], [sflag:$0x2] =	stream.linear.gather [hbm4b:s4+s15], $0x400, $0x38;
	[tilespmem:$0x8A00] =	vst v63  }
0x246: {  	s4 =	sand.u32 $0x1FFFFF80, s17  }
0x247: {  	s16 =	rddreg [dreg:$0x13];
	s4 =	sadd.s32 s2, s4  }
0x248: {  	[tilespmem:s16], [sflag:$0x1] =	stream.linear.gather [hbm4b:s4+s15], $0x400, $0x38;
	[tilespmem:$0x8A00] =	vst v63  }
0x249: {  	s4 =	sand.u32 $0x1FFFFF80, s21  }
0x24a: {  	s20 =	rddreg [dreg:$0x14];
	s4 =	sadd.s32 s3, s4;
	s22 =	spop (v2sf);
	(v2sf) =	vpush v1, $0xC  }
0x24b: {  	[tilespmem:s20], [sflag:$0x2] =	stream.linear.gather [hbm4b:s4+s15], $0x400, $0x38;
	[tilespmem:$0x8A00] =	vst v63  }
0x24c: {  	s0 =	sand.u32 $0x1FFFFF80, s22;
	s26 =	spop (v2sf);
	(v2sf) =	vpush v2, $0xC  }
0x24d: {  	s24 =	rddreg [dreg:$0x15];
	s0 =	sadd.s32 s2, s0  }
0x24e: {  	[tilespmem:s24], [sflag:$0x1] =	stream.linear.gather [hbm4b:s0+s15], $0x400, $0x38;
	[tilespmem:$0x8A00] =	vst v63  }
0x24f: {  	s4 =	sand.u32 $0x1FFFFF80, s26;
	s29 =	spop (v2sf);
	(v2sf) =	vpush v1, $0xD  }
0x250: {  	s25 =	rddreg [dreg:$0x16];
	s4 =	sadd.s32 s3, s4  }
0x251: {  	[tilespmem:s25], [sflag:$0x2] =	stream.linear.gather [hbm4b:s4+s15], $0x400, $0x38;
	[tilespmem:$0x8A00] =	vst v63  }
0x252: {  	s31 =	spop (v2sf);
	(v2sf) =	vpush v2, $0xD  }
0x253: {  	s4 =	sand.u32 $0x1FFFFF80, s29  }
0x254: {  	s28 =	rddreg [dreg:$0x17];
	s4 =	sadd.s32 s2, s4  }
0x255: {  	[tilespmem:s28], [sflag:$0x1] =	stream.linear.gather [hbm4b:s4+s15], $0x400, $0x38;
	[tilespmem:$0x8A00] =	vst v63  }
0x256: {  	s4 =	sand.u32 $0x1FFFFF80, s31  }
0x257: {  	s30 =	rddreg [dreg:$0x18];
	s4 =	sadd.s32 s3, s4  }
0x258: {  	[tilespmem:s30], [sflag:$0x2] =	stream.linear.gather [hbm4b:s4+s15], $0x400, $0x38;
	[tilespmem:$0x8A00] =	vst v63  }
0x259: {  	s4 =	spop (v2sf);
	(v2sf) =	vpush v1, $0xE;
	_ =	sdelay $0x1  }
0x25a: {  	s0 =	sand.u32 $0x1FFFFF80, s4;
	s11 =	spop (v2sf);
	(v2sf) =	vpush v2, $0xE  }
0x25b: {  	s9 =	rddreg [dreg:$0x19];
	s0 =	sadd.s32 s2, s0  }
0x25c: {  	[tilespmem:s9], [sflag:$0x1] =	stream.linear.gather [hbm4b:s0+s15], $0x400, $0x38;
	[tilespmem:$0x8A00] =	vst v63  }
0x25d: {  	s4 =	sand.u32 $0x1FFFFF80, s11;
	s13 =	spop (v2sf);
	(v2sf) =	vpush v1, $0xF  }
0x25e: {  	s10 =	rddreg [dreg:$0x1a];
	s4 =	sadd.s32 s3, s4  }
0x25f: {  	[tilespmem:s10], [sflag:$0x2] =	stream.linear.gather [hbm4b:s4+s15], $0x400, $0x38;
	[tilespmem:$0x8A00] =	vst v63  }
0x260: {  	s17 =	spop (v2sf);
	(v2sf) =	vpush v2, $0xF  }
0x261: {  	s4 =	sand.u32 $0x1FFFFF80, s13  }
0x262: {  	s12 =	rddreg [dreg:$0x1b];
	s4 =	sadd.s32 s2, s4  }
0x263: {  	[tilespmem:s12], [sflag:$0x1] =	stream.linear.gather [hbm4b:s4+s15], $0x400, $0x38;
	[tilespmem:$0x8A00] =	vst v63  }
0x264: {  	s4 =	sand.u32 $0x1FFFFF80, s17  }
0x265: {  	s16 =	rddreg [dreg:$0x1c];
	s4 =	sadd.s32 s3, s4  }
0x266: {  	[tilespmem:s16], [sflag:$0x2] =	stream.linear.gather [hbm4b:s4+s15], $0x400, $0x38;
	[tilespmem:$0x8A00] =	vst v63  }
0x267: {  	s20 =	spop (v2sf)  }
0x268: {  	s0 =	sand.u32 $0x1FFFFF80, s20  }
0x269: {  	s21 =	spop (v2sf);
	s0 =	sadd.s32 s2, s0  }
0x26a: {  	[tilespmem:s8], [sflag:$0x1] =	stream.linear.gather [hbm4b:s0+s15], $0x400, $0x38;
	[tilespmem:$0x8A00] =	vst v63  }
0x26b: {  	s0 =	sand.u32 $0x1FFFFF80, s21  }
0x26c: {  	s0 =	sadd.s32 s3, s0;
	s22 =	spop (v2sf)  }
0x26d: {  	[tilespmem:s7], [sflag:$0x2] =	stream.linear.gather [hbm4b:s0+s15], $0x400, $0x38;
	[tilespmem:$0x8A00] =	vst v63  }
0x26e: {  	s26 =	sld [smem:$0x7FD];
	s0 =	sand.u32 $0x1FFFFF80, s22  }
0x26f: {  	s24 =	rddreg [dreg:$0x1f];
	s25 =	spop (v2sf);
	s0 =	sadd.s32 s2, s0  }
0x270: {  	[tilespmem:s24], [sflag:$0x1] =	stream.linear.gather [hbm4b:s0+s15], $0x400, $0x38;
	[tilespmem:$0x8A00] =	vst v63  }
0x271: {  	s0 =	sand.u32 $0x1FFFFF80, s25  }
0x272: {  	s0 =	sadd.s32 s3, s0  }
0x273: {  	[tilespmem:s26], [sflag:$0x2] =	stream.linear.gather [hbm4b:s0+s15], $0x400, $0x38;
	[tilespmem:$0x8A00] =	vst v63  }
0x274: {  	_ =	swait.ge [sflag:s18], $0x400  }
0x275: {  	[sflag:s18] =	ssyncset.done $0x0  }
0x276: {  	[sflag:s18] =	ssyncadd.s32 $0xFFFFFC00  }
0x277: {  	_ =	swait.ge [sflag:s19], $0x400  }
0x278: {  	[sflag:s19] =	ssyncset.done $0x0  }
0x279: {  	[sflag:s19] =	ssyncadd.s32 $0xFFFFFC00  }
0x27a: {  	_ =	swait.ge [sflag:s18], $0x400  }
0x27b: {  	[sflag:s18] =	ssyncset.done $0x0  }
0x27c: {  	[sflag:s18] =	ssyncadd.s32 $0xFFFFFC00  }
0x27d: {  	_ =	swait.ge [sflag:s19], $0x400  }
0x27e: {  	[sflag:s19] =	ssyncset.done $0x0  }
0x27f: {  	[sflag:s19] =	ssyncadd.s32 $0xFFFFFC00  }
0x280: {  	_ =	swait.ge [sflag:s18], $0x400  }
0x281: {  	[sflag:s18] =	ssyncset.done $0x0  }
0x282: {  	[sflag:s18] =	ssyncadd.s32 $0xFFFFFC00  }
0x283: {  	_ =	swait.ge [sflag:s19], $0x400  }
0x284: {  	[sflag:s19] =	ssyncset.done $0x0  }
0x285: {  	[sflag:s19] =	ssyncadd.s32 $0xFFFFFC00  }
0x286: {  	_ =	swait.ge [sflag:s18], $0x400  }
0x287: {  	[sflag:s18] =	ssyncset.done $0x0  }
0x288: {  	[sflag:s18] =	ssyncadd.s32 $0xFFFFFC00  }
0x289: {  	_ =	swait.ge [sflag:s19], $0x400  }
0x28a: {  	[sflag:s19] =	ssyncset.done $0x0  }
0x28b: {  	[sflag:s19] =	ssyncadd.s32 $0xFFFFFC00  }
0x28c: {  	_ =	swait.ge [sflag:s18], $0x400  }
0x28d: {  	[sflag:s18] =	ssyncset.done $0x0  }
0x28e: {  	[sflag:s18] =	ssyncadd.s32 $0xFFFFFC00  }
0x28f: {  	_ =	swait.ge [sflag:s19], $0x400  }
0x290: {  	[sflag:s19] =	ssyncset.done $0x0  }
0x291: {  	[sflag:s19] =	ssyncadd.s32 $0xFFFFFC00  }
0x292: {  	_ =	swait.ge [sflag:s18], $0x400  }
0x293: {  	[sflag:s18] =	ssyncset.done $0x0  }
0x294: {  	[sflag:s18] =	ssyncadd.s32 $0xFFFFFC00  }
0x295: {  	_ =	swait.ge [sflag:s19], $0x400  }
0x296: {  	[sflag:s19] =	ssyncset.done $0x0  }
0x297: {  	[sflag:s19] =	ssyncadd.s32 $0xFFFFFC00  }
0x298: {  	_ =	swait.ge [sflag:s18], $0x400  }
0x299: {  	[sflag:s18] =	ssyncset.done $0x0  }
0x29a: {  	[sflag:s18] =	ssyncadd.s32 $0xFFFFFC00  }
0x29b: {  	_ =	swait.ge [sflag:s19], $0x400  }
0x29c: {  	[sflag:s19] =	ssyncset.done $0x0  }
0x29d: {  	[sflag:s19] =	ssyncadd.s32 $0xFFFFFC00  }
0x29e: {  	_ =	swait.ge [sflag:s18], $0x400  }
0x29f: {  	[sflag:s18] =	ssyncset.done $0x0  }
0x2a0: {  	[sflag:s18] =	ssyncadd.s32 $0xFFFFFC00  }
0x2a1: {  	_ =	swait.ge [sflag:s19], $0x400  }
0x2a2: {  	[sflag:s19] =	ssyncset.done $0x0  }
0x2a3: {  	[sflag:s19] =	ssyncadd.s32 $0xFFFFFC00  }
0x2a4: {  	_ =	swait.ge [sflag:s18], $0x400  }
0x2a5: {  	[sflag:s18] =	ssyncset.done $0x0  }
0x2a6: {  	[sflag:s18] =	ssyncadd.s32 $0xFFFFFC00  }
0x2a7: {  	_ =	swait.ge [sflag:s19], $0x400  }
0x2a8: {  	[sflag:s19] =	ssyncset.done $0x0  }
0x2a9: {  	[sflag:s19] =	ssyncadd.s32 $0xFFFFFC00  }
0x2aa: {  	_ =	swait.ge [sflag:s18], $0x400  }
0x2ab: {  	[sflag:s18] =	ssyncset.done $0x0  }
0x2ac: {  	[sflag:s18] =	ssyncadd.s32 $0xFFFFFC00  }
0x2ad: {  	_ =	swait.ge [sflag:s19], $0x400  }
0x2ae: {  	[sflag:s19] =	ssyncset.done $0x0  }
0x2af: {  	[sflag:s19] =	ssyncadd.s32 $0xFFFFFC00  }
0x2b0: {  	_ =	swait.ge [sflag:s18], $0x400  }
0x2b1: {  	[sflag:s18] =	ssyncset.done $0x0  }
0x2b2: {  	[sflag:s18] =	ssyncadd.s32 $0xFFFFFC00  }
0x2b3: {  	_ =	swait.ge [sflag:s19], $0x400  }
0x2b4: {  	[sflag:s19] =	ssyncset.done $0x0  }
0x2b5: {  	[sflag:s19] =	ssyncadd.s32 $0xFFFFFC00  }
0x2b6: {  	_ =	swait.ge [sflag:s18], $0x400  }
0x2b7: {  	[sflag:s18] =	ssyncset.done $0x0  }
0x2b8: {  	[sflag:s18] =	ssyncadd.s32 $0xFFFFFC00  }
0x2b9: {  	_ =	swait.ge [sflag:s19], $0x400  }
0x2ba: {  	[sflag:s19] =	ssyncset.done $0x0  }
0x2bb: {  	[sflag:s19] =	ssyncadd.s32 $0xFFFFFC00  }
0x2bc: {  	_ =	swait.ge [sflag:s18], $0x400  }
0x2bd: {  	[sflag:s18] =	ssyncset.done $0x0  }
0x2be: {  	[sflag:s18] =	ssyncadd.s32 $0xFFFFFC00  }
0x2bf: {  	_ =	swait.ge [sflag:s19], $0x400  }
0x2c0: {  	[sflag:s19] =	ssyncset.done $0x0  }
0x2c1: {  	[sflag:s19] =	ssyncadd.s32 $0xFFFFFC00  }
0x2c2: {  	_ =	swait.ge [sflag:s18], $0x400  }
0x2c3: {  	[sflag:s18] =	ssyncset.done $0x0  }
0x2c4: {  	[sflag:s18] =	ssyncadd.s32 $0xFFFFFC00  }
0x2c5: {  	_ =	swait.ge [sflag:s19], $0x400  }
0x2c6: {  	[sflag:s19] =	ssyncset.done $0x0  }
0x2c7: {  	[sflag:s19] =	ssyncadd.s32 $0xFFFFFC00  }
0x2c8: {  	_ =	swait.ge [sflag:s18], $0x400  }
0x2c9: {  	[sflag:s18] =	ssyncset.done $0x0  }
0x2ca: {  	[sflag:s18] =	ssyncadd.s32 $0xFFFFFC00  }
0x2cb: {  	_ =	swait.ge [sflag:s19], $0x400  }
0x2cc: {  	[sflag:s19] =	ssyncset.done $0x0  }
0x2cd: {  	[sflag:s19] =	ssyncadd.s32 $0xFFFFFC00  }
0x2ce: {  	_ =	swait.ge [sflag:s18], $0x400  }
0x2cf: {  	[sflag:s18] =	ssyncset.done $0x0  }
0x2d0: {  	[sflag:s18] =	ssyncadd.s32 $0xFFFFFC00  }
0x2d1: {  	_ =	swait.ge [sflag:s19], $0x400  }
0x2d2: {  	[sflag:s19] =	ssyncset.done $0x0  }
0x2d3: {  	[sflag:s19] =	ssyncadd.s32 $0xFFFFFC00  }
0x2d4: {  	v2 =	vld [tilespmem:s1+$0x400]  }
0x2d5: {  	v1 =	vld [tilespmem:s1+$0x600];
	_ =	sdelay $0x3  }
0x2d6: {  	v2 =	vshll.u32 v2, $0x7  }
0x2d7: {  	v1 =	vshll.u32 v1, $0x7;
	v2 =	vadd.s32 v0, v2  }
0x2d8: {  	v1 =	vadd.s32 v0, v1  }
0x2d9: {  	v3 =	vor.u32 $0x4, v1  }
0x2da: {  	v20 =	vor.u32 $0x6, v1  }
0x2db: {  	v21 =	vor.u32 $0x1, v2  }
0x2dc: {  	v22 =	vor.u32 $0x9, v1;
	v34 =	vld.idx.msk [tilespmem:v2+s5+$0x0], $0xffff  }
0x2dd: {  	v23 =	vor.u32 $0x3, v2;
	v41 =	vld.idx.msk [tilespmem:v1+s6+$0x0], $0xffff  }
0x2de: {  	v24 =	vor.u32 $0xA, v1;
	v3 =	vld.idx.msk [tilespmem:v3+s6+$0x0], $0xffff  }
0x2df: {  	v25 =	vor.u32 $0xB, v1;
	v4 =	vld.idx.msk [tilespmem:v20+s6+$0x0], $0xffff  }
0x2e0: {  	v26 =	vor.u32 $0x8, v1;
	v5 =	vld.idx.msk [tilespmem:v21+s5+$0x0], $0xffff  }
0x2e1: {  	v27 =	vor.u32 $0x7, v1;
	v6 =	vld.idx.msk [tilespmem:v22+s6+$0x0], $0xffff  }
0x2e2: {  	v28 =	vor.u32 $0x2, v2;
	v7 =	vld.idx.msk [tilespmem:v23+s5+$0x0], $0xffff  }
0x2e3: {  	v29 =	vor.u32 $0x5, v2;
	v8 =	vld.idx.msk [tilespmem:v24+s6+$0x0], $0xffff  }
0x2e4: {  	v30 =	vor.u32 $0x4, v2;
	v9 =	vld.idx.msk [tilespmem:v25+s6+$0x0], $0xffff  }
0x2e5: {  	v31 =	vor.u32 $0x5, v1;
	v10 =	vld.idx.msk [tilespmem:v26+s6+$0x0], $0xffff  }
0x2e6: {  	v32 =	vor.u32 $0x7, v2;
	v11 =	vld.idx.msk [tilespmem:v27+s6+$0x0], $0xffff  }
0x2e7: {  	v33 =	vor.u32 $0x3, v1;
	v12 =	vld.idx.msk [tilespmem:v28+s5+$0x0], $0xffff  }
0x2e8: {  	v35 =	vor.u32 $0x6, v2;
	v13 =	vld.idx.msk [tilespmem:v29+s5+$0x0], $0xffff  }
0x2e9: {  	v36 =	vor.u32 $0x1, v1;
	v14 =	vld.idx.msk [tilespmem:v30+s5+$0x0], $0xffff  }
0x2ea: {  	v37 =	vor.u32 $0x2, v1;
	v15 =	vld.idx.msk [tilespmem:v31+s6+$0x0], $0xffff  }
0x2eb: {  	v38 =	vor.u32 $0x9, v2;
	v16 =	vld.idx.msk [tilespmem:v32+s5+$0x0], $0xffff  }
0x2ec: {  	v39 =	vor.u32 $0xD, v1;
	v17 =	vld.idx.msk [tilespmem:v33+s6+$0x0], $0xffff  }
0x2ed: {  	v40 =	vor.u32 $0x8, v2;
	v19 =	vld.idx.msk [tilespmem:v35+s5+$0x0], $0xffff  }
0x2ee: {  	v42 =	vor.u32 $0xC, v1;
	v20 =	vld.idx.msk [tilespmem:v36+s6+$0x0], $0xffff  }
0x2ef: {  	v43 =	vor.u32 $0xB, v2;
	v21 =	vld.idx.msk [tilespmem:v37+s6+$0x0], $0xffff  }
0x2f0: {  	v44 =	vor.u32 $0xE, v1;
	v22 =	vld.idx.msk [tilespmem:v38+s5+$0x0], $0xffff  }
0x2f1: {  	v45 =	vor.u32 $0xA, v2;
	v23 =	vld.idx.msk [tilespmem:v39+s6+$0x0], $0xffff  }
0x2f2: {  	v46 =	vor.u32 $0xD, v2;
	v24 =	vld.idx.msk [tilespmem:v40+s5+$0x0], $0xffff  }
0x2f3: {  	v48 =	vor.u32 $0xC, v2;
	v47 =	vld.idx.msk [tilespmem:v42+s6+$0x0], $0xffff;
	v18 =	vmul.f32 v41, v34;
	v5 =	vmul.f32 v20, v5  }
0x2f4: {  	v50 =	vor.u32 $0xE, v2;
	v49 =	vld.idx.msk [tilespmem:v43+s5+$0x0], $0xffff;
	v7 =	vmul.f32 v17, v7;
	v12 =	vmul.f32 v21, v12  }
0x2f5: {  	v1 =	vor.u32 $0xF, v1;
	v2 =	vor.u32 $0xF, v2;
	v51 =	vld.idx.msk [tilespmem:v44+s6+$0x0], $0xffff;
	v52 =	vmul.f32 v15, v13  }
0x2f6: {  	v53 =	vld.idx.msk [tilespmem:v45+s5+$0x0], $0xffff;
	v3 =	vmul.f32 v3, v14;
	v5 =	vadd.f32 v7, v5;
	v12 =	vadd.f32 v12, v18  }
0x2f7: {  	v55 =	vld.idx.msk [tilespmem:v46+s5+$0x0], $0xffff;
	v54 =	vmul.f32 v11, v16  }
0x2f8: {  	v56 =	vld.idx.msk [tilespmem:v48+s5+$0x0], $0xffff;
	v4 =	vmul.f32 v4, v19;
	v5 =	vadd.f32 v52, v5;
	v3 =	vadd.f32 v3, v12  }
0x2f9: {  	v57 =	vld.idx.msk [tilespmem:v50+s5+$0x0], $0xffff;
	v6 =	vmul.f32 v6, v22  }
0x2fa: {  	v1 =	vld.idx.msk [tilespmem:v1+s6+$0x0], $0xffff;
	v58 =	vmul.f32 v10, v24;
	v5 =	vadd.f32 v54, v5;
	v3 =	vadd.f32 v4, v3  }
0x2fb: {  	v2 =	vld.idx.msk [tilespmem:v2+s5+$0x0], $0xffff;
	v59 =	vmul.f32 v9, v49  }
0x2fc: {  	v60 =	vmul.f32 v8, v53;
	v5 =	vadd.f32 v6, v5;
	v3 =	vadd.f32 v58, v3  }
0x2fd: {  	v61 =	vmul.f32 v23, v55  }
0x2fe: {  	v62 =	vmul.f32 v47, v56;
	v5 =	vadd.f32 v59, v5;
	v3 =	vadd.f32 v60, v3  }
0x2ff: {  	v63 =	vmul.f32 v51, v57  }
0x300: {  	v1 =	vmul.f32 v1, v2;
	v5 =	vadd.f32 v61, v5;
	v3 =	vadd.f32 v62, v3;
	_ =	sdelay $0x1  }
0x301: {  	v2 =	vadd.f32 v63, v3;
	v1 =	vadd.f32 v1, v5;
	_ =	sdelay $0x1  }
0x302: {  	s28 =	sld [smem:$0x7FB];
	v1 =	vadd.f32 v1, v2  }
0x303: {  	s29 =	simm.s32 $0x8800  }
0x304: {  	s4 =	simm.s32 $0x80;
	s5 =	simm.s32 $0x400;
	s6 =	simm.s32 $0x3;
	[tilespmem:s1+$0x8800] =	vst v1  }
0x305: {  	[hbm4b:s28+s4] =	stream.strided.scatter [tilespmem:s29], [sflag:$0x3], $0x200, s5, s4, $0x38;
	[tilespmem:$0x8A00] =	vst v63  }
0x306: {  	_ =	swait.ge [sflag:s6], $0x200  }
0x307: {  	s30 =	sld [smem:$0x7F6]  }
0x308: {  	s31 =	sld [smem:$0x7FC];
	_ =	sdelay $0x1  }
0x309: {  	s7 =	sadd.s32 $0x1, s30  }
0x30a: {  	p0 =	sne.s32 s7, s31  }
.Ltmp1:
0x30b: {  	_ = 	snop;
	(pc) =	sbr.rel @p0 .LBB2_1-.Ltmp1, $3  }
0x30c: {  	_ =	sdelay $0x1  }
0x30d: {  	[sflag:s6] =	ssyncset.done $0x0  }
0x30e: {  	[sflag:s6] =	ssyncadd.s32 $0xFFFFFE00  }
0x30f: {  	_ =	sfence.sel $0x180000  }
0x310: {  	[bflag:$0x0] =	sbarrier.arrive $0xFFFF  }
0x311: {  	_ =	strace $0x90000047  }
0x312: {  	s0 =	stileid.u32;
	[bflag:$0x2] =	sbarrier.arrive $0xFFFF  }
0x313: {  	p0 =	sne.s32 s0, $0x0;
	s0 =	rddreg [dreg:$0x2]  }
0x314: {  	s0 =	sadd.s32 @!p0 $0x100000, s0  }
0x315: {  	[sflag:s0] =	ssyncadd.tile.s32 @!p0 $0x1;
	_ =	shalt  }
.Lfunc_end2:
_tile_overlayer_lowered:
.L_overlay_start_2:
0x316: {  	(tag) =	ssettag $0x2  }
0x317: {  	s0 =	rddreg [dreg:$0x0];
	s2 =	stileid.u32  }
0x318: {  	s1 =	rddreg [dreg:$0x1];
	p0 =	sne.s32 s2, $0x0  }
0x319: {  	s3 =	rddreg [dreg:$0x2];
	[bflag:$0x3] =	sbarrier.arrive $0xFFFF;
	s2 =	simm.s32 @!p0 $0x1C03  }
0x31a: {  	[timem:s3], [sflag:s2] =	dma.local @!p0 [hbm:s0], s1  }
0x31b: {  	s0 =	simm.s32 @!p0 $0x3  }
0x31c: {  	_ =	swait.ge @!p0 [sflag:s0], s1  }
0x31d: {  	s1 =	ssub.s32 @!p0 $0x0, s1;
	[sflag:s0] =	ssyncset.done @!p0 $0x0  }
0x31e: {  	[sflag:s0] =	ssyncadd.s32 @!p0 s1  }
0x31f: {  	[bflag:$0x3] =	sbarrier.arrive $0xFFFF  }
0x320: {  	_ =	shalt  }

</sc_bundles>
